<compile_context>
chip_gen: v7x
topology: tpu7x:2x2x1
jax: 0.10.2.dev20260603
libtpu: 0.0.44.dev20260713+nightly
codegen_flags: <defaults>
</compile_context>

<pallas_src>
import functools

import jax
import jax.numpy as jnp
from jax import lax
from jax.experimental import pallas as pl
from jax.experimental.pallas import tpu as pltpu
from jax.experimental.pallas import tpu_sc as plsc

_LANES = 16
_NC = 2
_NS = 16
_NW = _NC * _NS
_CHUNK = 128
_EPS = 1e-12


def _allsum16(x):
    idx = jnp.arange(_LANES, dtype=jnp.int32)
    for shift in (8, 4, 2, 1):
        perm = (idx + shift) & (_LANES - 1)
        x = x + x.at[perm].get(mode="promise_in_bounds")
    return x


def _rsqrt16(x):
    i = lax.bitcast_convert_type(x, jnp.int32)
    i = jnp.int32(0x5F3759DF) - (i >> 1)
    y = lax.bitcast_convert_type(i, jnp.float32)
    for _ in range(2):
        y = y * (1.5 - 0.5 * x * y * y)
    return y


@functools.lru_cache(maxsize=None)
def _make_sc_call(n_rows: int, hid: int):
    assert hid % _LANES == 0
    nblk = hid // _LANES
    assert n_rows % (_NW * _CHUNK) == 0
    rpw = n_rows // _NW
    nch = rpw // _CHUNK
    assert nch % 2 == 0

    mesh = plsc.VectorSubcoreMesh(core_axis_name="c", subcore_axis_name="s")

    @functools.partial(
        pl.kernel,
        mesh=mesh,
        out_type=jax.ShapeDtypeStruct((n_rows, hid), jnp.float32),
        scratch_types=[
            pltpu.VMEM((rpw,), jnp.int32),
            pltpu.VMEM((rpw,), jnp.int32),
            pltpu.VMEM((2, _CHUNK, hid), jnp.float32),
            pltpu.VMEM((2, _CHUNK, hid), jnp.float32),
            pltpu.VMEM((2, _CHUNK, hid), jnp.float32),
            pltpu.VMEM((2, hid), jnp.float32),
            pltpu.SemaphoreType.DMA,
            pltpu.SemaphoreType.DMA,
            pltpu.SemaphoreType.DMA,
            pltpu.SemaphoreType.DMA,
            pltpu.SemaphoreType.DMA,
            pltpu.SemaphoreType.DMA,
        ],
    )
    def sc_call(ids_hbm, cidx_hbm, word_hbm, combo_hbm, gamma_hbm, beta_hbm,
                out_hbm, widx_v, cidx_v, wbuf, cbuf, obuf, gb_v,
                sw0, sw1, sk0, sk1, so0, so1):
        sw = [sw0, sw1]
        sk = [sk0, sk1]
        so = [so0, so1]
        wid = lax.axis_index("s") * _NC + lax.axis_index("c")
        base0 = wid * rpw
        pltpu.sync_copy(ids_hbm.at[pl.ds(base0, rpw)], widx_v)
        pltpu.sync_copy(cidx_hbm.at[pl.ds(base0, rpw)], cidx_v)
        pltpu.sync_copy(gamma_hbm, gb_v.at[0])
        pltpu.sync_copy(beta_hbm, gb_v.at[1])
        gvec = [gb_v[0, pl.ds(j * _LANES, _LANES)] for j in range(nblk)]
        bvec = [gb_v[1, pl.ds(j * _LANES, _LANES)] for j in range(nblk)]

        def g_copies(s, g):
            return (
                pltpu.make_async_copy(
                    word_hbm.at[widx_v.at[pl.ds(g * _CHUNK, _CHUNK)]],
                    wbuf.at[s], sw[s]),
                pltpu.make_async_copy(
                    combo_hbm.at[cidx_v.at[pl.ds(g * _CHUNK, _CHUNK)]],
                    cbuf.at[s], sk[s]),
            )

        def o_copy(s, g):
            return pltpu.make_async_copy(
                obuf.at[s], out_hbm.at[pl.ds(base0 + g * _CHUNK, _CHUNK)],
                so[s])

        def g_start(s, g):
            for c in g_copies(s, g):
                c.start()

        def g_wait(s, g):
            for c in g_copies(s, g):
                c.wait()

        def compute(s):
            wb = wbuf.at[s]
            cb = cbuf.at[s]
            ob = obuf.at[s]

            def row_body(r2, rc):
                for u in range(2):
                    r = r2 * 2 + u
                    vs = []
                    acc_s = jnp.zeros((_LANES,), jnp.float32)
                    acc_q = jnp.zeros((_LANES,), jnp.float32)
                    for j in range(nblk):
                        v = (wb[r, pl.ds(j * _LANES, _LANES)]
                             + cb[r, pl.ds(j * _LANES, _LANES)])
                        vs.append(v)
                        acc_s = acc_s + v
                        acc_q = acc_q + v * v
                    inv_n = jnp.float32(1.0 / hid)
                    meanv = _allsum16(acc_s) * inv_n
                    varv = _allsum16(acc_q) * inv_n - meanv * meanv
                    rstd = _rsqrt16(varv + _EPS)
                    for j in range(nblk):
                        o = (vs[j] - meanv) * rstd * gvec[j] + bvec[j]
                        ob[r, pl.ds(j * _LANES, _LANES)] = o
                return rc

            lax.fori_loop(0, _CHUNK // 2, row_body, 0)

        g_start(0, 0)

        def body(i, carry):
            ca = 2 * i
            cb_ = 2 * i + 1
            g_start(1, cb_)
            g_wait(0, ca)

            @pl.when(i > 0)
            def _():
                o_copy(0, ca - 2).wait()

            compute(0)
            o_copy(0, ca).start()

            @pl.when(i + 1 < nch // 2)
            def _():
                g_start(0, ca + 2)

            g_wait(1, cb_)

            @pl.when(i > 0)
            def _():
                o_copy(1, cb_ - 2).wait()

            compute(1)
            o_copy(1, cb_).start()
            return carry

        lax.fori_loop(0, nch // 2, body, 0)
        o_copy(0, nch - 2).wait()
        o_copy(1, nch - 1).wait()

    return sc_call


def kernel(input_ids, token_type_ids, word_emb, type_emb, pos_emb, gamma, beta):
    B, L = input_ids.shape
    vocab, hid = word_emb.shape
    n = B * L
    ids_flat = input_ids.reshape(n).astype(jnp.int32)
    pos_ids = jnp.arange(L, dtype=jnp.int32)
    cidx = (token_type_ids.astype(jnp.int32) * L
            + pos_ids[None, :]).reshape(n)
    combo = (type_emb[:, None, :] + pos_emb[None, :L, :]).reshape(-1, hid)
    sc_call = _make_sc_call(n, hid)
    out = sc_call(ids_flat, cidx, word_emb, combo,
                  gamma.astype(jnp.float32), beta.astype(jnp.float32))
    return out.reshape(B, L, hid)

# --- scband reference (transcript-rebuilt; emitter-appended) ---
"""Pipeline reference for scband-bertsimple-embeddings-77541339562319 (READ-ONLY COPY).

The authoritative reference and input builder live on the scoring server;
editing this copy changes nothing except your own understanding.
"""

import jax, jax.numpy as jnp
import numpy as np

VOCAB = 100000
HID = 128
TYPE_VOCAB = 2
MAX_POS = 512
B = 1024
L = 200
EPS = 1e-12


def setup_inputs(seed: int = 0) -> dict:
    key = jax.random.key(seed)
    k1, k2, k3, k4, k5 = jax.random.split(key, 5)
    input_ids = jax.random.randint(k1, (B, L), 0, VOCAB)
    token_type_ids = jax.random.randint(k2, (B, L), 0, TYPE_VOCAB)
    # pretrained word embedding table (frozen in original module)
    word_emb = jax.random.normal(k3, (VOCAB, HID), dtype=jnp.float32)
    # learned type/position tables, init normal(0, initializer_range=0.02)
    type_emb = jax.random.normal(k4, (TYPE_VOCAB, HID), dtype=jnp.float32) * 0.02
    pos_emb = jax.random.normal(k5, (MAX_POS, HID), dtype=jnp.float32) * 0.02
    # BERTLayerNorm params
    gamma = jnp.ones((HID,), dtype=jnp.float32)
    beta = jnp.zeros((HID,), dtype=jnp.float32)
    return {
        "input_ids": input_ids,
        "token_type_ids": token_type_ids,
        "word_emb": word_emb,
        "type_emb": type_emb,
        "pos_emb": pos_emb,
        "gamma": gamma,
        "beta": beta,
    }


def reference(input_ids, token_type_ids, word_emb, type_emb, pos_emb, gamma, beta):
    seq_length = input_ids.shape[1]
    position_ids = jnp.broadcast_to(jnp.arange(seq_length, dtype=input_ids.dtype)[None, :], input_ids.shape)
    words_embeddings = jnp.take(word_emb, input_ids, axis=0)
    embeddings = words_embeddings
    embeddings = embeddings + jnp.take(type_emb, token_type_ids, axis=0)
    embeddings = embeddings + jnp.take(pos_emb, position_ids, axis=0)
    # BERTLayerNorm
    mean = jnp.mean(embeddings, axis=-1, keepdims=True)
    var = jnp.mean((embeddings - mean) ** 2, axis=-1, keepdims=True)
    normed = (embeddings - mean) / jnp.sqrt(var + EPS)
    out = normed * gamma + beta
    # dropout is identity in eval mode
    return out

if __name__ == "__main__":
    import jax
    _d = setup_inputs()
    print(jax.jit(kernel)(*tuple(_d.values())))

</pallas_src>

<mosaic_0001>
#map = affine_map<(d0, d1) -> (0)>
#map1 = affine_map<(d0, d1) -> (0, 0)>
module attributes {stable_mosaic.version = 14 : i64} {
  func.func @sc_call(%arg0: i32, %arg1: i32, %arg2: memref<204800xi32, #tpu.memory_space<hbm>>, %arg3: memref<204800xi32, #tpu.memory_space<hbm>>, %arg4: memref<100000x128xf32, #tpu.memory_space<hbm>>, %arg5: memref<400x128xf32, #tpu.memory_space<hbm>>, %arg6: memref<128xf32, #tpu.memory_space<hbm>>, %arg7: memref<128xf32, #tpu.memory_space<hbm>>, %arg8: memref<204800x128xf32, #tpu.memory_space<hbm>>, %arg9: memref<6400xi32, #tpu.memory_space<vmem>>, %arg10: memref<6400xi32, #tpu.memory_space<vmem>>, %arg11: memref<2x128x128xf32, #tpu.memory_space<vmem>>, %arg12: memref<2x128x128xf32, #tpu.memory_space<vmem>>, %arg13: memref<2x128x128xf32, #tpu.memory_space<vmem>>, %arg14: memref<2x128xf32, #tpu.memory_space<vmem>>, %arg15: memref<!tpu.dma_semaphore, #tpu.memory_space<semaphore_mem>>, %arg16: memref<!tpu.dma_semaphore, #tpu.memory_space<semaphore_mem>>, %arg17: memref<!tpu.dma_semaphore, #tpu.memory_space<semaphore_mem>>, %arg18: memref<!tpu.dma_semaphore, #tpu.memory_space<semaphore_mem>>, %arg19: memref<!tpu.dma_semaphore, #tpu.memory_space<semaphore_mem>>, %arg20: memref<!tpu.dma_semaphore, #tpu.memory_space<semaphore_mem>>) attributes {dimension_semantics = [#tpu.dimension_semantics<core_parallel>, #tpu.dimension_semantics<subcore_parallel>], iteration_bounds = array<i64: 2, 16>, scalar_prefetch = 0 : i64, scratch_operands = 12 : i64, tpu.core_type = #tpu.core_type<sc_vector_subcore>, window_params = [{transform_indices = #map}, {transform_indices = #map}, {transform_indices = #map1}, {transform_indices = #map1}, {transform_indices = #map}, {transform_indices = #map}, {transform_indices = #map1}]} {
    %mul3A = arith.constant 2 : i32
    %mul3A_0 = arith.muli %arg1, %mul3A : i32
    %add3A = arith.addi %mul3A_0, %arg0 : i32
    %mul3A_1 = arith.constant 6400 : i32
    %mul3A_2 = arith.muli %add3A, %mul3A_1 : i32
    "tpu.region"() ({
      %run_scoped3A_136 = tpu.sem_alloc : memref<!tpu.dma_semaphore, #tpu.memory_space<semaphore_mem>>
      %dma_start3A_137 = tpu.memref_slice %arg2[%mul3A_2] : memref<204800xi32, #tpu.memory_space<hbm>> -> memref<6400xi32, #tpu.memory_space<hbm>>
      %dma_start3A_138 = tpu.memref_slice %arg2[%mul3A_2] : memref<204800xi32, #tpu.memory_space<hbm>> -> memref<6400xi32, #tpu.memory_space<hbm>>
      tpu.enqueue_dma source(%dma_start3A_138 : memref<6400xi32, #tpu.memory_space<hbm>>) target(%arg9 : memref<6400xi32, #tpu.memory_space<vmem>>) target_semaphore(%run_scoped3A_136 : memref<!tpu.dma_semaphore, #tpu.memory_space<semaphore_mem>>)
      %dma_wait3A_139 = tpu.memref_slice %arg2[%mul3A_2] : memref<204800xi32, #tpu.memory_space<hbm>> -> memref<6400xi32, #tpu.memory_space<hbm>>
      %dma_wait3A_140 = tpu.memref_slice %arg2[%mul3A_2] : memref<204800xi32, #tpu.memory_space<hbm>> -> memref<6400xi32, #tpu.memory_space<hbm>>
      tpu.wait_dma2 semaphore(%run_scoped3A_136 : memref<!tpu.dma_semaphore, #tpu.memory_space<semaphore_mem>>) src(%dma_wait3A_140 : memref<6400xi32, #tpu.memory_space<hbm>>) dst(%arg9 : memref<6400xi32, #tpu.memory_space<vmem>>)
      tpu.yield
    }) : () -> ()
    "tpu.region"() ({
      %run_scoped3A_136 = tpu.sem_alloc : memref<!tpu.dma_semaphore, #tpu.memory_space<semaphore_mem>>
      %dma_start3A_137 = tpu.memref_slice %arg3[%mul3A_2] : memref<204800xi32, #tpu.memory_space<hbm>> -> memref<6400xi32, #tpu.memory_space<hbm>>
      %dma_start3A_138 = tpu.memref_slice %arg3[%mul3A_2] : memref<204800xi32, #tpu.memory_space<hbm>> -> memref<6400xi32, #tpu.memory_space<hbm>>
      tpu.enqueue_dma source(%dma_start3A_138 : memref<6400xi32, #tpu.memory_space<hbm>>) target(%arg10 : memref<6400xi32, #tpu.memory_space<vmem>>) target_semaphore(%run_scoped3A_136 : memref<!tpu.dma_semaphore, #tpu.memory_space<semaphore_mem>>)
      %dma_wait3A_139 = tpu.memref_slice %arg3[%mul3A_2] : memref<204800xi32, #tpu.memory_space<hbm>> -> memref<6400xi32, #tpu.memory_space<hbm>>
      %dma_wait3A_140 = tpu.memref_slice %arg3[%mul3A_2] : memref<204800xi32, #tpu.memory_space<hbm>> -> memref<6400xi32, #tpu.memory_space<hbm>>
      tpu.wait_dma2 semaphore(%run_scoped3A_136 : memref<!tpu.dma_semaphore, #tpu.memory_space<semaphore_mem>>) src(%dma_wait3A_140 : memref<6400xi32, #tpu.memory_space<hbm>>) dst(%arg10 : memref<6400xi32, #tpu.memory_space<vmem>>)
      tpu.yield
    }) : () -> ()
    %run_scoped3A = arith.constant 0 : i32
    "tpu.region"() ({
      %run_scoped3A_136 = tpu.sem_alloc : memref<!tpu.dma_semaphore, #tpu.memory_space<semaphore_mem>>
      %dma_start3A_137 = arith.constant 0 : i32
      %dma_start3A_138 = tpu.memref_slice %arg14[%run_scoped3A, %dma_start3A_137] : memref<2x128xf32, #tpu.memory_space<vmem>> -> memref<1x128xf32, #tpu.memory_space<vmem>>
      %dma_start3A_139 = tpu.memref_squeeze %dma_start3A_138 : memref<1x128xf32, #tpu.memory_space<vmem>> -> memref<128xf32, #tpu.memory_space<vmem>>
      %dma_start3A_140 = arith.constant 0 : i32
      %dma_start3A_141 = tpu.memref_slice %arg14[%run_scoped3A, %dma_start3A_140] : memref<2x128xf32, #tpu.memory_space<vmem>> -> memref<1x128xf32, #tpu.memory_space<vmem>>
      %dma_start3A_142 = tpu.memref_squeeze %dma_start3A_141 : memref<1x128xf32, #tpu.memory_space<vmem>> -> memref<128xf32, #tpu.memory_space<vmem>>
      tpu.enqueue_dma source(%arg6 : memref<128xf32, #tpu.memory_space<hbm>>) target(%dma_start3A_142 : memref<128xf32, #tpu.memory_space<vmem>>) target_semaphore(%run_scoped3A_136 : memref<!tpu.dma_semaphore, #tpu.memory_space<semaphore_mem>>)
      %dma_wait3A_143 = arith.constant 0 : i32
      %dma_wait3A_144 = tpu.memref_slice %arg14[%run_scoped3A, %dma_wait3A_143] : memref<2x128xf32, #tpu.memory_space<vmem>> -> memref<1x128xf32, #tpu.memory_space<vmem>>
      %dma_wait3A_145 = tpu.memref_squeeze %dma_wait3A_144 : memref<1x128xf32, #tpu.memory_space<vmem>> -> memref<128xf32, #tpu.memory_space<vmem>>
      %dma_wait3A_146 = arith.constant 0 : i32
      %dma_wait3A_147 = tpu.memref_slice %arg14[%run_scoped3A, %dma_wait3A_146] : memref<2x128xf32, #tpu.memory_space<vmem>> -> memref<1x128xf32, #tpu.memory_space<vmem>>
      %dma_wait3A_148 = tpu.memref_squeeze %dma_wait3A_147 : memref<1x128xf32, #tpu.memory_space<vmem>> -> memref<128xf32, #tpu.memory_space<vmem>>
      tpu.wait_dma2 semaphore(%run_scoped3A_136 : memref<!tpu.dma_semaphore, #tpu.memory_space<semaphore_mem>>) src(%arg6 : memref<128xf32, #tpu.memory_space<hbm>>) dst(%dma_wait3A_148 : memref<128xf32, #tpu.memory_space<vmem>>)
      tpu.yield
    }) : () -> ()
    %run_scoped3A_3 = arith.constant 1 : i32
    "tpu.region"() ({
      %run_scoped3A_136 = tpu.sem_alloc : memref<!tpu.dma_semaphore, #tpu.memory_space<semaphore_mem>>
      %dma_start3A_137 = arith.constant 0 : i32
      %dma_start3A_138 = tpu.memref_slice %arg14[%run_scoped3A_3, %dma_start3A_137] : memref<2x128xf32, #tpu.memory_space<vmem>> -> memref<1x128xf32, #tpu.memory_space<vmem>>
      %dma_start3A_139 = tpu.memref_squeeze %dma_start3A_138 : memref<1x128xf32, #tpu.memory_space<vmem>> -> memref<128xf32, #tpu.memory_space<vmem>>
      %dma_start3A_140 = arith.constant 0 : i32
      %dma_start3A_141 = tpu.memref_slice %arg14[%run_scoped3A_3, %dma_start3A_140] : memref<2x128xf32, #tpu.memory_space<vmem>> -> memref<1x128xf32, #tpu.memory_space<vmem>>
      %dma_start3A_142 = tpu.memref_squeeze %dma_start3A_141 : memref<1x128xf32, #tpu.memory_space<vmem>> -> memref<128xf32, #tpu.memory_space<vmem>>
      tpu.enqueue_dma source(%arg7 : memref<128xf32, #tpu.memory_space<hbm>>) target(%dma_start3A_142 : memref<128xf32, #tpu.memory_space<vmem>>) target_semaphore(%run_scoped3A_136 : memref<!tpu.dma_semaphore, #tpu.memory_space<semaphore_mem>>)
      %dma_wait3A_143 = arith.constant 0 : i32
      %dma_wait3A_144 = tpu.memref_slice %arg14[%run_scoped3A_3, %dma_wait3A_143] : memref<2x128xf32, #tpu.memory_space<vmem>> -> memref<1x128xf32, #tpu.memory_space<vmem>>
      %dma_wait3A_145 = tpu.memref_squeeze %dma_wait3A_144 : memref<1x128xf32, #tpu.memory_space<vmem>> -> memref<128xf32, #tpu.memory_space<vmem>>
      %dma_wait3A_146 = arith.constant 0 : i32
      %dma_wait3A_147 = tpu.memref_slice %arg14[%run_scoped3A_3, %dma_wait3A_146] : memref<2x128xf32, #tpu.memory_space<vmem>> -> memref<1x128xf32, #tpu.memory_space<vmem>>
      %dma_wait3A_148 = tpu.memref_squeeze %dma_wait3A_147 : memref<1x128xf32, #tpu.memory_space<vmem>> -> memref<128xf32, #tpu.memory_space<vmem>>
      tpu.wait_dma2 semaphore(%run_scoped3A_136 : memref<!tpu.dma_semaphore, #tpu.memory_space<semaphore_mem>>) src(%arg7 : memref<128xf32, #tpu.memory_space<hbm>>) dst(%dma_wait3A_148 : memref<128xf32, #tpu.memory_space<vmem>>)
      tpu.yield
    }) : () -> ()
    %get3A = arith.constant 0 : i32
    %get3A_4 = arith.index_cast %get3A : i32 to index
    %get3A_5 = arith.constant 0 : index
    %get3A_6 = tpu.vector_load %arg14[%get3A_4, %get3A_5] {strides = array<i32>} : memref<2x128xf32, #tpu.memory_space<vmem>>, vector<1x16xf32>,
    %get3A_7 = vector.shape_cast %get3A_6 : vector<1x16xf32> to vector<16xf32>
    %get3A_8 = arith.constant 0 : i32
    %get3A_9 = arith.index_cast %get3A_8 : i32 to index
    %get3A_10 = arith.constant 16 : index
    %get3A_11 = tpu.vector_load %arg14[%get3A_9, %get3A_10] {strides = array<i32>} : memref<2x128xf32, #tpu.memory_space<vmem>>, vector<1x16xf32>,
    %get3A_12 = vector.shape_cast %get3A_11 : vector<1x16xf32> to vector<16xf32>
    %get3A_13 = arith.constant 0 : i32
    %get3A_14 = arith.index_cast %get3A_13 : i32 to index
    %get3A_15 = arith.constant 32 : index
    %get3A_16 = tpu.vector_load %arg14[%get3A_14, %get3A_15] {strides = array<i32>} : memref<2x128xf32, #tpu.memory_space<vmem>>, vector<1x16xf32>,
    %get3A_17 = vector.shape_cast %get3A_16 : vector<1x16xf32> to vector<16xf32>
    %get3A_18 = arith.constant 0 : i32
    %get3A_19 = arith.index_cast %get3A_18 : i32 to index
    %get3A_20 = arith.constant 48 : index
    %get3A_21 = tpu.vector_load %arg14[%get3A_19, %get3A_20] {strides = array<i32>} : memref<2x128xf32, #tpu.memory_space<vmem>>, vector<1x16xf32>,
    %get3A_22 = vector.shape_cast %get3A_21 : vector<1x16xf32> to vector<16xf32>
    %get3A_23 = arith.constant 0 : i32
    %get3A_24 = arith.index_cast %get3A_23 : i32 to index
    %get3A_25 = arith.constant 64 : index
    %get3A_26 = tpu.vector_load %arg14[%get3A_24, %get3A_25] {strides = array<i32>} : memref<2x128xf32, #tpu.memory_space<vmem>>, vector<1x16xf32>,
    %get3A_27 = vector.shape_cast %get3A_26 : vector<1x16xf32> to vector<16xf32>
    %get3A_28 = arith.constant 0 : i32
    %get3A_29 = arith.index_cast %get3A_28 : i32 to index
    %get3A_30 = arith.constant 80 : index
    %get3A_31 = tpu.vector_load %arg14[%get3A_29, %get3A_30] {strides = array<i32>} : memref<2x128xf32, #tpu.memory_space<vmem>>, vector<1x16xf32>,
    %get3A_32 = vector.shape_cast %get3A_31 : vector<1x16xf32> to vector<16xf32>
    %get3A_33 = arith.constant 0 : i32
    %get3A_34 = arith.index_cast %get3A_33 : i32 to index
    %get3A_35 = arith.constant 96 : index
    %get3A_36 = tpu.vector_load %arg14[%get3A_34, %get3A_35] {strides = array<i32>} : memref<2x128xf32, #tpu.memory_space<vmem>>, vector<1x16xf32>,
    %get3A_37 = vector.shape_cast %get3A_36 : vector<1x16xf32> to vector<16xf32>
    %get3A_38 = arith.constant 0 : i32
    %get3A_39 = arith.index_cast %get3A_38 : i32 to index
    %get3A_40 = arith.constant 112 : index
    %get3A_41 = tpu.vector_load %arg14[%get3A_39, %get3A_40] {strides = array<i32>} : memref<2x128xf32, #tpu.memory_space<vmem>>, vector<1x16xf32>,
    %get3A_42 = vector.shape_cast %get3A_41 : vector<1x16xf32> to vector<16xf32>
    %get3A_43 = arith.constant 1 : i32
    %get3A_44 = arith.index_cast %get3A_43 : i32 to index
    %get3A_45 = arith.constant 0 : index
    %get3A_46 = tpu.vector_load %arg14[%get3A_44, %get3A_45] {strides = array<i32>} : memref<2x128xf32, #tpu.memory_space<vmem>>, vector<1x16xf32>,
    %get3A_47 = vector.shape_cast %get3A_46 : vector<1x16xf32> to vector<16xf32>
    %get3A_48 = arith.constant 1 : i32
    %get3A_49 = arith.index_cast %get3A_48 : i32 to index
    %get3A_50 = arith.constant 16 : index
    %get3A_51 = tpu.vector_load %arg14[%get3A_49, %get3A_50] {strides = array<i32>} : memref<2x128xf32, #tpu.memory_space<vmem>>, vector<1x16xf32>,
    %get3A_52 = vector.shape_cast %get3A_51 : vector<1x16xf32> to vector<16xf32>
    %get3A_53 = arith.constant 1 : i32
    %get3A_54 = arith.index_cast %get3A_53 : i32 to index
    %get3A_55 = arith.constant 32 : index
    %get3A_56 = tpu.vector_load %arg14[%get3A_54, %get3A_55] {strides = array<i32>} : memref<2x128xf32, #tpu.memory_space<vmem>>, vector<1x16xf32>,
    %get3A_57 = vector.shape_cast %get3A_56 : vector<1x16xf32> to vector<16xf32>
    %get3A_58 = arith.constant 1 : i32
    %get3A_59 = arith.index_cast %get3A_58 : i32 to index
    %get3A_60 = arith.constant 48 : index
    %get3A_61 = tpu.vector_load %arg14[%get3A_59, %get3A_60] {strides = array<i32>} : memref<2x128xf32, #tpu.memory_space<vmem>>, vector<1x16xf32>,
    %get3A_62 = vector.shape_cast %get3A_61 : vector<1x16xf32> to vector<16xf32>
    %get3A_63 = arith.constant 1 : i32
    %get3A_64 = arith.index_cast %get3A_63 : i32 to index
    %get3A_65 = arith.constant 64 : index
    %get3A_66 = tpu.vector_load %arg14[%get3A_64, %get3A_65] {strides = array<i32>} : memref<2x128xf32, #tpu.memory_space<vmem>>, vector<1x16xf32>,
    %get3A_67 = vector.shape_cast %get3A_66 : vector<1x16xf32> to vector<16xf32>
    %get3A_68 = arith.constant 1 : i32
    %get3A_69 = arith.index_cast %get3A_68 : i32 to index
    %get3A_70 = arith.constant 80 : index
    %get3A_71 = tpu.vector_load %arg14[%get3A_69, %get3A_70] {strides = array<i32>} : memref<2x128xf32, #tpu.memory_space<vmem>>, vector<1x16xf32>,
    %get3A_72 = vector.shape_cast %get3A_71 : vector<1x16xf32> to vector<16xf32>
    %get3A_73 = arith.constant 1 : i32
    %get3A_74 = arith.index_cast %get3A_73 : i32 to index
    %get3A_75 = arith.constant 96 : index
    %get3A_76 = tpu.vector_load %arg14[%get3A_74, %get3A_75] {strides = array<i32>} : memref<2x128xf32, #tpu.memory_space<vmem>>, vector<1x16xf32>,
    %get3A_77 = vector.shape_cast %get3A_76 : vector<1x16xf32> to vector<16xf32>
    %get3A_78 = arith.constant 1 : i32
    %get3A_79 = arith.index_cast %get3A_78 : i32 to index
    %get3A_80 = arith.constant 112 : index
    %get3A_81 = tpu.vector_load %arg14[%get3A_79, %get3A_80] {strides = array<i32>} : memref<2x128xf32, #tpu.memory_space<vmem>>, vector<1x16xf32>,
    %get3A_82 = vector.shape_cast %get3A_81 : vector<1x16xf32> to vector<16xf32>
    %dma_start3A = arith.constant 0 : i32
    %dma_start3A_83 = arith.constant 0 : i32
    %dma_start3A_84 = arith.constant 0 : i32
    %dma_start3A_85 = tpu.memref_slice %arg11[%dma_start3A, %dma_start3A_83, %dma_start3A_84] : memref<2x128x128xf32, #tpu.memory_space<vmem>> -> memref<1x128x128xf32, #tpu.memory_space<vmem>>
    %dma_start3A_86 = tpu.memref_squeeze %dma_start3A_85 : memref<1x128x128xf32, #tpu.memory_space<vmem>> -> memref<128x128xf32, #tpu.memory_space<vmem>>
    %dma_start3A_87 = arith.constant 0 : i32
    %dma_start3A_88 = tpu.memref_slice %arg9[%dma_start3A_87] : memref<6400xi32, #tpu.memory_space<vmem>> -> memref<128xi32, #tpu.memory_space<vmem>>
    %dma_start3A_89 = arith.constant 0 : i32
    %dma_start3A_90 = arith.constant 0 : i32
    %dma_start3A_91 = tpu.memref_slice %arg4[%dma_start3A_89, %dma_start3A_90] : memref<100000x128xf32, #tpu.memory_space<hbm>> -> memref<100000x128xf32, #tpu.memory_space<hbm>>
    tpu.enqueue_indirect_dma source(%dma_start3A_91 : memref<100000x128xf32, #tpu.memory_space<hbm>>) target(%dma_start3A_86 : memref<128x128xf32, #tpu.memory_space<vmem>>) offsets(%dma_start3A_88 : memref<128xi32, #tpu.memory_space<vmem>>) semaphore(%arg15 : memref<!tpu.dma_semaphore, #tpu.memory_space<semaphore_mem>>)
    %dma_start3A_92 = arith.constant 0 : i32
    %dma_start3A_93 = arith.constant 0 : i32
    %dma_start3A_94 = arith.constant 0 : i32
    %dma_start3A_95 = tpu.memref_slice %arg12[%dma_start3A_92, %dma_start3A_93, %dma_start3A_94] : memref<2x128x128xf32, #tpu.memory_space<vmem>> -> memref<1x128x128xf32, #tpu.memory_space<vmem>>
    %dma_start3A_96 = tpu.memref_squeeze %dma_start3A_95 : memref<1x128x128xf32, #tpu.memory_space<vmem>> -> memref<128x128xf32, #tpu.memory_space<vmem>>
    %dma_start3A_97 = arith.constant 0 : i32
    %dma_start3A_98 = tpu.memref_slice %arg10[%dma_start3A_97] : memref<6400xi32, #tpu.memory_space<vmem>> -> memref<128xi32, #tpu.memory_space<vmem>>
    %dma_start3A_99 = arith.constant 0 : i32
    %dma_start3A_100 = arith.constant 0 : i32
    %dma_start3A_101 = tpu.memref_slice %arg5[%dma_start3A_99, %dma_start3A_100] : memref<400x128xf32, #tpu.memory_space<hbm>> -> memref<400x128xf32, #tpu.memory_space<hbm>>
    tpu.enqueue_indirect_dma source(%dma_start3A_101 : memref<400x128xf32, #tpu.memory_space<hbm>>) target(%dma_start3A_96 : memref<128x128xf32, #tpu.memory_space<vmem>>) offsets(%dma_start3A_98 : memref<128xi32, #tpu.memory_space<vmem>>) semaphore(%arg17 : memref<!tpu.dma_semaphore, #tpu.memory_space<semaphore_mem>>)
    %scan3A = arith.constant 0 : i32
    %scan3A_102 = arith.constant 0 : i32
    %scan3A_103 = arith.constant 25 : i32
    %scan3A_104 = arith.addi %scan3A_102, %scan3A_103 : i32
    %scan3A_105 = arith.constant 1 : i32
    scf.for %scan3A_136 = %scan3A_102 to %scan3A_104 step %scan3A_105  : i32 {
      %mul3A_137 = arith.constant 2 : i32
      %mul3A_138 = arith.muli %mul3A_137, %scan3A_136 : i32
      %mul3A_139 = arith.constant 2 : i32
      %mul3A_140 = arith.muli %mul3A_139, %scan3A_136 : i32
      %add3A_141 = arith.constant 1 : i32
      %add3A_142 = arith.addi %mul3A_140, %add3A_141 : i32
      %mul3A_143 = arith.constant 128 : i32
      %mul3A_144 = arith.muli %add3A_142, %mul3A_143 : i32
      %mul3A_145 = arith.constant 128 : i32
      %mul3A_146 = arith.muli %add3A_142, %mul3A_145 : i32
      %dma_start3A_147 = arith.constant 1 : i32
      %dma_start3A_148 = arith.constant 0 : i32
      %dma_start3A_149 = arith.constant 0 : i32
      %dma_start3A_150 = tpu.memref_slice %arg11[%dma_start3A_147, %dma_start3A_148, %dma_start3A_149] : memref<2x128x128xf32, #tpu.memory_space<vmem>> -> memref<1x128x128xf32, #tpu.memory_space<vmem>>
      %dma_start3A_151 = tpu.memref_squeeze %dma_start3A_150 : memref<1x128x128xf32, #tpu.memory_space<vmem>> -> memref<128x128xf32, #tpu.memory_space<vmem>>
      %dma_start3A_152 = tpu.memref_slice %arg9[%mul3A_144] : memref<6400xi32, #tpu.memory_space<vmem>> -> memref<128xi32, #tpu.memory_space<vmem>>
      %dma_start3A_153 = arith.constant 0 : i32
      %dma_start3A_154 = arith.constant 0 : i32
      %dma_start3A_155 = tpu.memref_slice %arg4[%dma_start3A_153, %dma_start3A_154] : memref<100000x128xf32, #tpu.memory_space<hbm>> -> memref<100000x128xf32, #tpu.memory_space<hbm>>
      tpu.enqueue_indirect_dma source(%dma_start3A_155 : memref<100000x128xf32, #tpu.memory_space<hbm>>) target(%dma_start3A_151 : memref<128x128xf32, #tpu.memory_space<vmem>>) offsets(%dma_start3A_152 : memref<128xi32, #tpu.memory_space<vmem>>) semaphore(%arg16 : memref<!tpu.dma_semaphore, #tpu.memory_space<semaphore_mem>>)
      %dma_start3A_156 = arith.constant 1 : i32
      %dma_start3A_157 = arith.constant 0 : i32
      %dma_start3A_158 = arith.constant 0 : i32
      %dma_start3A_159 = tpu.memref_slice %arg12[%dma_start3A_156, %dma_start3A_157, %dma_start3A_158] : memref<2x128x128xf32, #tpu.memory_space<vmem>> -> memref<1x128x128xf32, #tpu.memory_space<vmem>>
      %dma_start3A_160 = tpu.memref_squeeze %dma_start3A_159 : memref<1x128x128xf32, #tpu.memory_space<vmem>> -> memref<128x128xf32, #tpu.memory_space<vmem>>
      %dma_start3A_161 = tpu.memref_slice %arg10[%mul3A_146] : memref<6400xi32, #tpu.memory_space<vmem>> -> memref<128xi32, #tpu.memory_space<vmem>>
      %dma_start3A_162 = arith.constant 0 : i32
      %dma_start3A_163 = arith.constant 0 : i32
      %dma_start3A_164 = tpu.memref_slice %arg5[%dma_start3A_162, %dma_start3A_163] : memref<400x128xf32, #tpu.memory_space<hbm>> -> memref<400x128xf32, #tpu.memory_space<hbm>>
      tpu.enqueue_indirect_dma source(%dma_start3A_164 : memref<400x128xf32, #tpu.memory_space<hbm>>) target(%dma_start3A_160 : memref<128x128xf32, #tpu.memory_space<vmem>>) offsets(%dma_start3A_161 : memref<128xi32, #tpu.memory_space<vmem>>) semaphore(%arg18 : memref<!tpu.dma_semaphore, #tpu.memory_space<semaphore_mem>>)
      %mul3A_165 = arith.constant 128 : i32
      %mul3A_166 = arith.muli %mul3A_138, %mul3A_165 : i32
      %mul3A_167 = arith.constant 128 : i32
      %mul3A_168 = arith.muli %mul3A_138, %mul3A_167 : i32
      %dma_wait3A_169 = arith.constant 0 : i32
      %dma_wait3A_170 = arith.constant 0 : i32
      %dma_wait3A_171 = arith.constant 0 : i32
      %dma_wait3A_172 = tpu.memref_slice %arg11[%dma_wait3A_169, %dma_wait3A_170, %dma_wait3A_171] : memref<2x128x128xf32, #tpu.memory_space<vmem>> -> memref<1x128x128xf32, #tpu.memory_space<vmem>>
      %dma_wait3A_173 = tpu.memref_squeeze %dma_wait3A_172 : memref<1x128x128xf32, #tpu.memory_space<vmem>> -> memref<128x128xf32, #tpu.memory_space<vmem>>
      %dma_wait3A_174 = tpu.memref_slice %arg9[%mul3A_166] : memref<6400xi32, #tpu.memory_space<vmem>> -> memref<128xi32, #tpu.memory_space<vmem>>
      %dma_wait3A_175 = arith.constant 0 : i32
      %dma_wait3A_176 = arith.constant 0 : i32
      %dma_wait3A_177 = tpu.memref_slice %arg4[%dma_wait3A_175, %dma_wait3A_176] : memref<100000x128xf32, #tpu.memory_space<hbm>> -> memref<100000x128xf32, #tpu.memory_space<hbm>>
      tpu.wait_indirect_dma semaphore(%arg15 : memref<!tpu.dma_semaphore, #tpu.memory_space<semaphore_mem>>) src(%dma_wait3A_177 : memref<100000x128xf32, #tpu.memory_space<hbm>>) dst(%dma_wait3A_173 : memref<128x128xf32, #tpu.memory_space<vmem>>)
      %dma_wait3A_178 = arith.constant 0 : i32
      %dma_wait3A_179 = arith.constant 0 : i32
      %dma_wait3A_180 = arith.constant 0 : i32
      %dma_wait3A_181 = tpu.memref_slice %arg12[%dma_wait3A_178, %dma_wait3A_179, %dma_wait3A_180] : memref<2x128x128xf32, #tpu.memory_space<vmem>> -> memref<1x128x128xf32, #tpu.memory_space<vmem>>
      %dma_wait3A_182 = tpu.memref_squeeze %dma_wait3A_181 : memref<1x128x128xf32, #tpu.memory_space<vmem>> -> memref<128x128xf32, #tpu.memory_space<vmem>>
      %dma_wait3A_183 = tpu.memref_slice %arg10[%mul3A_168] : memref<6400xi32, #tpu.memory_space<vmem>> -> memref<128xi32, #tpu.memory_space<vmem>>
      %dma_wait3A_184 = arith.constant 0 : i32
      %dma_wait3A_185 = arith.constant 0 : i32
      %dma_wait3A_186 = tpu.memref_slice %arg5[%dma_wait3A_184, %dma_wait3A_185] : memref<400x128xf32, #tpu.memory_space<hbm>> -> memref<400x128xf32, #tpu.memory_space<hbm>>
      tpu.wait_indirect_dma semaphore(%arg17 : memref<!tpu.dma_semaphore, #tpu.memory_space<semaphore_mem>>) src(%dma_wait3A_186 : memref<400x128xf32, #tpu.memory_space<hbm>>) dst(%dma_wait3A_182 : memref<128x128xf32, #tpu.memory_space<vmem>>)
      %gt3A = arith.constant 0 : i32
      %gt3A_187 = arith.cmpi sgt, %scan3A_136, %gt3A : i32
      %convert_element_type3A = arith.extui %gt3A_187 : i1 to i32
      %cond3A = arith.constant 0 : i32
      %cond3A_188 = arith.cmpi ne, %convert_element_type3A, %cond3A : i32
      scf.if %cond3A_188 {
        %sub3A = arith.constant 2 : i32
        %sub3A_272 = arith.subi %mul3A_138, %sub3A : i32
        %mul3A_273 = arith.constant 128 : i32
        %mul3A_274 = arith.muli %sub3A_272, %mul3A_273 : i32
        %add3A_275 = arith.addi %mul3A_2, %mul3A_274 : i32
        %dma_wait3A_276 = arith.constant 0 : i32
        %dma_wait3A_277 = arith.constant 0 : i32
        %dma_wait3A_278 = arith.constant 0 : i32
        %dma_wait3A_279 = tpu.memref_slice %arg13[%dma_wait3A_276, %dma_wait3A_277, %dma_wait3A_278] : memref<2x128x128xf32, #tpu.memory_space<vmem>> -> memref<1x128x128xf32, #tpu.memory_space<vmem>>
        %dma_wait3A_280 = tpu.memref_squeeze %dma_wait3A_279 : memref<1x128x128xf32, #tpu.memory_space<vmem>> -> memref<128x128xf32, #tpu.memory_space<vmem>>
        %dma_wait3A_281 = arith.constant 0 : i32
        %dma_wait3A_282 = tpu.memref_slice %arg8[%add3A_275, %dma_wait3A_281] : memref<204800x128xf32, #tpu.memory_space<hbm>> -> memref<128x128xf32, #tpu.memory_space<hbm>>
        %dma_wait3A_283 = arith.constant 0 : i32
        %dma_wait3A_284 = tpu.memref_slice %arg8[%add3A_275, %dma_wait3A_283] : memref<204800x128xf32, #tpu.memory_space<hbm>> -> memref<128x128xf32, #tpu.memory_space<hbm>>
        %dma_wait3A_285 = arith.constant 0 : i32
        %dma_wait3A_286 = arith.constant 0 : i32
        %dma_wait3A_287 = tpu.memref_slice %arg13[%dma_wait3A_276, %dma_wait3A_285, %dma_wait3A_286] : memref<2x128x128xf32, #tpu.memory_space<vmem>> -> memref<1x128x128xf32, #tpu.memory_space<vmem>>
        %dma_wait3A_288 = tpu.memref_squeeze %dma_wait3A_287 : memref<1x128x128xf32, #tpu.memory_space<vmem>> -> memref<128x128xf32, #tpu.memory_space<vmem>>
        tpu.wait_dma2 semaphore(%arg19 : memref<!tpu.dma_semaphore, #tpu.memory_space<semaphore_mem>>) src(%dma_wait3A_288 : memref<128x128xf32, #tpu.memory_space<vmem>>) dst(%dma_wait3A_284 : memref<128x128xf32, #tpu.memory_space<hbm>>)
      } else {
      }
      %scan3A_189 = arith.constant 0 : i32
      %scan3A_190 = arith.constant 0 : i32
      %scan3A_191 = arith.constant 0 : i32
      %scan3A_192 = arith.constant 0 : i32
      %scan3A_193 = arith.constant 0 : i32
      %scan3A_194 = arith.constant 64 : i32
      %scan3A_195 = arith.addi %scan3A_193, %scan3A_194 : i32
      %scan3A_196 = arith.constant 1 : i32
      scf.for %scan3A_272 = %scan3A_193 to %scan3A_195 step %scan3A_196  : i32 {
        %mul3A_273 = arith.constant 2 : i32
        %mul3A_274 = arith.muli %scan3A_272, %mul3A_273 : i32
        %add3A_275 = arith.constant 0 : i32
        %add3A_276 = arith.addi %mul3A_274, %add3A_275 : i32
        %broadcast_in_dim3A = arith.constant 0.000000e+00 : f32
        %broadcast_in_dim3A_277 = vector.broadcast %broadcast_in_dim3A : f32 to vector<16xf32>
        %broadcast_in_dim3A_278 = arith.constant 0.000000e+00 : f32
        %broadcast_in_dim3A_279 = vector.broadcast %broadcast_in_dim3A_278 : f32 to vector<16xf32>
        %get3A_280 = arith.constant 0 : i32
        %get3A_281 = arith.constant 0 : i32
        %get3A_282 = tpu.memref_slice %arg11[%scan3A_190, %get3A_280, %get3A_281] : memref<2x128x128xf32, #tpu.memory_space<vmem>> -> memref<1x128x128xf32, #tpu.memory_space<vmem>>
        %get3A_283 = tpu.memref_squeeze %get3A_282 : memref<1x128x128xf32, #tpu.memory_space<vmem>> -> memref<128x128xf32, #tpu.memory_space<vmem>>
        %get3A_284 = arith.index_cast %add3A_276 : i32 to index
        %get3A_285 = arith.constant 0 : index
        %get3A_286 = tpu.vector_load %get3A_283[%get3A_284, %get3A_285] {strides = array<i32>} : memref<128x128xf32, #tpu.memory_space<vmem>>, vector<1x16xf32>,
        %get3A_287 = vector.shape_cast %get3A_286 : vector<1x16xf32> to vector<16xf32>
        %get3A_288 = arith.constant 0 : i32
        %get3A_289 = arith.constant 0 : i32
        %get3A_290 = tpu.memref_slice %arg12[%scan3A_191, %get3A_288, %get3A_289] : memref<2x128x128xf32, #tpu.memory_space<vmem>> -> memref<1x128x128xf32, #tpu.memory_space<vmem>>
        %get3A_291 = tpu.memref_squeeze %get3A_290 : memref<1x128x128xf32, #tpu.memory_space<vmem>> -> memref<128x128xf32, #tpu.memory_space<vmem>>
        %get3A_292 = arith.index_cast %add3A_276 : i32 to index
        %get3A_293 = arith.constant 0 : index
        %get3A_294 = tpu.vector_load %get3A_291[%get3A_292, %get3A_293] {strides = array<i32>} : memref<128x128xf32, #tpu.memory_space<vmem>>, vector<1x16xf32>,
        %get3A_295 = vector.shape_cast %get3A_294 : vector<1x16xf32> to vector<16xf32>
        %add3A_296 = arith.addf %get3A_287, %get3A_295 : vector<16xf32>
        %add3A_297 = arith.addf %broadcast_in_dim3A_277, %add3A_296 : vector<16xf32>
        %mul3A_298 = arith.mulf %add3A_296, %add3A_296 : vector<16xf32>
        %add3A_299 = arith.addf %broadcast_in_dim3A_279, %mul3A_298 : vector<16xf32>
        %get3A_300 = arith.constant 0 : i32
        %get3A_301 = arith.constant 0 : i32
        %get3A_302 = tpu.memref_slice %arg11[%scan3A_190, %get3A_300, %get3A_301] : memref<2x128x128xf32, #tpu.memory_space<vmem>> -> memref<1x128x128xf32, #tpu.memory_space<vmem>>
        %get3A_303 = tpu.memref_squeeze %get3A_302 : memref<1x128x128xf32, #tpu.memory_space<vmem>> -> memref<128x128xf32, #tpu.memory_space<vmem>>
        %get3A_304 = arith.index_cast %add3A_276 : i32 to index
        %get3A_305 = arith.constant 16 : index
        %get3A_306 = tpu.vector_load %get3A_303[%get3A_304, %get3A_305] {strides = array<i32>} : memref<128x128xf32, #tpu.memory_space<vmem>>, vector<1x16xf32>,
        %get3A_307 = vector.shape_cast %get3A_306 : vector<1x16xf32> to vector<16xf32>
        %get3A_308 = arith.constant 0 : i32
        %get3A_309 = arith.constant 0 : i32
        %get3A_310 = tpu.memref_slice %arg12[%scan3A_191, %get3A_308, %get3A_309] : memref<2x128x128xf32, #tpu.memory_space<vmem>> -> memref<1x128x128xf32, #tpu.memory_space<vmem>>
        %get3A_311 = tpu.memref_squeeze %get3A_310 : memref<1x128x128xf32, #tpu.memory_space<vmem>> -> memref<128x128xf32, #tpu.memory_space<vmem>>
        %get3A_312 = arith.index_cast %add3A_276 : i32 to index
        %get3A_313 = arith.constant 16 : index
        %get3A_314 = tpu.vector_load %get3A_311[%get3A_312, %get3A_313] {strides = array<i32>} : memref<128x128xf32, #tpu.memory_space<vmem>>, vector<1x16xf32>,
        %get3A_315 = vector.shape_cast %get3A_314 : vector<1x16xf32> to vector<16xf32>
        %add3A_316 = arith.addf %get3A_307, %get3A_315 : vector<16xf32>
        %add3A_317 = arith.addf %add3A_297, %add3A_316 : vector<16xf32>
        %mul3A_318 = arith.mulf %add3A_316, %add3A_316 : vector<16xf32>
        %add3A_319 = arith.addf %add3A_299, %mul3A_318 : vector<16xf32>
        %get3A_320 = arith.constant 0 : i32
        %get3A_321 = arith.constant 0 : i32
        %get3A_322 = tpu.memref_slice %arg11[%scan3A_190, %get3A_320, %get3A_321] : memref<2x128x128xf32, #tpu.memory_space<vmem>> -> memref<1x128x128xf32, #tpu.memory_space<vmem>>
        %get3A_323 = tpu.memref_squeeze %get3A_322 : memref<1x128x128xf32, #tpu.memory_space<vmem>> -> memref<128x128xf32, #tpu.memory_space<vmem>>
        %get3A_324 = arith.index_cast %add3A_276 : i32 to index
        %get3A_325 = arith.constant 32 : index
        %get3A_326 = tpu.vector_load %get3A_323[%get3A_324, %get3A_325] {strides = array<i32>} : memref<128x128xf32, #tpu.memory_space<vmem>>, vector<1x16xf32>,
        %get3A_327 = vector.shape_cast %get3A_326 : vector<1x16xf32> to vector<16xf32>
        %get3A_328 = arith.constant 0 : i32
        %get3A_329 = arith.constant 0 : i32
        %get3A_330 = tpu.memref_slice %arg12[%scan3A_191, %get3A_328, %get3A_329] : memref<2x128x128xf32, #tpu.memory_space<vmem>> -> memref<1x128x128xf32, #tpu.memory_space<vmem>>
        %get3A_331 = tpu.memref_squeeze %get3A_330 : memref<1x128x128xf32, #tpu.memory_space<vmem>> -> memref<128x128xf32, #tpu.memory_space<vmem>>
        %get3A_332 = arith.index_cast %add3A_276 : i32 to index
        %get3A_333 = arith.constant 32 : index
        %get3A_334 = tpu.vector_load %get3A_331[%get3A_332, %get3A_333] {strides = array<i32>} : memref<128x128xf32, #tpu.memory_space<vmem>>, vector<1x16xf32>,
        %get3A_335 = vector.shape_cast %get3A_334 : vector<1x16xf32> to vector<16xf32>
        %add3A_336 = arith.addf %get3A_327, %get3A_335 : vector<16xf32>
        %add3A_337 = arith.addf %add3A_317, %add3A_336 : vector<16xf32>
        %mul3A_338 = arith.mulf %add3A_336, %add3A_336 : vector<16xf32>
        %add3A_339 = arith.addf %add3A_319, %mul3A_338 : vector<16xf32>
        %get3A_340 = arith.constant 0 : i32
        %get3A_341 = arith.constant 0 : i32
        %get3A_342 = tpu.memref_slice %arg11[%scan3A_190, %get3A_340, %get3A_341] : memref<2x128x128xf32, #tpu.memory_space<vmem>> -> memref<1x128x128xf32, #tpu.memory_space<vmem>>
        %get3A_343 = tpu.memref_squeeze %get3A_342 : memref<1x128x128xf32, #tpu.memory_space<vmem>> -> memref<128x128xf32, #tpu.memory_space<vmem>>
        %get3A_344 = arith.index_cast %add3A_276 : i32 to index
        %get3A_345 = arith.constant 48 : index
        %get3A_346 = tpu.vector_load %get3A_343[%get3A_344, %get3A_345] {strides = array<i32>} : memref<128x128xf32, #tpu.memory_space<vmem>>, vector<1x16xf32>,
        %get3A_347 = vector.shape_cast %get3A_346 : vector<1x16xf32> to vector<16xf32>
        %get3A_348 = arith.constant 0 : i32
        %get3A_349 = arith.constant 0 : i32
        %get3A_350 = tpu.memref_slice %arg12[%scan3A_191, %get3A_348, %get3A_349] : memref<2x128x128xf32, #tpu.memory_space<vmem>> -> memref<1x128x128xf32, #tpu.memory_space<vmem>>
        %get3A_351 = tpu.memref_squeeze %get3A_350 : memref<1x128x128xf32, #tpu.memory_space<vmem>> -> memref<128x128xf32, #tpu.memory_space<vmem>>
        %get3A_352 = arith.index_cast %add3A_276 : i32 to index
        %get3A_353 = arith.constant 48 : index
        %get3A_354 = tpu.vector_load %get3A_351[%get3A_352, %get3A_353] {strides = array<i32>} : memref<128x128xf32, #tpu.memory_space<vmem>>, vector<1x16xf32>,
        %get3A_355 = vector.shape_cast %get3A_354 : vector<1x16xf32> to vector<16xf32>
        %add3A_356 = arith.addf %get3A_347, %get3A_355 : vector<16xf32>
        %add3A_357 = arith.addf %add3A_337, %add3A_356 : vector<16xf32>
        %mul3A_358 = arith.mulf %add3A_356, %add3A_356 : vector<16xf32>
        %add3A_359 = arith.addf %add3A_339, %mul3A_358 : vector<16xf32>
        %get3A_360 = arith.constant 0 : i32
        %get3A_361 = arith.constant 0 : i32
        %get3A_362 = tpu.memref_slice %arg11[%scan3A_190, %get3A_360, %get3A_361] : memref<2x128x128xf32, #tpu.memory_space<vmem>> -> memref<1x128x128xf32, #tpu.memory_space<vmem>>
        %get3A_363 = tpu.memref_squeeze %get3A_362 : memref<1x128x128xf32, #tpu.memory_space<vmem>> -> memref<128x128xf32, #tpu.memory_space<vmem>>
        %get3A_364 = arith.index_cast %add3A_276 : i32 to index
        %get3A_365 = arith.constant 64 : index
        %get3A_366 = tpu.vector_load %get3A_363[%get3A_364, %get3A_365] {strides = array<i32>} : memref<128x128xf32, #tpu.memory_space<vmem>>, vector<1x16xf32>,
        %get3A_367 = vector.shape_cast %get3A_366 : vector<1x16xf32> to vector<16xf32>
        %get3A_368 = arith.constant 0 : i32
        %get3A_369 = arith.constant 0 : i32
        %get3A_370 = tpu.memref_slice %arg12[%scan3A_191, %get3A_368, %get3A_369] : memref<2x128x128xf32, #tpu.memory_space<vmem>> -> memref<1x128x128xf32, #tpu.memory_space<vmem>>
        %get3A_371 = tpu.memref_squeeze %get3A_370 : memref<1x128x128xf32, #tpu.memory_space<vmem>> -> memref<128x128xf32, #tpu.memory_space<vmem>>
        %get3A_372 = arith.index_cast %add3A_276 : i32 to index
        %get3A_373 = arith.constant 64 : index
        %get3A_374 = tpu.vector_load %get3A_371[%get3A_372, %get3A_373] {strides = array<i32>} : memref<128x128xf32, #tpu.memory_space<vmem>>, vector<1x16xf32>,
        %get3A_375 = vector.shape_cast %get3A_374 : vector<1x16xf32> to vector<16xf32>
        %add3A_376 = arith.addf %get3A_367, %get3A_375 : vector<16xf32>
        %add3A_377 = arith.addf %add3A_357, %add3A_376 : vector<16xf32>
        %mul3A_378 = arith.mulf %add3A_376, %add3A_376 : vector<16xf32>
        %add3A_379 = arith.addf %add3A_359, %mul3A_378 : vector<16xf32>
        %get3A_380 = arith.constant 0 : i32
        %get3A_381 = arith.constant 0 : i32
        %get3A_382 = tpu.memref_slice %arg11[%scan3A_190, %get3A_380, %get3A_381] : memref<2x128x128xf32, #tpu.memory_space<vmem>> -> memref<1x128x128xf32, #tpu.memory_space<vmem>>
        %get3A_383 = tpu.memref_squeeze %get3A_382 : memref<1x128x128xf32, #tpu.memory_space<vmem>> -> memref<128x128xf32, #tpu.memory_space<vmem>>
        %get3A_384 = arith.index_cast %add3A_276 : i32 to index
        %get3A_385 = arith.constant 80 : index
        %get3A_386 = tpu.vector_load %get3A_383[%get3A_384, %get3A_385] {strides = array<i32>} : memref<128x128xf32, #tpu.memory_space<vmem>>, vector<1x16xf32>,
        %get3A_387 = vector.shape_cast %get3A_386 : vector<1x16xf32> to vector<16xf32>
        %get3A_388 = arith.constant 0 : i32
        %get3A_389 = arith.constant 0 : i32
        %get3A_390 = tpu.memref_slice %arg12[%scan3A_191, %get3A_388, %get3A_389] : memref<2x128x128xf32, #tpu.memory_space<vmem>> -> memref<1x128x128xf32, #tpu.memory_space<vmem>>
        %get3A_391 = tpu.memref_squeeze %get3A_390 : memref<1x128x128xf32, #tpu.memory_space<vmem>> -> memref<128x128xf32, #tpu.memory_space<vmem>>
        %get3A_392 = arith.index_cast %add3A_276 : i32 to index
        %get3A_393 = arith.constant 80 : index
        %get3A_394 = tpu.vector_load %get3A_391[%get3A_392, %get3A_393] {strides = array<i32>} : memref<128x128xf32, #tpu.memory_space<vmem>>, vector<1x16xf32>,
        %get3A_395 = vector.shape_cast %get3A_394 : vector<1x16xf32> to vector<16xf32>
        %add3A_396 = arith.addf %get3A_387, %get3A_395 : vector<16xf32>
        %add3A_397 = arith.addf %add3A_377, %add3A_396 : vector<16xf32>
        %mul3A_398 = arith.mulf %add3A_396, %add3A_396 : vector<16xf32>
        %add3A_399 = arith.addf %add3A_379, %mul3A_398 : vector<16xf32>
        %get3A_400 = arith.constant 0 : i32
        %get3A_401 = arith.constant 0 : i32
        %get3A_402 = tpu.memref_slice %arg11[%scan3A_190, %get3A_400, %get3A_401] : memref<2x128x128xf32, #tpu.memory_space<vmem>> -> memref<1x128x128xf32, #tpu.memory_space<vmem>>
        %get3A_403 = tpu.memref_squeeze %get3A_402 : memref<1x128x128xf32, #tpu.memory_space<vmem>> -> memref<128x128xf32, #tpu.memory_space<vmem>>
        %get3A_404 = arith.index_cast %add3A_276 : i32 to index
        %get3A_405 = arith.constant 96 : index
        %get3A_406 = tpu.vector_load %get3A_403[%get3A_404, %get3A_405] {strides = array<i32>} : memref<128x128xf32, #tpu.memory_space<vmem>>, vector<1x16xf32>,
        %get3A_407 = vector.shape_cast %get3A_406 : vector<1x16xf32> to vector<16xf32>
        %get3A_408 = arith.constant 0 : i32
        %get3A_409 = arith.constant 0 : i32
        %get3A_410 = tpu.memref_slice %arg12[%scan3A_191, %get3A_408, %get3A_409] : memref<2x128x128xf32, #tpu.memory_space<vmem>> -> memref<1x128x128xf32, #tpu.memory_space<vmem>>
        %get3A_411 = tpu.memref_squeeze %get3A_410 : memref<1x128x128xf32, #tpu.memory_space<vmem>> -> memref<128x128xf32, #tpu.memory_space<vmem>>
        %get3A_412 = arith.index_cast %add3A_276 : i32 to index
        %get3A_413 = arith.constant 96 : index
        %get3A_414 = tpu.vector_load %get3A_411[%get3A_412, %get3A_413] {strides = array<i32>} : memref<128x128xf32, #tpu.memory_space<vmem>>, vector<1x16xf32>,
        %get3A_415 = vector.shape_cast %get3A_414 : vector<1x16xf32> to vector<16xf32>
        %add3A_416 = arith.addf %get3A_407, %get3A_415 : vector<16xf32>
        %add3A_417 = arith.addf %add3A_397, %add3A_416 : vector<16xf32>
        %mul3A_418 = arith.mulf %add3A_416, %add3A_416 : vector<16xf32>
        %add3A_419 = arith.addf %add3A_399, %mul3A_418 : vector<16xf32>
        %get3A_420 = arith.constant 0 : i32
        %get3A_421 = arith.constant 0 : i32
        %get3A_422 = tpu.memref_slice %arg11[%scan3A_190, %get3A_420, %get3A_421] : memref<2x128x128xf32, #tpu.memory_space<vmem>> -> memref<1x128x128xf32, #tpu.memory_space<vmem>>
        %get3A_423 = tpu.memref_squeeze %get3A_422 : memref<1x128x128xf32, #tpu.memory_space<vmem>> -> memref<128x128xf32, #tpu.memory_space<vmem>>
        %get3A_424 = arith.index_cast %add3A_276 : i32 to index
        %get3A_425 = arith.constant 112 : index
        %get3A_426 = tpu.vector_load %get3A_423[%get3A_424, %get3A_425] {strides = array<i32>} : memref<128x128xf32, #tpu.memory_space<vmem>>, vector<1x16xf32>,
        %get3A_427 = vector.shape_cast %get3A_426 : vector<1x16xf32> to vector<16xf32>
        %get3A_428 = arith.constant 0 : i32
        %get3A_429 = arith.constant 0 : i32
        %get3A_430 = tpu.memref_slice %arg12[%scan3A_191, %get3A_428, %get3A_429] : memref<2x128x128xf32, #tpu.memory_space<vmem>> -> memref<1x128x128xf32, #tpu.memory_space<vmem>>
        %get3A_431 = tpu.memref_squeeze %get3A_430 : memref<1x128x128xf32, #tpu.memory_space<vmem>> -> memref<128x128xf32, #tpu.memory_space<vmem>>
        %get3A_432 = arith.index_cast %add3A_276 : i32 to index
        %get3A_433 = arith.constant 112 : index
        %get3A_434 = tpu.vector_load %get3A_431[%get3A_432, %get3A_433] {strides = array<i32>} : memref<128x128xf32, #tpu.memory_space<vmem>>, vector<1x16xf32>,
        %get3A_435 = vector.shape_cast %get3A_434 : vector<1x16xf32> to vector<16xf32>
        %add3A_436 = arith.addf %get3A_427, %get3A_435 : vector<16xf32>
        %add3A_437 = arith.addf %add3A_417, %add3A_436 : vector<16xf32>
        %mul3A_438 = arith.mulf %add3A_436, %add3A_436 : vector<16xf32>
        %add3A_439 = arith.addf %add3A_419, %mul3A_438 : vector<16xf32>
        %iota3A = tpu.iota {dimensions = array<i32: 0>} : vector<16xi32>
        %add3A_440 = arith.constant 8 : i32
        %add3A_441 = vector.broadcast %add3A_440 : i32 to vector<16xi32>
        %add3A_442 = arith.addi %iota3A, %add3A_441 : vector<16xi32>
        %and3A = arith.constant 15 : i32
        %and3A_443 = vector.broadcast %and3A : i32 to vector<16xi32>
        %and3A_444 = arith.andi %add3A_442, %and3A_443 : vector<16xi32>
        %lt3A_445 = arith.constant 0 : i32
        %lt3A_446 = vector.broadcast %lt3A_445 : i32 to vector<16xi32>
        %lt3A_447 = arith.cmpi slt, %and3A_444, %lt3A_446 : vector<16xi32>
        %add3A_448 = arith.constant 16 : i32
        %add3A_449 = vector.broadcast %add3A_448 : i32 to vector<16xi32>
        %add3A_450 = arith.addi %and3A_444, %add3A_449 : vector<16xi32>
        %select_n3A = arith.select %lt3A_447, %add3A_450, %and3A_444 : vector<16xi1>, vector<16xi32>
        %broadcast_in_dim3A_451 = vector.shape_cast %select_n3A : vector<16xi32> to vector<16x1xi32>
        %gather3A = vector.shape_cast %broadcast_in_dim3A_451 : vector<16x1xi32> to vector<16xi32>
        %gather3A_452 = tpu.dynamic_gather %add3A_437[%gather3A] in [0] : vector<16xf32>, vector<16xi32> -> vector<16xf32>
        %add3A_453 = arith.addf %add3A_437, %gather3A_452 : vector<16xf32>
        %add3A_454 = arith.constant 4 : i32
        %add3A_455 = vector.broadcast %add3A_454 : i32 to vector<16xi32>
        %add3A_456 = arith.addi %iota3A, %add3A_455 : vector<16xi32>
        %and3A_457 = arith.constant 15 : i32
        %and3A_458 = vector.broadcast %and3A_457 : i32 to vector<16xi32>
        %and3A_459 = arith.andi %add3A_456, %and3A_458 : vector<16xi32>
        %lt3A_460 = arith.constant 0 : i32
        %lt3A_461 = vector.broadcast %lt3A_460 : i32 to vector<16xi32>
        %lt3A_462 = arith.cmpi slt, %and3A_459, %lt3A_461 : vector<16xi32>
        %add3A_463 = arith.constant 16 : i32
        %add3A_464 = vector.broadcast %add3A_463 : i32 to vector<16xi32>
        %add3A_465 = arith.addi %and3A_459, %add3A_464 : vector<16xi32>
        %select_n3A_466 = arith.select %lt3A_462, %add3A_465, %and3A_459 : vector<16xi1>, vector<16xi32>
        %broadcast_in_dim3A_467 = vector.shape_cast %select_n3A_466 : vector<16xi32> to vector<16x1xi32>
        %gather3A_468 = vector.shape_cast %broadcast_in_dim3A_467 : vector<16x1xi32> to vector<16xi32>
        %gather3A_469 = tpu.dynamic_gather %add3A_453[%gather3A_468] in [0] : vector<16xf32>, vector<16xi32> -> vector<16xf32>
        %add3A_470 = arith.addf %add3A_453, %gather3A_469 : vector<16xf32>
        %add3A_471 = arith.constant 2 : i32
        %add3A_472 = vector.broadcast %add3A_471 : i32 to vector<16xi32>
        %add3A_473 = arith.addi %iota3A, %add3A_472 : vector<16xi32>
        %and3A_474 = arith.constant 15 : i32
        %and3A_475 = vector.broadcast %and3A_474 : i32 to vector<16xi32>
        %and3A_476 = arith.andi %add3A_473, %and3A_475 : vector<16xi32>
        %lt3A_477 = arith.constant 0 : i32
        %lt3A_478 = vector.broadcast %lt3A_477 : i32 to vector<16xi32>
        %lt3A_479 = arith.cmpi slt, %and3A_476, %lt3A_478 : vector<16xi32>
        %add3A_480 = arith.constant 16 : i32
        %add3A_481 = vector.broadcast %add3A_480 : i32 to vector<16xi32>
        %add3A_482 = arith.addi %and3A_476, %add3A_481 : vector<16xi32>
        %select_n3A_483 = arith.select %lt3A_479, %add3A_482, %and3A_476 : vector<16xi1>, vector<16xi32>
        %broadcast_in_dim3A_484 = vector.shape_cast %select_n3A_483 : vector<16xi32> to vector<16x1xi32>
        %gather3A_485 = vector.shape_cast %broadcast_in_dim3A_484 : vector<16x1xi32> to vector<16xi32>
        %gather3A_486 = tpu.dynamic_gather %add3A_470[%gather3A_485] in [0] : vector<16xf32>, vector<16xi32> -> vector<16xf32>
        %add3A_487 = arith.addf %add3A_470, %gather3A_486 : vector<16xf32>
        %add3A_488 = arith.constant 1 : i32
        %add3A_489 = vector.broadcast %add3A_488 : i32 to vector<16xi32>
        %add3A_490 = arith.addi %iota3A, %add3A_489 : vector<16xi32>
        %and3A_491 = arith.constant 15 : i32
        %and3A_492 = vector.broadcast %and3A_491 : i32 to vector<16xi32>
        %and3A_493 = arith.andi %add3A_490, %and3A_492 : vector<16xi32>
        %lt3A_494 = arith.constant 0 : i32
        %lt3A_495 = vector.broadcast %lt3A_494 : i32 to vector<16xi32>
        %lt3A_496 = arith.cmpi slt, %and3A_493, %lt3A_495 : vector<16xi32>
        %add3A_497 = arith.constant 16 : i32
        %add3A_498 = vector.broadcast %add3A_497 : i32 to vector<16xi32>
        %add3A_499 = arith.addi %and3A_493, %add3A_498 : vector<16xi32>
        %select_n3A_500 = arith.select %lt3A_496, %add3A_499, %and3A_493 : vector<16xi1>, vector<16xi32>
        %broadcast_in_dim3A_501 = vector.shape_cast %select_n3A_500 : vector<16xi32> to vector<16x1xi32>
        %gather3A_502 = vector.shape_cast %broadcast_in_dim3A_501 : vector<16x1xi32> to vector<16xi32>
        %gather3A_503 = tpu.dynamic_gather %add3A_487[%gather3A_502] in [0] : vector<16xf32>, vector<16xi32> -> vector<16xf32>
        %add3A_504 = arith.addf %add3A_487, %gather3A_503 : vector<16xf32>
        %mul3A_505 = arith.constant 7.812500e-03 : f32
        %mul3A_506 = vector.broadcast %mul3A_505 : f32 to vector<16xf32>
        %mul3A_507 = arith.mulf %add3A_504, %mul3A_506 : vector<16xf32>
        %iota3A_508 = tpu.iota {dimensions = array<i32: 0>} : vector<16xi32>
        %add3A_509 = arith.constant 8 : i32
        %add3A_510 = vector.broadcast %add3A_509 : i32 to vector<16xi32>
        %add3A_511 = arith.addi %iota3A_508, %add3A_510 : vector<16xi32>
        %and3A_512 = arith.constant 15 : i32
        %and3A_513 = vector.broadcast %and3A_512 : i32 to vector<16xi32>
        %and3A_514 = arith.andi %add3A_511, %and3A_513 : vector<16xi32>
        %lt3A_515 = arith.constant 0 : i32
        %lt3A_516 = vector.broadcast %lt3A_515 : i32 to vector<16xi32>
        %lt3A_517 = arith.cmpi slt, %and3A_514, %lt3A_516 : vector<16xi32>
        %add3A_518 = arith.constant 16 : i32
        %add3A_519 = vector.broadcast %add3A_518 : i32 to vector<16xi32>
        %add3A_520 = arith.addi %and3A_514, %add3A_519 : vector<16xi32>
        %select_n3A_521 = arith.select %lt3A_517, %add3A_520, %and3A_514 : vector<16xi1>, vector<16xi32>
        %broadcast_in_dim3A_522 = vector.shape_cast %select_n3A_521 : vector<16xi32> to vector<16x1xi32>
        %gather3A_523 = vector.shape_cast %broadcast_in_dim3A_522 : vector<16x1xi32> to vector<16xi32>
        %gather3A_524 = tpu.dynamic_gather %add3A_439[%gather3A_523] in [0] : vector<16xf32>, vector<16xi32> -> vector<16xf32>
        %add3A_525 = arith.addf %add3A_439, %gather3A_524 : vector<16xf32>
        %add3A_526 = arith.constant 4 : i32
        %add3A_527 = vector.broadcast %add3A_526 : i32 to vector<16xi32>
        %add3A_528 = arith.addi %iota3A_508, %add3A_527 : vector<16xi32>
        %and3A_529 = arith.constant 15 : i32
        %and3A_530 = vector.broadcast %and3A_529 : i32 to vector<16xi32>
        %and3A_531 = arith.andi %add3A_528, %and3A_530 : vector<16xi32>
        %lt3A_532 = arith.constant 0 : i32
        %lt3A_533 = vector.broadcast %lt3A_532 : i32 to vector<16xi32>
        %lt3A_534 = arith.cmpi slt, %and3A_531, %lt3A_533 : vector<16xi32>
        %add3A_535 = arith.constant 16 : i32
        %add3A_536 = vector.broadcast %add3A_535 : i32 to vector<16xi32>
        %add3A_537 = arith.addi %and3A_531, %add3A_536 : vector<16xi32>
        %select_n3A_538 = arith.select %lt3A_534, %add3A_537, %and3A_531 : vector<16xi1>, vector<16xi32>
        %broadcast_in_dim3A_539 = vector.shape_cast %select_n3A_538 : vector<16xi32> to vector<16x1xi32>
        %gather3A_540 = vector.shape_cast %broadcast_in_dim3A_539 : vector<16x1xi32> to vector<16xi32>
        %gather3A_541 = tpu.dynamic_gather %add3A_525[%gather3A_540] in [0] : vector<16xf32>, vector<16xi32> -> vector<16xf32>
        %add3A_542 = arith.addf %add3A_525, %gather3A_541 : vector<16xf32>
        %add3A_543 = arith.constant 2 : i32
        %add3A_544 = vector.broadcast %add3A_543 : i32 to vector<16xi32>
        %add3A_545 = arith.addi %iota3A_508, %add3A_544 : vector<16xi32>
        %and3A_546 = arith.constant 15 : i32
        %and3A_547 = vector.broadcast %and3A_546 : i32 to vector<16xi32>
        %and3A_548 = arith.andi %add3A_545, %and3A_547 : vector<16xi32>
        %lt3A_549 = arith.constant 0 : i32
        %lt3A_550 = vector.broadcast %lt3A_549 : i32 to vector<16xi32>
        %lt3A_551 = arith.cmpi slt, %and3A_548, %lt3A_550 : vector<16xi32>
        %add3A_552 = arith.constant 16 : i32
        %add3A_553 = vector.broadcast %add3A_552 : i32 to vector<16xi32>
        %add3A_554 = arith.addi %and3A_548, %add3A_553 : vector<16xi32>
        %select_n3A_555 = arith.select %lt3A_551, %add3A_554, %and3A_548 : vector<16xi1>, vector<16xi32>
        %broadcast_in_dim3A_556 = vector.shape_cast %select_n3A_555 : vector<16xi32> to vector<16x1xi32>
        %gather3A_557 = vector.shape_cast %broadcast_in_dim3A_556 : vector<16x1xi32> to vector<16xi32>
        %gather3A_558 = tpu.dynamic_gather %add3A_542[%gather3A_557] in [0] : vector<16xf32>, vector<16xi32> -> vector<16xf32>
        %add3A_559 = arith.addf %add3A_542, %gather3A_558 : vector<16xf32>
        %add3A_560 = arith.constant 1 : i32
        %add3A_561 = vector.broadcast %add3A_560 : i32 to vector<16xi32>
        %add3A_562 = arith.addi %iota3A_508, %add3A_561 : vector<16xi32>
        %and3A_563 = arith.constant 15 : i32
        %and3A_564 = vector.broadcast %and3A_563 : i32 to vector<16xi32>
        %and3A_565 = arith.andi %add3A_562, %and3A_564 : vector<16xi32>
        %lt3A_566 = arith.constant 0 : i32
        %lt3A_567 = vector.broadcast %lt3A_566 : i32 to vector<16xi32>
        %lt3A_568 = arith.cmpi slt, %and3A_565, %lt3A_567 : vector<16xi32>
        %add3A_569 = arith.constant 16 : i32
        %add3A_570 = vector.broadcast %add3A_569 : i32 to vector<16xi32>
        %add3A_571 = arith.addi %and3A_565, %add3A_570 : vector<16xi32>
        %select_n3A_572 = arith.select %lt3A_568, %add3A_571, %and3A_565 : vector<16xi1>, vector<16xi32>
        %broadcast_in_dim3A_573 = vector.shape_cast %select_n3A_572 : vector<16xi32> to vector<16x1xi32>
        %gather3A_574 = vector.shape_cast %broadcast_in_dim3A_573 : vector<16x1xi32> to vector<16xi32>
        %gather3A_575 = tpu.dynamic_gather %add3A_559[%gather3A_574] in [0] : vector<16xf32>, vector<16xi32> -> vector<16xf32>
        %add3A_576 = arith.addf %add3A_559, %gather3A_575 : vector<16xf32>
        %mul3A_577 = arith.constant 7.812500e-03 : f32
        %mul3A_578 = vector.broadcast %mul3A_577 : f32 to vector<16xf32>
        %mul3A_579 = arith.mulf %add3A_576, %mul3A_578 : vector<16xf32>
        %mul3A_580 = arith.mulf %mul3A_507, %mul3A_507 : vector<16xf32>
        %sub3A = arith.subf %mul3A_579, %mul3A_580 : vector<16xf32>
        %add3A_581 = arith.constant 9.99999996E-13 : f32
        %add3A_582 = vector.broadcast %add3A_581 : f32 to vector<16xf32>
        %add3A_583 = arith.addf %sub3A, %add3A_582 : vector<16xf32>
        %bitcast_convert_type3A = tpu.bitcast %add3A_583 : vector<16xf32> -> vector<16xi32>
        %shift_right_arithmetic3A = arith.constant 1 : i32
        %shift_right_arithmetic3A_584 = vector.broadcast %shift_right_arithmetic3A : i32 to vector<16xi32>
        %shift_right_arithmetic3A_585 = arith.shrsi %bitcast_convert_type3A, %shift_right_arithmetic3A_584 : vector<16xi32>
        %sub3A_586 = arith.constant 1597463007 : i32
        %sub3A_587 = vector.broadcast %sub3A_586 : i32 to vector<16xi32>
        %sub3A_588 = arith.subi %sub3A_587, %shift_right_arithmetic3A_585 : vector<16xi32>
        %bitcast_convert_type3A_589 = tpu.bitcast %sub3A_588 : vector<16xi32> -> vector<16xf32>
        %mul3A_590 = arith.constant 5.000000e-01 : f32
        %mul3A_591 = vector.broadcast %mul3A_590 : f32 to vector<16xf32>
        %mul3A_592 = arith.mulf %mul3A_591, %add3A_583 : vector<16xf32>
        %mul3A_593 = arith.mulf %mul3A_592, %bitcast_convert_type3A_589 : vector<16xf32>
        %mul3A_594 = arith.mulf %mul3A_593, %bitcast_convert_type3A_589 : vector<16xf32>
        %sub3A_595 = arith.constant 1.500000e+00 : f32
        %sub3A_596 = vector.broadcast %sub3A_595 : f32 to vector<16xf32>
        %sub3A_597 = arith.subf %sub3A_596, %mul3A_594 : vector<16xf32>
        %mul3A_598 = arith.mulf %bitcast_convert_type3A_589, %sub3A_597 : vector<16xf32>
        %mul3A_599 = arith.constant 5.000000e-01 : f32
        %mul3A_600 = vector.broadcast %mul3A_599 : f32 to vector<16xf32>
        %mul3A_601 = arith.mulf %mul3A_600, %add3A_583 : vector<16xf32>
        %mul3A_602 = arith.mulf %mul3A_601, %mul3A_598 : vector<16xf32>
        %mul3A_603 = arith.mulf %mul3A_602, %mul3A_598 : vector<16xf32>
        %sub3A_604 = arith.constant 1.500000e+00 : f32
        %sub3A_605 = vector.broadcast %sub3A_604 : f32 to vector<16xf32>
        %sub3A_606 = arith.subf %sub3A_605, %mul3A_603 : vector<16xf32>
        %mul3A_607 = arith.mulf %mul3A_598, %sub3A_606 : vector<16xf32>
        %sub3A_608 = arith.subf %add3A_296, %mul3A_507 : vector<16xf32>
        %mul3A_609 = arith.mulf %sub3A_608, %mul3A_607 : vector<16xf32>
        %mul3A_610 = arith.mulf %mul3A_609, %get3A_7 : vector<16xf32>
        %add3A_611 = arith.addf %mul3A_610, %get3A_47 : vector<16xf32>
        %swap3A = arith.constant 0 : i32
        %swap3A_612 = arith.constant 0 : i32
        %swap3A_613 = tpu.memref_slice %arg13[%scan3A_192, %swap3A, %swap3A_612] : memref<2x128x128xf32, #tpu.memory_space<vmem>> -> memref<1x128x128xf32, #tpu.memory_space<vmem>>
        %swap3A_614 = tpu.memref_squeeze %swap3A_613 : memref<1x128x128xf32, #tpu.memory_space<vmem>> -> memref<128x128xf32, #tpu.memory_space<vmem>>
        %swap3A_615 = arith.index_cast %add3A_276 : i32 to index
        %swap3A_616 = arith.constant 0 : index
        %swap3A_617 = tpu.vector_load %swap3A_614[%swap3A_615, %swap3A_616] {strides = array<i32>} : memref<128x128xf32, #tpu.memory_space<vmem>>, vector<1x16xf32>,
        %swap3A_618 = vector.shape_cast %swap3A_617 : vector<1x16xf32> to vector<16xf32>
        %swap3A_619 = vector.shape_cast %add3A_611 : vector<16xf32> to vector<1x16xf32>
        tpu.vector_store %swap3A_614[%swap3A_615, %swap3A_616], %swap3A_619 {strides = array<i32>} : memref<128x128xf32, #tpu.memory_space<vmem>>, vector<1x16xf32>,
        %sub3A_620 = arith.subf %add3A_316, %mul3A_507 : vector<16xf32>
        %mul3A_621 = arith.mulf %sub3A_620, %mul3A_607 : vector<16xf32>
        %mul3A_622 = arith.mulf %mul3A_621, %get3A_12 : vector<16xf32>
        %add3A_623 = arith.addf %mul3A_622, %get3A_52 : vector<16xf32>
        %swap3A_624 = arith.constant 0 : i32
        %swap3A_625 = arith.constant 0 : i32
        %swap3A_626 = tpu.memref_slice %arg13[%scan3A_192, %swap3A_624, %swap3A_625] : memref<2x128x128xf32, #tpu.memory_space<vmem>> -> memref<1x128x128xf32, #tpu.memory_space<vmem>>
        %swap3A_627 = tpu.memref_squeeze %swap3A_626 : memref<1x128x128xf32, #tpu.memory_space<vmem>> -> memref<128x128xf32, #tpu.memory_space<vmem>>
        %swap3A_628 = arith.index_cast %add3A_276 : i32 to index
        %swap3A_629 = arith.constant 16 : index
        %swap3A_630 = tpu.vector_load %swap3A_627[%swap3A_628, %swap3A_629] {strides = array<i32>} : memref<128x128xf32, #tpu.memory_space<vmem>>, vector<1x16xf32>,
        %swap3A_631 = vector.shape_cast %swap3A_630 : vector<1x16xf32> to vector<16xf32>
        %swap3A_632 = vector.shape_cast %add3A_623 : vector<16xf32> to vector<1x16xf32>
        tpu.vector_store %swap3A_627[%swap3A_628, %swap3A_629], %swap3A_632 {strides = array<i32>} : memref<128x128xf32, #tpu.memory_space<vmem>>, vector<1x16xf32>,
        %sub3A_633 = arith.subf %add3A_336, %mul3A_507 : vector<16xf32>
        %mul3A_634 = arith.mulf %sub3A_633, %mul3A_607 : vector<16xf32>
        %mul3A_635 = arith.mulf %mul3A_634, %get3A_17 : vector<16xf32>
        %add3A_636 = arith.addf %mul3A_635, %get3A_57 : vector<16xf32>
        %swap3A_637 = arith.constant 0 : i32
        %swap3A_638 = arith.constant 0 : i32
        %swap3A_639 = tpu.memref_slice %arg13[%scan3A_192, %swap3A_637, %swap3A_638] : memref<2x128x128xf32, #tpu.memory_space<vmem>> -> memref<1x128x128xf32, #tpu.memory_space<vmem>>
        %swap3A_640 = tpu.memref_squeeze %swap3A_639 : memref<1x128x128xf32, #tpu.memory_space<vmem>> -> memref<128x128xf32, #tpu.memory_space<vmem>>
        %swap3A_641 = arith.index_cast %add3A_276 : i32 to index
        %swap3A_642 = arith.constant 32 : index
        %swap3A_643 = tpu.vector_load %swap3A_640[%swap3A_641, %swap3A_642] {strides = array<i32>} : memref<128x128xf32, #tpu.memory_space<vmem>>, vector<1x16xf32>,
        %swap3A_644 = vector.shape_cast %swap3A_643 : vector<1x16xf32> to vector<16xf32>
        %swap3A_645 = vector.shape_cast %add3A_636 : vector<16xf32> to vector<1x16xf32>
        tpu.vector_store %swap3A_640[%swap3A_641, %swap3A_642], %swap3A_645 {strides = array<i32>} : memref<128x128xf32, #tpu.memory_space<vmem>>, vector<1x16xf32>,
        %sub3A_646 = arith.subf %add3A_356, %mul3A_507 : vector<16xf32>
        %mul3A_647 = arith.mulf %sub3A_646, %mul3A_607 : vector<16xf32>
        %mul3A_648 = arith.mulf %mul3A_647, %get3A_22 : vector<16xf32>
        %add3A_649 = arith.addf %mul3A_648, %get3A_62 : vector<16xf32>
        %swap3A_650 = arith.constant 0 : i32
        %swap3A_651 = arith.constant 0 : i32
        %swap3A_652 = tpu.memref_slice %arg13[%scan3A_192, %swap3A_650, %swap3A_651] : memref<2x128x128xf32, #tpu.memory_space<vmem>> -> memref<1x128x128xf32, #tpu.memory_space<vmem>>
        %swap3A_653 = tpu.memref_squeeze %swap3A_652 : memref<1x128x128xf32, #tpu.memory_space<vmem>> -> memref<128x128xf32, #tpu.memory_space<vmem>>
        %swap3A_654 = arith.index_cast %add3A_276 : i32 to index
        %swap3A_655 = arith.constant 48 : index
        %swap3A_656 = tpu.vector_load %swap3A_653[%swap3A_654, %swap3A_655] {strides = array<i32>} : memref<128x128xf32, #tpu.memory_space<vmem>>, vector<1x16xf32>,
        %swap3A_657 = vector.shape_cast %swap3A_656 : vector<1x16xf32> to vector<16xf32>
        %swap3A_658 = vector.shape_cast %add3A_649 : vector<16xf32> to vector<1x16xf32>
        tpu.vector_store %swap3A_653[%swap3A_654, %swap3A_655], %swap3A_658 {strides = array<i32>} : memref<128x128xf32, #tpu.memory_space<vmem>>, vector<1x16xf32>,
        %sub3A_659 = arith.subf %add3A_376, %mul3A_507 : vector<16xf32>
        %mul3A_660 = arith.mulf %sub3A_659, %mul3A_607 : vector<16xf32>
        %mul3A_661 = arith.mulf %mul3A_660, %get3A_27 : vector<16xf32>
        %add3A_662 = arith.addf %mul3A_661, %get3A_67 : vector<16xf32>
        %swap3A_663 = arith.constant 0 : i32
        %swap3A_664 = arith.constant 0 : i32
        %swap3A_665 = tpu.memref_slice %arg13[%scan3A_192, %swap3A_663, %swap3A_664] : memref<2x128x128xf32, #tpu.memory_space<vmem>> -> memref<1x128x128xf32, #tpu.memory_space<vmem>>
        %swap3A_666 = tpu.memref_squeeze %swap3A_665 : memref<1x128x128xf32, #tpu.memory_space<vmem>> -> memref<128x128xf32, #tpu.memory_space<vmem>>
        %swap3A_667 = arith.index_cast %add3A_276 : i32 to index
        %swap3A_668 = arith.constant 64 : index
        %swap3A_669 = tpu.vector_load %swap3A_666[%swap3A_667, %swap3A_668] {strides = array<i32>} : memref<128x128xf32, #tpu.memory_space<vmem>>, vector<1x16xf32>,
        %swap3A_670 = vector.shape_cast %swap3A_669 : vector<1x16xf32> to vector<16xf32>
        %swap3A_671 = vector.shape_cast %add3A_662 : vector<16xf32> to vector<1x16xf32>
        tpu.vector_store %swap3A_666[%swap3A_667, %swap3A_668], %swap3A_671 {strides = array<i32>} : memref<128x128xf32, #tpu.memory_space<vmem>>, vector<1x16xf32>,
        %sub3A_672 = arith.subf %add3A_396, %mul3A_507 : vector<16xf32>
        %mul3A_673 = arith.mulf %sub3A_672, %mul3A_607 : vector<16xf32>
        %mul3A_674 = arith.mulf %mul3A_673, %get3A_32 : vector<16xf32>
        %add3A_675 = arith.addf %mul3A_674, %get3A_72 : vector<16xf32>
        %swap3A_676 = arith.constant 0 : i32
        %swap3A_677 = arith.constant 0 : i32
        %swap3A_678 = tpu.memref_slice %arg13[%scan3A_192, %swap3A_676, %swap3A_677] : memref<2x128x128xf32, #tpu.memory_space<vmem>> -> memref<1x128x128xf32, #tpu.memory_space<vmem>>
        %swap3A_679 = tpu.memref_squeeze %swap3A_678 : memref<1x128x128xf32, #tpu.memory_space<vmem>> -> memref<128x128xf32, #tpu.memory_space<vmem>>
        %swap3A_680 = arith.index_cast %add3A_276 : i32 to index
        %swap3A_681 = arith.constant 80 : index
        %swap3A_682 = tpu.vector_load %swap3A_679[%swap3A_680, %swap3A_681] {strides = array<i32>} : memref<128x128xf32, #tpu.memory_space<vmem>>, vector<1x16xf32>,
        %swap3A_683 = vector.shape_cast %swap3A_682 : vector<1x16xf32> to vector<16xf32>
        %swap3A_684 = vector.shape_cast %add3A_675 : vector<16xf32> to vector<1x16xf32>
        tpu.vector_store %swap3A_679[%swap3A_680, %swap3A_681], %swap3A_684 {strides = array<i32>} : memref<128x128xf32, #tpu.memory_space<vmem>>, vector<1x16xf32>,
        %sub3A_685 = arith.subf %add3A_416, %mul3A_507 : vector<16xf32>
        %mul3A_686 = arith.mulf %sub3A_685, %mul3A_607 : vector<16xf32>
        %mul3A_687 = arith.mulf %mul3A_686, %get3A_37 : vector<16xf32>
        %add3A_688 = arith.addf %mul3A_687, %get3A_77 : vector<16xf32>
        %swap3A_689 = arith.constant 0 : i32
        %swap3A_690 = arith.constant 0 : i32
        %swap3A_691 = tpu.memref_slice %arg13[%scan3A_192, %swap3A_689, %swap3A_690] : memref<2x128x128xf32, #tpu.memory_space<vmem>> -> memref<1x128x128xf32, #tpu.memory_space<vmem>>
        %swap3A_692 = tpu.memref_squeeze %swap3A_691 : memref<1x128x128xf32, #tpu.memory_space<vmem>> -> memref<128x128xf32, #tpu.memory_space<vmem>>
        %swap3A_693 = arith.index_cast %add3A_276 : i32 to index
        %swap3A_694 = arith.constant 96 : index
        %swap3A_695 = tpu.vector_load %swap3A_692[%swap3A_693, %swap3A_694] {strides = array<i32>} : memref<128x128xf32, #tpu.memory_space<vmem>>, vector<1x16xf32>,
        %swap3A_696 = vector.shape_cast %swap3A_695 : vector<1x16xf32> to vector<16xf32>
        %swap3A_697 = vector.shape_cast %add3A_688 : vector<16xf32> to vector<1x16xf32>
        tpu.vector_store %swap3A_692[%swap3A_693, %swap3A_694], %swap3A_697 {strides = array<i32>} : memref<128x128xf32, #tpu.memory_space<vmem>>, vector<1x16xf32>,
        %sub3A_698 = arith.subf %add3A_436, %mul3A_507 : vector<16xf32>
        %mul3A_699 = arith.mulf %sub3A_698, %mul3A_607 : vector<16xf32>
        %mul3A_700 = arith.mulf %mul3A_699, %get3A_42 : vector<16xf32>
        %add3A_701 = arith.addf %mul3A_700, %get3A_82 : vector<16xf32>
        %swap3A_702 = arith.constant 0 : i32
        %swap3A_703 = arith.constant 0 : i32
        %swap3A_704 = tpu.memref_slice %arg13[%scan3A_192, %swap3A_702, %swap3A_703] : memref<2x128x128xf32, #tpu.memory_space<vmem>> -> memref<1x128x128xf32, #tpu.memory_space<vmem>>
        %swap3A_705 = tpu.memref_squeeze %swap3A_704 : memref<1x128x128xf32, #tpu.memory_space<vmem>> -> memref<128x128xf32, #tpu.memory_space<vmem>>
        %swap3A_706 = arith.index_cast %add3A_276 : i32 to index
        %swap3A_707 = arith.constant 112 : index
        %swap3A_708 = tpu.vector_load %swap3A_705[%swap3A_706, %swap3A_707] {strides = array<i32>} : memref<128x128xf32, #tpu.memory_space<vmem>>, vector<1x16xf32>,
        %swap3A_709 = vector.shape_cast %swap3A_708 : vector<1x16xf32> to vector<16xf32>
        %swap3A_710 = vector.shape_cast %add3A_701 : vector<16xf32> to vector<1x16xf32>
        tpu.vector_store %swap3A_705[%swap3A_706, %swap3A_707], %swap3A_710 {strides = array<i32>} : memref<128x128xf32, #tpu.memory_space<vmem>>, vector<1x16xf32>,
        %mul3A_711 = arith.constant 2 : i32
        %mul3A_712 = arith.muli %scan3A_272, %mul3A_711 : i32
        %add3A_713 = arith.constant 1 : i32
        %add3A_714 = arith.addi %mul3A_712, %add3A_713 : i32
        %broadcast_in_dim3A_715 = arith.constant 0.000000e+00 : f32
        %broadcast_in_dim3A_716 = vector.broadcast %broadcast_in_dim3A_715 : f32 to vector<16xf32>
        %broadcast_in_dim3A_717 = arith.constant 0.000000e+00 : f32
        %broadcast_in_dim3A_718 = vector.broadcast %broadcast_in_dim3A_717 : f32 to vector<16xf32>
        %get3A_719 = arith.constant 0 : i32
        %get3A_720 = arith.constant 0 : i32
        %get3A_721 = tpu.memref_slice %arg11[%scan3A_190, %get3A_719, %get3A_720] : memref<2x128x128xf32, #tpu.memory_space<vmem>> -> memref<1x128x128xf32, #tpu.memory_space<vmem>>
        %get3A_722 = tpu.memref_squeeze %get3A_721 : memref<1x128x128xf32, #tpu.memory_space<vmem>> -> memref<128x128xf32, #tpu.memory_space<vmem>>
        %get3A_723 = arith.index_cast %add3A_714 : i32 to index
        %get3A_724 = arith.constant 0 : index
        %get3A_725 = tpu.vector_load %get3A_722[%get3A_723, %get3A_724] {strides = array<i32>} : memref<128x128xf32, #tpu.memory_space<vmem>>, vector<1x16xf32>,
        %get3A_726 = vector.shape_cast %get3A_725 : vector<1x16xf32> to vector<16xf32>
        %get3A_727 = arith.constant 0 : i32
        %get3A_728 = arith.constant 0 : i32
        %get3A_729 = tpu.memref_slice %arg12[%scan3A_191, %get3A_727, %get3A_728] : memref<2x128x128xf32, #tpu.memory_space<vmem>> -> memref<1x128x128xf32, #tpu.memory_space<vmem>>
        %get3A_730 = tpu.memref_squeeze %get3A_729 : memref<1x128x128xf32, #tpu.memory_space<vmem>> -> memref<128x128xf32, #tpu.memory_space<vmem>>
        %get3A_731 = arith.index_cast %add3A_714 : i32 to index
        %get3A_732 = arith.constant 0 : index
        %get3A_733 = tpu.vector_load %get3A_730[%get3A_731, %get3A_732] {strides = array<i32>} : memref<128x128xf32, #tpu.memory_space<vmem>>, vector<1x16xf32>,
        %get3A_734 = vector.shape_cast %get3A_733 : vector<1x16xf32> to vector<16xf32>
        %add3A_735 = arith.addf %get3A_726, %get3A_734 : vector<16xf32>
        %add3A_736 = arith.addf %broadcast_in_dim3A_716, %add3A_735 : vector<16xf32>
        %mul3A_737 = arith.mulf %add3A_735, %add3A_735 : vector<16xf32>
        %add3A_738 = arith.addf %broadcast_in_dim3A_718, %mul3A_737 : vector<16xf32>
        %get3A_739 = arith.constant 0 : i32
        %get3A_740 = arith.constant 0 : i32
        %get3A_741 = tpu.memref_slice %arg11[%scan3A_190, %get3A_739, %get3A_740] : memref<2x128x128xf32, #tpu.memory_space<vmem>> -> memref<1x128x128xf32, #tpu.memory_space<vmem>>
        %get3A_742 = tpu.memref_squeeze %get3A_741 : memref<1x128x128xf32, #tpu.memory_space<vmem>> -> memref<128x128xf32, #tpu.memory_space<vmem>>
        %get3A_743 = arith.index_cast %add3A_714 : i32 to index
        %get3A_744 = arith.constant 16 : index
        %get3A_745 = tpu.vector_load %get3A_742[%get3A_743, %get3A_744] {strides = array<i32>} : memref<128x128xf32, #tpu.memory_space<vmem>>, vector<1x16xf32>,
        %get3A_746 = vector.shape_cast %get3A_745 : vector<1x16xf32> to vector<16xf32>
        %get3A_747 = arith.constant 0 : i32
        %get3A_748 = arith.constant 0 : i32
        %get3A_749 = tpu.memref_slice %arg12[%scan3A_191, %get3A_747, %get3A_748] : memref<2x128x128xf32, #tpu.memory_space<vmem>> -> memref<1x128x128xf32, #tpu.memory_space<vmem>>
        %get3A_750 = tpu.memref_squeeze %get3A_749 : memref<1x128x128xf32, #tpu.memory_space<vmem>> -> memref<128x128xf32, #tpu.memory_space<vmem>>
        %get3A_751 = arith.index_cast %add3A_714 : i32 to index
        %get3A_752 = arith.constant 16 : index
        %get3A_753 = tpu.vector_load %get3A_750[%get3A_751, %get3A_752] {strides = array<i32>} : memref<128x128xf32, #tpu.memory_space<vmem>>, vector<1x16xf32>,
        %get3A_754 = vector.shape_cast %get3A_753 : vector<1x16xf32> to vector<16xf32>
        %add3A_755 = arith.addf %get3A_746, %get3A_754 : vector<16xf32>
        %add3A_756 = arith.addf %add3A_736, %add3A_755 : vector<16xf32>
        %mul3A_757 = arith.mulf %add3A_755, %add3A_755 : vector<16xf32>
        %add3A_758 = arith.addf %add3A_738, %mul3A_757 : vector<16xf32>
        %get3A_759 = arith.constant 0 : i32
        %get3A_760 = arith.constant 0 : i32
        %get3A_761 = tpu.memref_slice %arg11[%scan3A_190, %get3A_759, %get3A_760] : memref<2x128x128xf32, #tpu.memory_space<vmem>> -> memref<1x128x128xf32, #tpu.memory_space<vmem>>
        %get3A_762 = tpu.memref_squeeze %get3A_761 : memref<1x128x128xf32, #tpu.memory_space<vmem>> -> memref<128x128xf32, #tpu.memory_space<vmem>>
        %get3A_763 = arith.index_cast %add3A_714 : i32 to index
        %get3A_764 = arith.constant 32 : index
        %get3A_765 = tpu.vector_load %get3A_762[%get3A_763, %get3A_764] {strides = array<i32>} : memref<128x128xf32, #tpu.memory_space<vmem>>, vector<1x16xf32>,
        %get3A_766 = vector.shape_cast %get3A_765 : vector<1x16xf32> to vector<16xf32>
        %get3A_767 = arith.constant 0 : i32
        %get3A_768 = arith.constant 0 : i32
        %get3A_769 = tpu.memref_slice %arg12[%scan3A_191, %get3A_767, %get3A_768] : memref<2x128x128xf32, #tpu.memory_space<vmem>> -> memref<1x128x128xf32, #tpu.memory_space<vmem>>
        %get3A_770 = tpu.memref_squeeze %get3A_769 : memref<1x128x128xf32, #tpu.memory_space<vmem>> -> memref<128x128xf32, #tpu.memory_space<vmem>>
        %get3A_771 = arith.index_cast %add3A_714 : i32 to index
        %get3A_772 = arith.constant 32 : index
        %get3A_773 = tpu.vector_load %get3A_770[%get3A_771, %get3A_772] {strides = array<i32>} : memref<128x128xf32, #tpu.memory_space<vmem>>, vector<1x16xf32>,
        %get3A_774 = vector.shape_cast %get3A_773 : vector<1x16xf32> to vector<16xf32>
        %add3A_775 = arith.addf %get3A_766, %get3A_774 : vector<16xf32>
        %add3A_776 = arith.addf %add3A_756, %add3A_775 : vector<16xf32>
        %mul3A_777 = arith.mulf %add3A_775, %add3A_775 : vector<16xf32>
        %add3A_778 = arith.addf %add3A_758, %mul3A_777 : vector<16xf32>
        %get3A_779 = arith.constant 0 : i32
        %get3A_780 = arith.constant 0 : i32
        %get3A_781 = tpu.memref_slice %arg11[%scan3A_190, %get3A_779, %get3A_780] : memref<2x128x128xf32, #tpu.memory_space<vmem>> -> memref<1x128x128xf32, #tpu.memory_space<vmem>>
        %get3A_782 = tpu.memref_squeeze %get3A_781 : memref<1x128x128xf32, #tpu.memory_space<vmem>> -> memref<128x128xf32, #tpu.memory_space<vmem>>
        %get3A_783 = arith.index_cast %add3A_714 : i32 to index
        %get3A_784 = arith.constant 48 : index
        %get3A_785 = tpu.vector_load %get3A_782[%get3A_783, %get3A_784] {strides = array<i32>} : memref<128x128xf32, #tpu.memory_space<vmem>>, vector<1x16xf32>,
        %get3A_786 = vector.shape_cast %get3A_785 : vector<1x16xf32> to vector<16xf32>
        %get3A_787 = arith.constant 0 : i32
        %get3A_788 = arith.constant 0 : i32
        %get3A_789 = tpu.memref_slice %arg12[%scan3A_191, %get3A_787, %get3A_788] : memref<2x128x128xf32, #tpu.memory_space<vmem>> -> memref<1x128x128xf32, #tpu.memory_space<vmem>>
        %get3A_790 = tpu.memref_squeeze %get3A_789 : memref<1x128x128xf32, #tpu.memory_space<vmem>> -> memref<128x128xf32, #tpu.memory_space<vmem>>
        %get3A_791 = arith.index_cast %add3A_714 : i32 to index
        %get3A_792 = arith.constant 48 : index
        %get3A_793 = tpu.vector_load %get3A_790[%get3A_791, %get3A_792] {strides = array<i32>} : memref<128x128xf32, #tpu.memory_space<vmem>>, vector<1x16xf32>,
        %get3A_794 = vector.shape_cast %get3A_793 : vector<1x16xf32> to vector<16xf32>
        %add3A_795 = arith.addf %get3A_786, %get3A_794 : vector<16xf32>
        %add3A_796 = arith.addf %add3A_776, %add3A_795 : vector<16xf32>
        %mul3A_797 = arith.mulf %add3A_795, %add3A_795 : vector<16xf32>
        %add3A_798 = arith.addf %add3A_778, %mul3A_797 : vector<16xf32>
        %get3A_799 = arith.constant 0 : i32
        %get3A_800 = arith.constant 0 : i32
        %get3A_801 = tpu.memref_slice %arg11[%scan3A_190, %get3A_799, %get3A_800] : memref<2x128x128xf32, #tpu.memory_space<vmem>> -> memref<1x128x128xf32, #tpu.memory_space<vmem>>
        %get3A_802 = tpu.memref_squeeze %get3A_801 : memref<1x128x128xf32, #tpu.memory_space<vmem>> -> memref<128x128xf32, #tpu.memory_space<vmem>>
        %get3A_803 = arith.index_cast %add3A_714 : i32 to index
        %get3A_804 = arith.constant 64 : index
        %get3A_805 = tpu.vector_load %get3A_802[%get3A_803, %get3A_804] {strides = array<i32>} : memref<128x128xf32, #tpu.memory_space<vmem>>, vector<1x16xf32>,
        %get3A_806 = vector.shape_cast %get3A_805 : vector<1x16xf32> to vector<16xf32>
        %get3A_807 = arith.constant 0 : i32
        %get3A_808 = arith.constant 0 : i32
        %get3A_809 = tpu.memref_slice %arg12[%scan3A_191, %get3A_807, %get3A_808] : memref<2x128x128xf32, #tpu.memory_space<vmem>> -> memref<1x128x128xf32, #tpu.memory_space<vmem>>
        %get3A_810 = tpu.memref_squeeze %get3A_809 : memref<1x128x128xf32, #tpu.memory_space<vmem>> -> memref<128x128xf32, #tpu.memory_space<vmem>>
        %get3A_811 = arith.index_cast %add3A_714 : i32 to index
        %get3A_812 = arith.constant 64 : index
        %get3A_813 = tpu.vector_load %get3A_810[%get3A_811, %get3A_812] {strides = array<i32>} : memref<128x128xf32, #tpu.memory_space<vmem>>, vector<1x16xf32>,
        %get3A_814 = vector.shape_cast %get3A_813 : vector<1x16xf32> to vector<16xf32>
        %add3A_815 = arith.addf %get3A_806, %get3A_814 : vector<16xf32>
        %add3A_816 = arith.addf %add3A_796, %add3A_815 : vector<16xf32>
        %mul3A_817 = arith.mulf %add3A_815, %add3A_815 : vector<16xf32>
        %add3A_818 = arith.addf %add3A_798, %mul3A_817 : vector<16xf32>
        %get3A_819 = arith.constant 0 : i32
        %get3A_820 = arith.constant 0 : i32
        %get3A_821 = tpu.memref_slice %arg11[%scan3A_190, %get3A_819, %get3A_820] : memref<2x128x128xf32, #tpu.memory_space<vmem>> -> memref<1x128x128xf32, #tpu.memory_space<vmem>>
        %get3A_822 = tpu.memref_squeeze %get3A_821 : memref<1x128x128xf32, #tpu.memory_space<vmem>> -> memref<128x128xf32, #tpu.memory_space<vmem>>
        %get3A_823 = arith.index_cast %add3A_714 : i32 to index
        %get3A_824 = arith.constant 80 : index
        %get3A_825 = tpu.vector_load %get3A_822[%get3A_823, %get3A_824] {strides = array<i32>} : memref<128x128xf32, #tpu.memory_space<vmem>>, vector<1x16xf32>,
        %get3A_826 = vector.shape_cast %get3A_825 : vector<1x16xf32> to vector<16xf32>
        %get3A_827 = arith.constant 0 : i32
        %get3A_828 = arith.constant 0 : i32
        %get3A_829 = tpu.memref_slice %arg12[%scan3A_191, %get3A_827, %get3A_828] : memref<2x128x128xf32, #tpu.memory_space<vmem>> -> memref<1x128x128xf32, #tpu.memory_space<vmem>>
        %get3A_830 = tpu.memref_squeeze %get3A_829 : memref<1x128x128xf32, #tpu.memory_space<vmem>> -> memref<128x128xf32, #tpu.memory_space<vmem>>
        %get3A_831 = arith.index_cast %add3A_714 : i32 to index
        %get3A_832 = arith.constant 80 : index
        %get3A_833 = tpu.vector_load %get3A_830[%get3A_831, %get3A_832] {strides = array<i32>} : memref<128x128xf32, #tpu.memory_space<vmem>>, vector<1x16xf32>,
        %get3A_834 = vector.shape_cast %get3A_833 : vector<1x16xf32> to vector<16xf32>
        %add3A_835 = arith.addf %get3A_826, %get3A_834 : vector<16xf32>
        %add3A_836 = arith.addf %add3A_816, %add3A_835 : vector<16xf32>
        %mul3A_837 = arith.mulf %add3A_835, %add3A_835 : vector<16xf32>
        %add3A_838 = arith.addf %add3A_818, %mul3A_837 : vector<16xf32>
        %get3A_839 = arith.constant 0 : i32
        %get3A_840 = arith.constant 0 : i32
        %get3A_841 = tpu.memref_slice %arg11[%scan3A_190, %get3A_839, %get3A_840] : memref<2x128x128xf32, #tpu.memory_space<vmem>> -> memref<1x128x128xf32, #tpu.memory_space<vmem>>
        %get3A_842 = tpu.memref_squeeze %get3A_841 : memref<1x128x128xf32, #tpu.memory_space<vmem>> -> memref<128x128xf32, #tpu.memory_space<vmem>>
        %get3A_843 = arith.index_cast %add3A_714 : i32 to index
        %get3A_844 = arith.constant 96 : index
        %get3A_845 = tpu.vector_load %get3A_842[%get3A_843, %get3A_844] {strides = array<i32>} : memref<128x128xf32, #tpu.memory_space<vmem>>, vector<1x16xf32>,
        %get3A_846 = vector.shape_cast %get3A_845 : vector<1x16xf32> to vector<16xf32>
        %get3A_847 = arith.constant 0 : i32
        %get3A_848 = arith.constant 0 : i32
        %get3A_849 = tpu.memref_slice %arg12[%scan3A_191, %get3A_847, %get3A_848] : memref<2x128x128xf32, #tpu.memory_space<vmem>> -> memref<1x128x128xf32, #tpu.memory_space<vmem>>
        %get3A_850 = tpu.memref_squeeze %get3A_849 : memref<1x128x128xf32, #tpu.memory_space<vmem>> -> memref<128x128xf32, #tpu.memory_space<vmem>>
        %get3A_851 = arith.index_cast %add3A_714 : i32 to index
        %get3A_852 = arith.constant 96 : index
        %get3A_853 = tpu.vector_load %get3A_850[%get3A_851, %get3A_852] {strides = array<i32>} : memref<128x128xf32, #tpu.memory_space<vmem>>, vector<1x16xf32>,
        %get3A_854 = vector.shape_cast %get3A_853 : vector<1x16xf32> to vector<16xf32>
        %add3A_855 = arith.addf %get3A_846, %get3A_854 : vector<16xf32>
        %add3A_856 = arith.addf %add3A_836, %add3A_855 : vector<16xf32>
        %mul3A_857 = arith.mulf %add3A_855, %add3A_855 : vector<16xf32>
        %add3A_858 = arith.addf %add3A_838, %mul3A_857 : vector<16xf32>
        %get3A_859 = arith.constant 0 : i32
        %get3A_860 = arith.constant 0 : i32
        %get3A_861 = tpu.memref_slice %arg11[%scan3A_190, %get3A_859, %get3A_860] : memref<2x128x128xf32, #tpu.memory_space<vmem>> -> memref<1x128x128xf32, #tpu.memory_space<vmem>>
        %get3A_862 = tpu.memref_squeeze %get3A_861 : memref<1x128x128xf32, #tpu.memory_space<vmem>> -> memref<128x128xf32, #tpu.memory_space<vmem>>
        %get3A_863 = arith.index_cast %add3A_714 : i32 to index
        %get3A_864 = arith.constant 112 : index
        %get3A_865 = tpu.vector_load %get3A_862[%get3A_863, %get3A_864] {strides = array<i32>} : memref<128x128xf32, #tpu.memory_space<vmem>>, vector<1x16xf32>,
        %get3A_866 = vector.shape_cast %get3A_865 : vector<1x16xf32> to vector<16xf32>
        %get3A_867 = arith.constant 0 : i32
        %get3A_868 = arith.constant 0 : i32
        %get3A_869 = tpu.memref_slice %arg12[%scan3A_191, %get3A_867, %get3A_868] : memref<2x128x128xf32, #tpu.memory_space<vmem>> -> memref<1x128x128xf32, #tpu.memory_space<vmem>>
        %get3A_870 = tpu.memref_squeeze %get3A_869 : memref<1x128x128xf32, #tpu.memory_space<vmem>> -> memref<128x128xf32, #tpu.memory_space<vmem>>
        %get3A_871 = arith.index_cast %add3A_714 : i32 to index
        %get3A_872 = arith.constant 112 : index
        %get3A_873 = tpu.vector_load %get3A_870[%get3A_871, %get3A_872] {strides = array<i32>} : memref<128x128xf32, #tpu.memory_space<vmem>>, vector<1x16xf32>,
        %get3A_874 = vector.shape_cast %get3A_873 : vector<1x16xf32> to vector<16xf32>
        %add3A_875 = arith.addf %get3A_866, %get3A_874 : vector<16xf32>
        %add3A_876 = arith.addf %add3A_856, %add3A_875 : vector<16xf32>
        %mul3A_877 = arith.mulf %add3A_875, %add3A_875 : vector<16xf32>
        %add3A_878 = arith.addf %add3A_858, %mul3A_877 : vector<16xf32>
        %iota3A_879 = tpu.iota {dimensions = array<i32: 0>} : vector<16xi32>
        %add3A_880 = arith.constant 8 : i32
        %add3A_881 = vector.broadcast %add3A_880 : i32 to vector<16xi32>
        %add3A_882 = arith.addi %iota3A_879, %add3A_881 : vector<16xi32>
        %and3A_883 = arith.constant 15 : i32
        %and3A_884 = vector.broadcast %and3A_883 : i32 to vector<16xi32>
        %and3A_885 = arith.andi %add3A_882, %and3A_884 : vector<16xi32>
        %lt3A_886 = arith.constant 0 : i32
        %lt3A_887 = vector.broadcast %lt3A_886 : i32 to vector<16xi32>
        %lt3A_888 = arith.cmpi slt, %and3A_885, %lt3A_887 : vector<16xi32>
        %add3A_889 = arith.constant 16 : i32
        %add3A_890 = vector.broadcast %add3A_889 : i32 to vector<16xi32>
        %add3A_891 = arith.addi %and3A_885, %add3A_890 : vector<16xi32>
        %select_n3A_892 = arith.select %lt3A_888, %add3A_891, %and3A_885 : vector<16xi1>, vector<16xi32>
        %broadcast_in_dim3A_893 = vector.shape_cast %select_n3A_892 : vector<16xi32> to vector<16x1xi32>
        %gather3A_894 = vector.shape_cast %broadcast_in_dim3A_893 : vector<16x1xi32> to vector<16xi32>
        %gather3A_895 = tpu.dynamic_gather %add3A_876[%gather3A_894] in [0] : vector<16xf32>, vector<16xi32> -> vector<16xf32>
        %add3A_896 = arith.addf %add3A_876, %gather3A_895 : vector<16xf32>
        %add3A_897 = arith.constant 4 : i32
        %add3A_898 = vector.broadcast %add3A_897 : i32 to vector<16xi32>
        %add3A_899 = arith.addi %iota3A_879, %add3A_898 : vector<16xi32>
        %and3A_900 = arith.constant 15 : i32
        %and3A_901 = vector.broadcast %and3A_900 : i32 to vector<16xi32>
        %and3A_902 = arith.andi %add3A_899, %and3A_901 : vector<16xi32>
        %lt3A_903 = arith.constant 0 : i32
        %lt3A_904 = vector.broadcast %lt3A_903 : i32 to vector<16xi32>
        %lt3A_905 = arith.cmpi slt, %and3A_902, %lt3A_904 : vector<16xi32>
        %add3A_906 = arith.constant 16 : i32
        %add3A_907 = vector.broadcast %add3A_906 : i32 to vector<16xi32>
        %add3A_908 = arith.addi %and3A_902, %add3A_907 : vector<16xi32>
        %select_n3A_909 = arith.select %lt3A_905, %add3A_908, %and3A_902 : vector<16xi1>, vector<16xi32>
        %broadcast_in_dim3A_910 = vector.shape_cast %select_n3A_909 : vector<16xi32> to vector<16x1xi32>
        %gather3A_911 = vector.shape_cast %broadcast_in_dim3A_910 : vector<16x1xi32> to vector<16xi32>
        %gather3A_912 = tpu.dynamic_gather %add3A_896[%gather3A_911] in [0] : vector<16xf32>, vector<16xi32> -> vector<16xf32>
        %add3A_913 = arith.addf %add3A_896, %gather3A_912 : vector<16xf32>
        %add3A_914 = arith.constant 2 : i32
        %add3A_915 = vector.broadcast %add3A_914 : i32 to vector<16xi32>
        %add3A_916 = arith.addi %iota3A_879, %add3A_915 : vector<16xi32>
        %and3A_917 = arith.constant 15 : i32
        %and3A_918 = vector.broadcast %and3A_917 : i32 to vector<16xi32>
        %and3A_919 = arith.andi %add3A_916, %and3A_918 : vector<16xi32>
        %lt3A_920 = arith.constant 0 : i32
        %lt3A_921 = vector.broadcast %lt3A_920 : i32 to vector<16xi32>
        %lt3A_922 = arith.cmpi slt, %and3A_919, %lt3A_921 : vector<16xi32>
        %add3A_923 = arith.constant 16 : i32
        %add3A_924 = vector.broadcast %add3A_923 : i32 to vector<16xi32>
        %add3A_925 = arith.addi %and3A_919, %add3A_924 : vector<16xi32>
        %select_n3A_926 = arith.select %lt3A_922, %add3A_925, %and3A_919 : vector<16xi1>, vector<16xi32>
        %broadcast_in_dim3A_927 = vector.shape_cast %select_n3A_926 : vector<16xi32> to vector<16x1xi32>
        %gather3A_928 = vector.shape_cast %broadcast_in_dim3A_927 : vector<16x1xi32> to vector<16xi32>
        %gather3A_929 = tpu.dynamic_gather %add3A_913[%gather3A_928] in [0] : vector<16xf32>, vector<16xi32> -> vector<16xf32>
        %add3A_930 = arith.addf %add3A_913, %gather3A_929 : vector<16xf32>
        %add3A_931 = arith.constant 1 : i32
        %add3A_932 = vector.broadcast %add3A_931 : i32 to vector<16xi32>
        %add3A_933 = arith.addi %iota3A_879, %add3A_932 : vector<16xi32>
        %and3A_934 = arith.constant 15 : i32
        %and3A_935 = vector.broadcast %and3A_934 : i32 to vector<16xi32>
        %and3A_936 = arith.andi %add3A_933, %and3A_935 : vector<16xi32>
        %lt3A_937 = arith.constant 0 : i32
        %lt3A_938 = vector.broadcast %lt3A_937 : i32 to vector<16xi32>
        %lt3A_939 = arith.cmpi slt, %and3A_936, %lt3A_938 : vector<16xi32>
        %add3A_940 = arith.constant 16 : i32
        %add3A_941 = vector.broadcast %add3A_940 : i32 to vector<16xi32>
        %add3A_942 = arith.addi %and3A_936, %add3A_941 : vector<16xi32>
        %select_n3A_943 = arith.select %lt3A_939, %add3A_942, %and3A_936 : vector<16xi1>, vector<16xi32>
        %broadcast_in_dim3A_944 = vector.shape_cast %select_n3A_943 : vector<16xi32> to vector<16x1xi32>
        %gather3A_945 = vector.shape_cast %broadcast_in_dim3A_944 : vector<16x1xi32> to vector<16xi32>
        %gather3A_946 = tpu.dynamic_gather %add3A_930[%gather3A_945] in [0] : vector<16xf32>, vector<16xi32> -> vector<16xf32>
        %add3A_947 = arith.addf %add3A_930, %gather3A_946 : vector<16xf32>
        %mul3A_948 = arith.constant 7.812500e-03 : f32
        %mul3A_949 = vector.broadcast %mul3A_948 : f32 to vector<16xf32>
        %mul3A_950 = arith.mulf %add3A_947, %mul3A_949 : vector<16xf32>
        %iota3A_951 = tpu.iota {dimensions = array<i32: 0>} : vector<16xi32>
        %add3A_952 = arith.constant 8 : i32
        %add3A_953 = vector.broadcast %add3A_952 : i32 to vector<16xi32>
        %add3A_954 = arith.addi %iota3A_951, %add3A_953 : vector<16xi32>
        %and3A_955 = arith.constant 15 : i32
        %and3A_956 = vector.broadcast %and3A_955 : i32 to vector<16xi32>
        %and3A_957 = arith.andi %add3A_954, %and3A_956 : vector<16xi32>
        %lt3A_958 = arith.constant 0 : i32
        %lt3A_959 = vector.broadcast %lt3A_958 : i32 to vector<16xi32>
        %lt3A_960 = arith.cmpi slt, %and3A_957, %lt3A_959 : vector<16xi32>
        %add3A_961 = arith.constant 16 : i32
        %add3A_962 = vector.broadcast %add3A_961 : i32 to vector<16xi32>
        %add3A_963 = arith.addi %and3A_957, %add3A_962 : vector<16xi32>
        %select_n3A_964 = arith.select %lt3A_960, %add3A_963, %and3A_957 : vector<16xi1>, vector<16xi32>
        %broadcast_in_dim3A_965 = vector.shape_cast %select_n3A_964 : vector<16xi32> to vector<16x1xi32>
        %gather3A_966 = vector.shape_cast %broadcast_in_dim3A_965 : vector<16x1xi32> to vector<16xi32>
        %gather3A_967 = tpu.dynamic_gather %add3A_878[%gather3A_966] in [0] : vector<16xf32>, vector<16xi32> -> vector<16xf32>
        %add3A_968 = arith.addf %add3A_878, %gather3A_967 : vector<16xf32>
        %add3A_969 = arith.constant 4 : i32
        %add3A_970 = vector.broadcast %add3A_969 : i32 to vector<16xi32>
        %add3A_971 = arith.addi %iota3A_951, %add3A_970 : vector<16xi32>
        %and3A_972 = arith.constant 15 : i32
        %and3A_973 = vector.broadcast %and3A_972 : i32 to vector<16xi32>
        %and3A_974 = arith.andi %add3A_971, %and3A_973 : vector<16xi32>
        %lt3A_975 = arith.constant 0 : i32
        %lt3A_976 = vector.broadcast %lt3A_975 : i32 to vector<16xi32>
        %lt3A_977 = arith.cmpi slt, %and3A_974, %lt3A_976 : vector<16xi32>
        %add3A_978 = arith.constant 16 : i32
        %add3A_979 = vector.broadcast %add3A_978 : i32 to vector<16xi32>
        %add3A_980 = arith.addi %and3A_974, %add3A_979 : vector<16xi32>
        %select_n3A_981 = arith.select %lt3A_977, %add3A_980, %and3A_974 : vector<16xi1>, vector<16xi32>
        %broadcast_in_dim3A_982 = vector.shape_cast %select_n3A_981 : vector<16xi32> to vector<16x1xi32>
        %gather3A_983 = vector.shape_cast %broadcast_in_dim3A_982 : vector<16x1xi32> to vector<16xi32>
        %gather3A_984 = tpu.dynamic_gather %add3A_968[%gather3A_983] in [0] : vector<16xf32>, vector<16xi32> -> vector<16xf32>
        %add3A_985 = arith.addf %add3A_968, %gather3A_984 : vector<16xf32>
        %add3A_986 = arith.constant 2 : i32
        %add3A_987 = vector.broadcast %add3A_986 : i32 to vector<16xi32>
        %add3A_988 = arith.addi %iota3A_951, %add3A_987 : vector<16xi32>
        %and3A_989 = arith.constant 15 : i32
        %and3A_990 = vector.broadcast %and3A_989 : i32 to vector<16xi32>
        %and3A_991 = arith.andi %add3A_988, %and3A_990 : vector<16xi32>
        %lt3A_992 = arith.constant 0 : i32
        %lt3A_993 = vector.broadcast %lt3A_992 : i32 to vector<16xi32>
        %lt3A_994 = arith.cmpi slt, %and3A_991, %lt3A_993 : vector<16xi32>
        %add3A_995 = arith.constant 16 : i32
        %add3A_996 = vector.broadcast %add3A_995 : i32 to vector<16xi32>
        %add3A_997 = arith.addi %and3A_991, %add3A_996 : vector<16xi32>
        %select_n3A_998 = arith.select %lt3A_994, %add3A_997, %and3A_991 : vector<16xi1>, vector<16xi32>
        %broadcast_in_dim3A_999 = vector.shape_cast %select_n3A_998 : vector<16xi32> to vector<16x1xi32>
        %gather3A_1000 = vector.shape_cast %broadcast_in_dim3A_999 : vector<16x1xi32> to vector<16xi32>
        %gather3A_1001 = tpu.dynamic_gather %add3A_985[%gather3A_1000] in [0] : vector<16xf32>, vector<16xi32> -> vector<16xf32>
        %add3A_1002 = arith.addf %add3A_985, %gather3A_1001 : vector<16xf32>
        %add3A_1003 = arith.constant 1 : i32
        %add3A_1004 = vector.broadcast %add3A_1003 : i32 to vector<16xi32>
        %add3A_1005 = arith.addi %iota3A_951, %add3A_1004 : vector<16xi32>
        %and3A_1006 = arith.constant 15 : i32
        %and3A_1007 = vector.broadcast %and3A_1006 : i32 to vector<16xi32>
        %and3A_1008 = arith.andi %add3A_1005, %and3A_1007 : vector<16xi32>
        %lt3A_1009 = arith.constant 0 : i32
        %lt3A_1010 = vector.broadcast %lt3A_1009 : i32 to vector<16xi32>
        %lt3A_1011 = arith.cmpi slt, %and3A_1008, %lt3A_1010 : vector<16xi32>
        %add3A_1012 = arith.constant 16 : i32
        %add3A_1013 = vector.broadcast %add3A_1012 : i32 to vector<16xi32>
        %add3A_1014 = arith.addi %and3A_1008, %add3A_1013 : vector<16xi32>
        %select_n3A_1015 = arith.select %lt3A_1011, %add3A_1014, %and3A_1008 : vector<16xi1>, vector<16xi32>
        %broadcast_in_dim3A_1016 = vector.shape_cast %select_n3A_1015 : vector<16xi32> to vector<16x1xi32>
        %gather3A_1017 = vector.shape_cast %broadcast_in_dim3A_1016 : vector<16x1xi32> to vector<16xi32>
        %gather3A_1018 = tpu.dynamic_gather %add3A_1002[%gather3A_1017] in [0] : vector<16xf32>, vector<16xi32> -> vector<16xf32>
        %add3A_1019 = arith.addf %add3A_1002, %gather3A_1018 : vector<16xf32>
        %mul3A_1020 = arith.constant 7.812500e-03 : f32
        %mul3A_1021 = vector.broadcast %mul3A_1020 : f32 to vector<16xf32>
        %mul3A_1022 = arith.mulf %add3A_1019, %mul3A_1021 : vector<16xf32>
        %mul3A_1023 = arith.mulf %mul3A_950, %mul3A_950 : vector<16xf32>
        %sub3A_1024 = arith.subf %mul3A_1022, %mul3A_1023 : vector<16xf32>
        %add3A_1025 = arith.constant 9.99999996E-13 : f32
        %add3A_1026 = vector.broadcast %add3A_1025 : f32 to vector<16xf32>
        %add3A_1027 = arith.addf %sub3A_1024, %add3A_1026 : vector<16xf32>
        %bitcast_convert_type3A_1028 = tpu.bitcast %add3A_1027 : vector<16xf32> -> vector<16xi32>
        %shift_right_arithmetic3A_1029 = arith.constant 1 : i32
        %shift_right_arithmetic3A_1030 = vector.broadcast %shift_right_arithmetic3A_1029 : i32 to vector<16xi32>
        %shift_right_arithmetic3A_1031 = arith.shrsi %bitcast_convert_type3A_1028, %shift_right_arithmetic3A_1030 : vector<16xi32>
        %sub3A_1032 = arith.constant 1597463007 : i32
        %sub3A_1033 = vector.broadcast %sub3A_1032 : i32 to vector<16xi32>
        %sub3A_1034 = arith.subi %sub3A_1033, %shift_right_arithmetic3A_1031 : vector<16xi32>
        %bitcast_convert_type3A_1035 = tpu.bitcast %sub3A_1034 : vector<16xi32> -> vector<16xf32>
        %mul3A_1036 = arith.constant 5.000000e-01 : f32
        %mul3A_1037 = vector.broadcast %mul3A_1036 : f32 to vector<16xf32>
        %mul3A_1038 = arith.mulf %mul3A_1037, %add3A_1027 : vector<16xf32>
        %mul3A_1039 = arith.mulf %mul3A_1038, %bitcast_convert_type3A_1035 : vector<16xf32>
        %mul3A_1040 = arith.mulf %mul3A_1039, %bitcast_convert_type3A_1035 : vector<16xf32>
        %sub3A_1041 = arith.constant 1.500000e+00 : f32
        %sub3A_1042 = vector.broadcast %sub3A_1041 : f32 to vector<16xf32>
        %sub3A_1043 = arith.subf %sub3A_1042, %mul3A_1040 : vector<16xf32>
        %mul3A_1044 = arith.mulf %bitcast_convert_type3A_1035, %sub3A_1043 : vector<16xf32>
        %mul3A_1045 = arith.constant 5.000000e-01 : f32
        %mul3A_1046 = vector.broadcast %mul3A_1045 : f32 to vector<16xf32>
        %mul3A_1047 = arith.mulf %mul3A_1046, %add3A_1027 : vector<16xf32>
        %mul3A_1048 = arith.mulf %mul3A_1047, %mul3A_1044 : vector<16xf32>
        %mul3A_1049 = arith.mulf %mul3A_1048, %mul3A_1044 : vector<16xf32>
        %sub3A_1050 = arith.constant 1.500000e+00 : f32
        %sub3A_1051 = vector.broadcast %sub3A_1050 : f32 to vector<16xf32>
        %sub3A_1052 = arith.subf %sub3A_1051, %mul3A_1049 : vector<16xf32>
        %mul3A_1053 = arith.mulf %mul3A_1044, %sub3A_1052 : vector<16xf32>
        %sub3A_1054 = arith.subf %add3A_735, %mul3A_950 : vector<16xf32>
        %mul3A_1055 = arith.mulf %sub3A_1054, %mul3A_1053 : vector<16xf32>
        %mul3A_1056 = arith.mulf %mul3A_1055, %get3A_7 : vector<16xf32>
        %add3A_1057 = arith.addf %mul3A_1056, %get3A_47 : vector<16xf32>
        %swap3A_1058 = arith.constant 0 : i32
        %swap3A_1059 = arith.constant 0 : i32
        %swap3A_1060 = tpu.memref_slice %arg13[%scan3A_192, %swap3A_1058, %swap3A_1059] : memref<2x128x128xf32, #tpu.memory_space<vmem>> -> memref<1x128x128xf32, #tpu.memory_space<vmem>>
        %swap3A_1061 = tpu.memref_squeeze %swap3A_1060 : memref<1x128x128xf32, #tpu.memory_space<vmem>> -> memref<128x128xf32, #tpu.memory_space<vmem>>
        %swap3A_1062 = arith.index_cast %add3A_714 : i32 to index
        %swap3A_1063 = arith.constant 0 : index
        %swap3A_1064 = tpu.vector_load %swap3A_1061[%swap3A_1062, %swap3A_1063] {strides = array<i32>} : memref<128x128xf32, #tpu.memory_space<vmem>>, vector<1x16xf32>,
        %swap3A_1065 = vector.shape_cast %swap3A_1064 : vector<1x16xf32> to vector<16xf32>
        %swap3A_1066 = vector.shape_cast %add3A_1057 : vector<16xf32> to vector<1x16xf32>
        tpu.vector_store %swap3A_1061[%swap3A_1062, %swap3A_1063], %swap3A_1066 {strides = array<i32>} : memref<128x128xf32, #tpu.memory_space<vmem>>, vector<1x16xf32>,
        %sub3A_1067 = arith.subf %add3A_755, %mul3A_950 : vector<16xf32>
        %mul3A_1068 = arith.mulf %sub3A_1067, %mul3A_1053 : vector<16xf32>
        %mul3A_1069 = arith.mulf %mul3A_1068, %get3A_12 : vector<16xf32>
        %add3A_1070 = arith.addf %mul3A_1069, %get3A_52 : vector<16xf32>
        %swap3A_1071 = arith.constant 0 : i32
        %swap3A_1072 = arith.constant 0 : i32
        %swap3A_1073 = tpu.memref_slice %arg13[%scan3A_192, %swap3A_1071, %swap3A_1072] : memref<2x128x128xf32, #tpu.memory_space<vmem>> -> memref<1x128x128xf32, #tpu.memory_space<vmem>>
        %swap3A_1074 = tpu.memref_squeeze %swap3A_1073 : memref<1x128x128xf32, #tpu.memory_space<vmem>> -> memref<128x128xf32, #tpu.memory_space<vmem>>
        %swap3A_1075 = arith.index_cast %add3A_714 : i32 to index
        %swap3A_1076 = arith.constant 16 : index
        %swap3A_1077 = tpu.vector_load %swap3A_1074[%swap3A_1075, %swap3A_1076] {strides = array<i32>} : memref<128x128xf32, #tpu.memory_space<vmem>>, vector<1x16xf32>,
        %swap3A_1078 = vector.shape_cast %swap3A_1077 : vector<1x16xf32> to vector<16xf32>
        %swap3A_1079 = vector.shape_cast %add3A_1070 : vector<16xf32> to vector<1x16xf32>
        tpu.vector_store %swap3A_1074[%swap3A_1075, %swap3A_1076], %swap3A_1079 {strides = array<i32>} : memref<128x128xf32, #tpu.memory_space<vmem>>, vector<1x16xf32>,
        %sub3A_1080 = arith.subf %add3A_775, %mul3A_950 : vector<16xf32>
        %mul3A_1081 = arith.mulf %sub3A_1080, %mul3A_1053 : vector<16xf32>
        %mul3A_1082 = arith.mulf %mul3A_1081, %get3A_17 : vector<16xf32>
        %add3A_1083 = arith.addf %mul3A_1082, %get3A_57 : vector<16xf32>
        %swap3A_1084 = arith.constant 0 : i32
        %swap3A_1085 = arith.constant 0 : i32
        %swap3A_1086 = tpu.memref_slice %arg13[%scan3A_192, %swap3A_1084, %swap3A_1085] : memref<2x128x128xf32, #tpu.memory_space<vmem>> -> memref<1x128x128xf32, #tpu.memory_space<vmem>>
        %swap3A_1087 = tpu.memref_squeeze %swap3A_1086 : memref<1x128x128xf32, #tpu.memory_space<vmem>> -> memref<128x128xf32, #tpu.memory_space<vmem>>
        %swap3A_1088 = arith.index_cast %add3A_714 : i32 to index
        %swap3A_1089 = arith.constant 32 : index
        %swap3A_1090 = tpu.vector_load %swap3A_1087[%swap3A_1088, %swap3A_1089] {strides = array<i32>} : memref<128x128xf32, #tpu.memory_space<vmem>>, vector<1x16xf32>,
        %swap3A_1091 = vector.shape_cast %swap3A_1090 : vector<1x16xf32> to vector<16xf32>
        %swap3A_1092 = vector.shape_cast %add3A_1083 : vector<16xf32> to vector<1x16xf32>
        tpu.vector_store %swap3A_1087[%swap3A_1088, %swap3A_1089], %swap3A_1092 {strides = array<i32>} : memref<128x128xf32, #tpu.memory_space<vmem>>, vector<1x16xf32>,
        %sub3A_1093 = arith.subf %add3A_795, %mul3A_950 : vector<16xf32>
        %mul3A_1094 = arith.mulf %sub3A_1093, %mul3A_1053 : vector<16xf32>
        %mul3A_1095 = arith.mulf %mul3A_1094, %get3A_22 : vector<16xf32>
        %add3A_1096 = arith.addf %mul3A_1095, %get3A_62 : vector<16xf32>
        %swap3A_1097 = arith.constant 0 : i32
        %swap3A_1098 = arith.constant 0 : i32
        %swap3A_1099 = tpu.memref_slice %arg13[%scan3A_192, %swap3A_1097, %swap3A_1098] : memref<2x128x128xf32, #tpu.memory_space<vmem>> -> memref<1x128x128xf32, #tpu.memory_space<vmem>>
        %swap3A_1100 = tpu.memref_squeeze %swap3A_1099 : memref<1x128x128xf32, #tpu.memory_space<vmem>> -> memref<128x128xf32, #tpu.memory_space<vmem>>
        %swap3A_1101 = arith.index_cast %add3A_714 : i32 to index
        %swap3A_1102 = arith.constant 48 : index
        %swap3A_1103 = tpu.vector_load %swap3A_1100[%swap3A_1101, %swap3A_1102] {strides = array<i32>} : memref<128x128xf32, #tpu.memory_space<vmem>>, vector<1x16xf32>,
        %swap3A_1104 = vector.shape_cast %swap3A_1103 : vector<1x16xf32> to vector<16xf32>
        %swap3A_1105 = vector.shape_cast %add3A_1096 : vector<16xf32> to vector<1x16xf32>
        tpu.vector_store %swap3A_1100[%swap3A_1101, %swap3A_1102], %swap3A_1105 {strides = array<i32>} : memref<128x128xf32, #tpu.memory_space<vmem>>, vector<1x16xf32>,
        %sub3A_1106 = arith.subf %add3A_815, %mul3A_950 : vector<16xf32>
        %mul3A_1107 = arith.mulf %sub3A_1106, %mul3A_1053 : vector<16xf32>
        %mul3A_1108 = arith.mulf %mul3A_1107, %get3A_27 : vector<16xf32>
        %add3A_1109 = arith.addf %mul3A_1108, %get3A_67 : vector<16xf32>
        %swap3A_1110 = arith.constant 0 : i32
        %swap3A_1111 = arith.constant 0 : i32
        %swap3A_1112 = tpu.memref_slice %arg13[%scan3A_192, %swap3A_1110, %swap3A_1111] : memref<2x128x128xf32, #tpu.memory_space<vmem>> -> memref<1x128x128xf32, #tpu.memory_space<vmem>>
        %swap3A_1113 = tpu.memref_squeeze %swap3A_1112 : memref<1x128x128xf32, #tpu.memory_space<vmem>> -> memref<128x128xf32, #tpu.memory_space<vmem>>
        %swap3A_1114 = arith.index_cast %add3A_714 : i32 to index
        %swap3A_1115 = arith.constant 64 : index
        %swap3A_1116 = tpu.vector_load %swap3A_1113[%swap3A_1114, %swap3A_1115] {strides = array<i32>} : memref<128x128xf32, #tpu.memory_space<vmem>>, vector<1x16xf32>,
        %swap3A_1117 = vector.shape_cast %swap3A_1116 : vector<1x16xf32> to vector<16xf32>
        %swap3A_1118 = vector.shape_cast %add3A_1109 : vector<16xf32> to vector<1x16xf32>
        tpu.vector_store %swap3A_1113[%swap3A_1114, %swap3A_1115], %swap3A_1118 {strides = array<i32>} : memref<128x128xf32, #tpu.memory_space<vmem>>, vector<1x16xf32>,
        %sub3A_1119 = arith.subf %add3A_835, %mul3A_950 : vector<16xf32>
        %mul3A_1120 = arith.mulf %sub3A_1119, %mul3A_1053 : vector<16xf32>
        %mul3A_1121 = arith.mulf %mul3A_1120, %get3A_32 : vector<16xf32>
        %add3A_1122 = arith.addf %mul3A_1121, %get3A_72 : vector<16xf32>
        %swap3A_1123 = arith.constant 0 : i32
        %swap3A_1124 = arith.constant 0 : i32
        %swap3A_1125 = tpu.memref_slice %arg13[%scan3A_192, %swap3A_1123, %swap3A_1124] : memref<2x128x128xf32, #tpu.memory_space<vmem>> -> memref<1x128x128xf32, #tpu.memory_space<vmem>>
        %swap3A_1126 = tpu.memref_squeeze %swap3A_1125 : memref<1x128x128xf32, #tpu.memory_space<vmem>> -> memref<128x128xf32, #tpu.memory_space<vmem>>
        %swap3A_1127 = arith.index_cast %add3A_714 : i32 to index
        %swap3A_1128 = arith.constant 80 : index
        %swap3A_1129 = tpu.vector_load %swap3A_1126[%swap3A_1127, %swap3A_1128] {strides = array<i32>} : memref<128x128xf32, #tpu.memory_space<vmem>>, vector<1x16xf32>,
        %swap3A_1130 = vector.shape_cast %swap3A_1129 : vector<1x16xf32> to vector<16xf32>
        %swap3A_1131 = vector.shape_cast %add3A_1122 : vector<16xf32> to vector<1x16xf32>
        tpu.vector_store %swap3A_1126[%swap3A_1127, %swap3A_1128], %swap3A_1131 {strides = array<i32>} : memref<128x128xf32, #tpu.memory_space<vmem>>, vector<1x16xf32>,
        %sub3A_1132 = arith.subf %add3A_855, %mul3A_950 : vector<16xf32>
        %mul3A_1133 = arith.mulf %sub3A_1132, %mul3A_1053 : vector<16xf32>
        %mul3A_1134 = arith.mulf %mul3A_1133, %get3A_37 : vector<16xf32>
        %add3A_1135 = arith.addf %mul3A_1134, %get3A_77 : vector<16xf32>
        %swap3A_1136 = arith.constant 0 : i32
        %swap3A_1137 = arith.constant 0 : i32
        %swap3A_1138 = tpu.memref_slice %arg13[%scan3A_192, %swap3A_1136, %swap3A_1137] : memref<2x128x128xf32, #tpu.memory_space<vmem>> -> memref<1x128x128xf32, #tpu.memory_space<vmem>>
        %swap3A_1139 = tpu.memref_squeeze %swap3A_1138 : memref<1x128x128xf32, #tpu.memory_space<vmem>> -> memref<128x128xf32, #tpu.memory_space<vmem>>
        %swap3A_1140 = arith.index_cast %add3A_714 : i32 to index
        %swap3A_1141 = arith.constant 96 : index
        %swap3A_1142 = tpu.vector_load %swap3A_1139[%swap3A_1140, %swap3A_1141] {strides = array<i32>} : memref<128x128xf32, #tpu.memory_space<vmem>>, vector<1x16xf32>,
        %swap3A_1143 = vector.shape_cast %swap3A_1142 : vector<1x16xf32> to vector<16xf32>
        %swap3A_1144 = vector.shape_cast %add3A_1135 : vector<16xf32> to vector<1x16xf32>
        tpu.vector_store %swap3A_1139[%swap3A_1140, %swap3A_1141], %swap3A_1144 {strides = array<i32>} : memref<128x128xf32, #tpu.memory_space<vmem>>, vector<1x16xf32>,
        %sub3A_1145 = arith.subf %add3A_875, %mul3A_950 : vector<16xf32>
        %mul3A_1146 = arith.mulf %sub3A_1145, %mul3A_1053 : vector<16xf32>
        %mul3A_1147 = arith.mulf %mul3A_1146, %get3A_42 : vector<16xf32>
        %add3A_1148 = arith.addf %mul3A_1147, %get3A_82 : vector<16xf32>
        %swap3A_1149 = arith.constant 0 : i32
        %swap3A_1150 = arith.constant 0 : i32
        %swap3A_1151 = tpu.memref_slice %arg13[%scan3A_192, %swap3A_1149, %swap3A_1150] : memref<2x128x128xf32, #tpu.memory_space<vmem>> -> memref<1x128x128xf32, #tpu.memory_space<vmem>>
        %swap3A_1152 = tpu.memref_squeeze %swap3A_1151 : memref<1x128x128xf32, #tpu.memory_space<vmem>> -> memref<128x128xf32, #tpu.memory_space<vmem>>
        %swap3A_1153 = arith.index_cast %add3A_714 : i32 to index
        %swap3A_1154 = arith.constant 112 : index
        %swap3A_1155 = tpu.vector_load %swap3A_1152[%swap3A_1153, %swap3A_1154] {strides = array<i32>} : memref<128x128xf32, #tpu.memory_space<vmem>>, vector<1x16xf32>,
        %swap3A_1156 = vector.shape_cast %swap3A_1155 : vector<1x16xf32> to vector<16xf32>
        %swap3A_1157 = vector.shape_cast %add3A_1148 : vector<16xf32> to vector<1x16xf32>
        tpu.vector_store %swap3A_1152[%swap3A_1153, %swap3A_1154], %swap3A_1157 {strides = array<i32>} : memref<128x128xf32, #tpu.memory_space<vmem>>, vector<1x16xf32>,
      }
      %scan3A_197 = arith.constant 64 : i32
      %mul3A_198 = arith.constant 128 : i32
      %mul3A_199 = arith.muli %mul3A_138, %mul3A_198 : i32
      %add3A_200 = arith.addi %mul3A_2, %mul3A_199 : i32
      %dma_start3A_201 = arith.constant 0 : i32
      %dma_start3A_202 = arith.constant 0 : i32
      %dma_start3A_203 = arith.constant 0 : i32
      %dma_start3A_204 = tpu.memref_slice %arg13[%dma_start3A_201, %dma_start3A_202, %dma_start3A_203] : memref<2x128x128xf32, #tpu.memory_space<vmem>> -> memref<1x128x128xf32, #tpu.memory_space<vmem>>
      %dma_start3A_205 = tpu.memref_squeeze %dma_start3A_204 : memref<1x128x128xf32, #tpu.memory_space<vmem>> -> memref<128x128xf32, #tpu.memory_space<vmem>>
      %dma_start3A_206 = arith.constant 0 : i32
      %dma_start3A_207 = tpu.memref_slice %arg8[%add3A_200, %dma_start3A_206] : memref<204800x128xf32, #tpu.memory_space<hbm>> -> memref<128x128xf32, #tpu.memory_space<hbm>>
      %dma_start3A_208 = arith.constant 0 : i32
      %dma_start3A_209 = tpu.memref_slice %arg8[%add3A_200, %dma_start3A_208] : memref<204800x128xf32, #tpu.memory_space<hbm>> -> memref<128x128xf32, #tpu.memory_space<hbm>>
      %dma_start3A_210 = arith.constant 0 : i32
      %dma_start3A_211 = arith.constant 0 : i32
      %dma_start3A_212 = tpu.memref_slice %arg13[%dma_start3A_201, %dma_start3A_210, %dma_start3A_211] : memref<2x128x128xf32, #tpu.memory_space<vmem>> -> memref<1x128x128xf32, #tpu.memory_space<vmem>>
      %dma_start3A_213 = tpu.memref_squeeze %dma_start3A_212 : memref<1x128x128xf32, #tpu.memory_space<vmem>> -> memref<128x128xf32, #tpu.memory_space<vmem>>
      tpu.enqueue_dma source(%dma_start3A_213 : memref<128x128xf32, #tpu.memory_space<vmem>>) target(%dma_start3A_209 : memref<128x128xf32, #tpu.memory_space<hbm>>) target_semaphore(%arg19 : memref<!tpu.dma_semaphore, #tpu.memory_space<semaphore_mem>>)
      %add3A_214 = arith.constant 1 : i32
      %add3A_215 = arith.addi %scan3A_136, %add3A_214 : i32
      %lt3A = arith.constant 25 : i32
      %lt3A_216 = arith.cmpi slt, %add3A_215, %lt3A : i32
      %convert_element_type3A_217 = arith.extui %lt3A_216 : i1 to i32
      %cond3A_218 = arith.constant 0 : i32
      %cond3A_219 = arith.cmpi ne, %convert_element_type3A_217, %cond3A_218 : i32
      scf.if %cond3A_219 {
        %add3A_272 = arith.constant 2 : i32
        %add3A_273 = arith.addi %mul3A_138, %add3A_272 : i32
        %mul3A_274 = arith.constant 128 : i32
        %mul3A_275 = arith.muli %add3A_273, %mul3A_274 : i32
        %mul3A_276 = arith.constant 128 : i32
        %mul3A_277 = arith.muli %add3A_273, %mul3A_276 : i32
        %dma_start3A_278 = arith.constant 0 : i32
        %dma_start3A_279 = arith.constant 0 : i32
        %dma_start3A_280 = arith.constant 0 : i32
        %dma_start3A_281 = tpu.memref_slice %arg11[%dma_start3A_278, %dma_start3A_279, %dma_start3A_280] : memref<2x128x128xf32, #tpu.memory_space<vmem>> -> memref<1x128x128xf32, #tpu.memory_space<vmem>>
        %dma_start3A_282 = tpu.memref_squeeze %dma_start3A_281 : memref<1x128x128xf32, #tpu.memory_space<vmem>> -> memref<128x128xf32, #tpu.memory_space<vmem>>
        %dma_start3A_283 = tpu.memref_slice %arg9[%mul3A_275] : memref<6400xi32, #tpu.memory_space<vmem>> -> memref<128xi32, #tpu.memory_space<vmem>>
        %dma_start3A_284 = arith.constant 0 : i32
        %dma_start3A_285 = arith.constant 0 : i32
        %dma_start3A_286 = tpu.memref_slice %arg4[%dma_start3A_284, %dma_start3A_285] : memref<100000x128xf32, #tpu.memory_space<hbm>> -> memref<100000x128xf32, #tpu.memory_space<hbm>>
        tpu.enqueue_indirect_dma source(%dma_start3A_286 : memref<100000x128xf32, #tpu.memory_space<hbm>>) target(%dma_start3A_282 : memref<128x128xf32, #tpu.memory_space<vmem>>) offsets(%dma_start3A_283 : memref<128xi32, #tpu.memory_space<vmem>>) semaphore(%arg15 : memref<!tpu.dma_semaphore, #tpu.memory_space<semaphore_mem>>)
        %dma_start3A_287 = arith.constant 0 : i32
        %dma_start3A_288 = arith.constant 0 : i32
        %dma_start3A_289 = arith.constant 0 : i32
        %dma_start3A_290 = tpu.memref_slice %arg12[%dma_start3A_287, %dma_start3A_288, %dma_start3A_289] : memref<2x128x128xf32, #tpu.memory_space<vmem>> -> memref<1x128x128xf32, #tpu.memory_space<vmem>>
        %dma_start3A_291 = tpu.memref_squeeze %dma_start3A_290 : memref<1x128x128xf32, #tpu.memory_space<vmem>> -> memref<128x128xf32, #tpu.memory_space<vmem>>
        %dma_start3A_292 = tpu.memref_slice %arg10[%mul3A_277] : memref<6400xi32, #tpu.memory_space<vmem>> -> memref<128xi32, #tpu.memory_space<vmem>>
        %dma_start3A_293 = arith.constant 0 : i32
        %dma_start3A_294 = arith.constant 0 : i32
        %dma_start3A_295 = tpu.memref_slice %arg5[%dma_start3A_293, %dma_start3A_294] : memref<400x128xf32, #tpu.memory_space<hbm>> -> memref<400x128xf32, #tpu.memory_space<hbm>>
        tpu.enqueue_indirect_dma source(%dma_start3A_295 : memref<400x128xf32, #tpu.memory_space<hbm>>) target(%dma_start3A_291 : memref<128x128xf32, #tpu.memory_space<vmem>>) offsets(%dma_start3A_292 : memref<128xi32, #tpu.memory_space<vmem>>) semaphore(%arg17 : memref<!tpu.dma_semaphore, #tpu.memory_space<semaphore_mem>>)
      } else {
      }
      %mul3A_220 = arith.constant 128 : i32
      %mul3A_221 = arith.muli %add3A_142, %mul3A_220 : i32
      %mul3A_222 = arith.constant 128 : i32
      %mul3A_223 = arith.muli %add3A_142, %mul3A_222 : i32
      %dma_wait3A_224 = arith.constant 1 : i32
      %dma_wait3A_225 = arith.constant 0 : i32
      %dma_wait3A_226 = arith.constant 0 : i32
      %dma_wait3A_227 = tpu.memref_slice %arg11[%dma_wait3A_224, %dma_wait3A_225, %dma_wait3A_226] : memref<2x128x128xf32, #tpu.memory_space<vmem>> -> memref<1x128x128xf32, #tpu.memory_space<vmem>>
      %dma_wait3A_228 = tpu.memref_squeeze %dma_wait3A_227 : memref<1x128x128xf32, #tpu.memory_space<vmem>> -> memref<128x128xf32, #tpu.memory_space<vmem>>
      %dma_wait3A_229 = tpu.memref_slice %arg9[%mul3A_221] : memref<6400xi32, #tpu.memory_space<vmem>> -> memref<128xi32, #tpu.memory_space<vmem>>
      %dma_wait3A_230 = arith.constant 0 : i32
      %dma_wait3A_231 = arith.constant 0 : i32
      %dma_wait3A_232 = tpu.memref_slice %arg4[%dma_wait3A_230, %dma_wait3A_231] : memref<100000x128xf32, #tpu.memory_space<hbm>> -> memref<100000x128xf32, #tpu.memory_space<hbm>>
      tpu.wait_indirect_dma semaphore(%arg16 : memref<!tpu.dma_semaphore, #tpu.memory_space<semaphore_mem>>) src(%dma_wait3A_232 : memref<100000x128xf32, #tpu.memory_space<hbm>>) dst(%dma_wait3A_228 : memref<128x128xf32, #tpu.memory_space<vmem>>)
      %dma_wait3A_233 = arith.constant 1 : i32
      %dma_wait3A_234 = arith.constant 0 : i32
      %dma_wait3A_235 = arith.constant 0 : i32
      %dma_wait3A_236 = tpu.memref_slice %arg12[%dma_wait3A_233, %dma_wait3A_234, %dma_wait3A_235] : memref<2x128x128xf32, #tpu.memory_space<vmem>> -> memref<1x128x128xf32, #tpu.memory_space<vmem>>
      %dma_wait3A_237 = tpu.memref_squeeze %dma_wait3A_236 : memref<1x128x128xf32, #tpu.memory_space<vmem>> -> memref<128x128xf32, #tpu.memory_space<vmem>>
      %dma_wait3A_238 = tpu.memref_slice %arg10[%mul3A_223] : memref<6400xi32, #tpu.memory_space<vmem>> -> memref<128xi32, #tpu.memory_space<vmem>>
      %dma_wait3A_239 = arith.constant 0 : i32
      %dma_wait3A_240 = arith.constant 0 : i32
      %dma_wait3A_241 = tpu.memref_slice %arg5[%dma_wait3A_239, %dma_wait3A_240] : memref<400x128xf32, #tpu.memory_space<hbm>> -> memref<400x128xf32, #tpu.memory_space<hbm>>
      tpu.wait_indirect_dma semaphore(%arg18 : memref<!tpu.dma_semaphore, #tpu.memory_space<semaphore_mem>>) src(%dma_wait3A_241 : memref<400x128xf32, #tpu.memory_space<hbm>>) dst(%dma_wait3A_237 : memref<128x128xf32, #tpu.memory_space<vmem>>)
      %gt3A_242 = arith.constant 0 : i32
      %gt3A_243 = arith.cmpi sgt, %scan3A_136, %gt3A_242 : i32
      %convert_element_type3A_244 = arith.extui %gt3A_243 : i1 to i32
      %cond3A_245 = arith.constant 0 : i32
      %cond3A_246 = arith.cmpi ne, %convert_element_type3A_244, %cond3A_245 : i32
      scf.if %cond3A_246 {
        %sub3A = arith.constant 2 : i32
        %sub3A_272 = arith.subi %add3A_142, %sub3A : i32
        %mul3A_273 = arith.constant 128 : i32
        %mul3A_274 = arith.muli %sub3A_272, %mul3A_273 : i32
        %add3A_275 = arith.addi %mul3A_2, %mul3A_274 : i32
        %dma_wait3A_276 = arith.constant 1 : i32
        %dma_wait3A_277 = arith.constant 0 : i32
        %dma_wait3A_278 = arith.constant 0 : i32
        %dma_wait3A_279 = tpu.memref_slice %arg13[%dma_wait3A_276, %dma_wait3A_277, %dma_wait3A_278] : memref<2x128x128xf32, #tpu.memory_space<vmem>> -> memref<1x128x128xf32, #tpu.memory_space<vmem>>
        %dma_wait3A_280 = tpu.memref_squeeze %dma_wait3A_279 : memref<1x128x128xf32, #tpu.memory_space<vmem>> -> memref<128x128xf32, #tpu.memory_space<vmem>>
        %dma_wait3A_281 = arith.constant 0 : i32
        %dma_wait3A_282 = tpu.memref_slice %arg8[%add3A_275, %dma_wait3A_281] : memref<204800x128xf32, #tpu.memory_space<hbm>> -> memref<128x128xf32, #tpu.memory_space<hbm>>
        %dma_wait3A_283 = arith.constant 0 : i32
        %dma_wait3A_284 = tpu.memref_slice %arg8[%add3A_275, %dma_wait3A_283] : memref<204800x128xf32, #tpu.memory_space<hbm>> -> memref<128x128xf32, #tpu.memory_space<hbm>>
        %dma_wait3A_285 = arith.constant 0 : i32
        %dma_wait3A_286 = arith.constant 0 : i32
        %dma_wait3A_287 = tpu.memref_slice %arg13[%dma_wait3A_276, %dma_wait3A_285, %dma_wait3A_286] : memref<2x128x128xf32, #tpu.memory_space<vmem>> -> memref<1x128x128xf32, #tpu.memory_space<vmem>>
        %dma_wait3A_288 = tpu.memref_squeeze %dma_wait3A_287 : memref<1x128x128xf32, #tpu.memory_space<vmem>> -> memref<128x128xf32, #tpu.memory_space<vmem>>
        tpu.wait_dma2 semaphore(%arg20 : memref<!tpu.dma_semaphore, #tpu.memory_space<semaphore_mem>>) src(%dma_wait3A_288 : memref<128x128xf32, #tpu.memory_space<vmem>>) dst(%dma_wait3A_284 : memref<128x128xf32, #tpu.memory_space<hbm>>)
      } else {
      }
      %scan3A_247 = arith.constant 0 : i32
      %scan3A_248 = arith.constant 1 : i32
      %scan3A_249 = arith.constant 1 : i32
      %scan3A_250 = arith.constant 1 : i32
      %scan3A_251 = arith.constant 0 : i32
      %scan3A_252 = arith.constant 64 : i32
      %scan3A_253 = arith.addi %scan3A_251, %scan3A_252 : i32
      %scan3A_254 = arith.constant 1 : i32
      scf.for %scan3A_272 = %scan3A_251 to %scan3A_253 step %scan3A_254  : i32 {
        %mul3A_273 = arith.constant 2 : i32
        %mul3A_274 = arith.muli %scan3A_272, %mul3A_273 : i32
        %add3A_275 = arith.constant 0 : i32
        %add3A_276 = arith.addi %mul3A_274, %add3A_275 : i32
        %broadcast_in_dim3A = arith.constant 0.000000e+00 : f32
        %broadcast_in_dim3A_277 = vector.broadcast %broadcast_in_dim3A : f32 to vector<16xf32>
        %broadcast_in_dim3A_278 = arith.constant 0.000000e+00 : f32
        %broadcast_in_dim3A_279 = vector.broadcast %broadcast_in_dim3A_278 : f32 to vector<16xf32>
        %get3A_280 = arith.constant 0 : i32
        %get3A_281 = arith.constant 0 : i32
        %get3A_282 = tpu.memref_slice %arg11[%scan3A_248, %get3A_280, %get3A_281] : memref<2x128x128xf32, #tpu.memory_space<vmem>> -> memref<1x128x128xf32, #tpu.memory_space<vmem>>
        %get3A_283 = tpu.memref_squeeze %get3A_282 : memref<1x128x128xf32, #tpu.memory_space<vmem>> -> memref<128x128xf32, #tpu.memory_space<vmem>>
        %get3A_284 = arith.index_cast %add3A_276 : i32 to index
        %get3A_285 = arith.constant 0 : index
        %get3A_286 = tpu.vector_load %get3A_283[%get3A_284, %get3A_285] {strides = array<i32>} : memref<128x128xf32, #tpu.memory_space<vmem>>, vector<1x16xf32>,
        %get3A_287 = vector.shape_cast %get3A_286 : vector<1x16xf32> to vector<16xf32>
        %get3A_288 = arith.constant 0 : i32
        %get3A_289 = arith.constant 0 : i32
        %get3A_290 = tpu.memref_slice %arg12[%scan3A_249, %get3A_288, %get3A_289] : memref<2x128x128xf32, #tpu.memory_space<vmem>> -> memref<1x128x128xf32, #tpu.memory_space<vmem>>
        %get3A_291 = tpu.memref_squeeze %get3A_290 : memref<1x128x128xf32, #tpu.memory_space<vmem>> -> memref<128x128xf32, #tpu.memory_space<vmem>>
        %get3A_292 = arith.index_cast %add3A_276 : i32 to index
        %get3A_293 = arith.constant 0 : index
        %get3A_294 = tpu.vector_load %get3A_291[%get3A_292, %get3A_293] {strides = array<i32>} : memref<128x128xf32, #tpu.memory_space<vmem>>, vector<1x16xf32>,
        %get3A_295 = vector.shape_cast %get3A_294 : vector<1x16xf32> to vector<16xf32>
        %add3A_296 = arith.addf %get3A_287, %get3A_295 : vector<16xf32>
        %add3A_297 = arith.addf %broadcast_in_dim3A_277, %add3A_296 : vector<16xf32>
        %mul3A_298 = arith.mulf %add3A_296, %add3A_296 : vector<16xf32>
        %add3A_299 = arith.addf %broadcast_in_dim3A_279, %mul3A_298 : vector<16xf32>
        %get3A_300 = arith.constant 0 : i32
        %get3A_301 = arith.constant 0 : i32
        %get3A_302 = tpu.memref_slice %arg11[%scan3A_248, %get3A_300, %get3A_301] : memref<2x128x128xf32, #tpu.memory_space<vmem>> -> memref<1x128x128xf32, #tpu.memory_space<vmem>>
        %get3A_303 = tpu.memref_squeeze %get3A_302 : memref<1x128x128xf32, #tpu.memory_space<vmem>> -> memref<128x128xf32, #tpu.memory_space<vmem>>
        %get3A_304 = arith.index_cast %add3A_276 : i32 to index
        %get3A_305 = arith.constant 16 : index
        %get3A_306 = tpu.vector_load %get3A_303[%get3A_304, %get3A_305] {strides = array<i32>} : memref<128x128xf32, #tpu.memory_space<vmem>>, vector<1x16xf32>,
        %get3A_307 = vector.shape_cast %get3A_306 : vector<1x16xf32> to vector<16xf32>
        %get3A_308 = arith.constant 0 : i32
        %get3A_309 = arith.constant 0 : i32
        %get3A_310 = tpu.memref_slice %arg12[%scan3A_249, %get3A_308, %get3A_309] : memref<2x128x128xf32, #tpu.memory_space<vmem>> -> memref<1x128x128xf32, #tpu.memory_space<vmem>>
        %get3A_311 = tpu.memref_squeeze %get3A_310 : memref<1x128x128xf32, #tpu.memory_space<vmem>> -> memref<128x128xf32, #tpu.memory_space<vmem>>
        %get3A_312 = arith.index_cast %add3A_276 : i32 to index
        %get3A_313 = arith.constant 16 : index
        %get3A_314 = tpu.vector_load %get3A_311[%get3A_312, %get3A_313] {strides = array<i32>} : memref<128x128xf32, #tpu.memory_space<vmem>>, vector<1x16xf32>,
        %get3A_315 = vector.shape_cast %get3A_314 : vector<1x16xf32> to vector<16xf32>
        %add3A_316 = arith.addf %get3A_307, %get3A_315 : vector<16xf32>
        %add3A_317 = arith.addf %add3A_297, %add3A_316 : vector<16xf32>
        %mul3A_318 = arith.mulf %add3A_316, %add3A_316 : vector<16xf32>
        %add3A_319 = arith.addf %add3A_299, %mul3A_318 : vector<16xf32>
        %get3A_320 = arith.constant 0 : i32
        %get3A_321 = arith.constant 0 : i32
        %get3A_322 = tpu.memref_slice %arg11[%scan3A_248, %get3A_320, %get3A_321] : memref<2x128x128xf32, #tpu.memory_space<vmem>> -> memref<1x128x128xf32, #tpu.memory_space<vmem>>
        %get3A_323 = tpu.memref_squeeze %get3A_322 : memref<1x128x128xf32, #tpu.memory_space<vmem>> -> memref<128x128xf32, #tpu.memory_space<vmem>>
        %get3A_324 = arith.index_cast %add3A_276 : i32 to index
        %get3A_325 = arith.constant 32 : index
        %get3A_326 = tpu.vector_load %get3A_323[%get3A_324, %get3A_325] {strides = array<i32>} : memref<128x128xf32, #tpu.memory_space<vmem>>, vector<1x16xf32>,
        %get3A_327 = vector.shape_cast %get3A_326 : vector<1x16xf32> to vector<16xf32>
        %get3A_328 = arith.constant 0 : i32
        %get3A_329 = arith.constant 0 : i32
        %get3A_330 = tpu.memref_slice %arg12[%scan3A_249, %get3A_328, %get3A_329] : memref<2x128x128xf32, #tpu.memory_space<vmem>> -> memref<1x128x128xf32, #tpu.memory_space<vmem>>
        %get3A_331 = tpu.memref_squeeze %get3A_330 : memref<1x128x128xf32, #tpu.memory_space<vmem>> -> memref<128x128xf32, #tpu.memory_space<vmem>>
        %get3A_332 = arith.index_cast %add3A_276 : i32 to index
        %get3A_333 = arith.constant 32 : index
        %get3A_334 = tpu.vector_load %get3A_331[%get3A_332, %get3A_333] {strides = array<i32>} : memref<128x128xf32, #tpu.memory_space<vmem>>, vector<1x16xf32>,
        %get3A_335 = vector.shape_cast %get3A_334 : vector<1x16xf32> to vector<16xf32>
        %add3A_336 = arith.addf %get3A_327, %get3A_335 : vector<16xf32>
        %add3A_337 = arith.addf %add3A_317, %add3A_336 : vector<16xf32>
        %mul3A_338 = arith.mulf %add3A_336, %add3A_336 : vector<16xf32>
        %add3A_339 = arith.addf %add3A_319, %mul3A_338 : vector<16xf32>
        %get3A_340 = arith.constant 0 : i32
        %get3A_341 = arith.constant 0 : i32
        %get3A_342 = tpu.memref_slice %arg11[%scan3A_248, %get3A_340, %get3A_341] : memref<2x128x128xf32, #tpu.memory_space<vmem>> -> memref<1x128x128xf32, #tpu.memory_space<vmem>>
        %get3A_343 = tpu.memref_squeeze %get3A_342 : memref<1x128x128xf32, #tpu.memory_space<vmem>> -> memref<128x128xf32, #tpu.memory_space<vmem>>
        %get3A_344 = arith.index_cast %add3A_276 : i32 to index
        %get3A_345 = arith.constant 48 : index
        %get3A_346 = tpu.vector_load %get3A_343[%get3A_344, %get3A_345] {strides = array<i32>} : memref<128x128xf32, #tpu.memory_space<vmem>>, vector<1x16xf32>,
        %get3A_347 = vector.shape_cast %get3A_346 : vector<1x16xf32> to vector<16xf32>
        %get3A_348 = arith.constant 0 : i32
        %get3A_349 = arith.constant 0 : i32
        %get3A_350 = tpu.memref_slice %arg12[%scan3A_249, %get3A_348, %get3A_349] : memref<2x128x128xf32, #tpu.memory_space<vmem>> -> memref<1x128x128xf32, #tpu.memory_space<vmem>>
        %get3A_351 = tpu.memref_squeeze %get3A_350 : memref<1x128x128xf32, #tpu.memory_space<vmem>> -> memref<128x128xf32, #tpu.memory_space<vmem>>
        %get3A_352 = arith.index_cast %add3A_276 : i32 to index
        %get3A_353 = arith.constant 48 : index
        %get3A_354 = tpu.vector_load %get3A_351[%get3A_352, %get3A_353] {strides = array<i32>} : memref<128x128xf32, #tpu.memory_space<vmem>>, vector<1x16xf32>,
        %get3A_355 = vector.shape_cast %get3A_354 : vector<1x16xf32> to vector<16xf32>
        %add3A_356 = arith.addf %get3A_347, %get3A_355 : vector<16xf32>
        %add3A_357 = arith.addf %add3A_337, %add3A_356 : vector<16xf32>
        %mul3A_358 = arith.mulf %add3A_356, %add3A_356 : vector<16xf32>
        %add3A_359 = arith.addf %add3A_339, %mul3A_358 : vector<16xf32>
        %get3A_360 = arith.constant 0 : i32
        %get3A_361 = arith.constant 0 : i32
        %get3A_362 = tpu.memref_slice %arg11[%scan3A_248, %get3A_360, %get3A_361] : memref<2x128x128xf32, #tpu.memory_space<vmem>> -> memref<1x128x128xf32, #tpu.memory_space<vmem>>
        %get3A_363 = tpu.memref_squeeze %get3A_362 : memref<1x128x128xf32, #tpu.memory_space<vmem>> -> memref<128x128xf32, #tpu.memory_space<vmem>>
        %get3A_364 = arith.index_cast %add3A_276 : i32 to index
        %get3A_365 = arith.constant 64 : index
        %get3A_366 = tpu.vector_load %get3A_363[%get3A_364, %get3A_365] {strides = array<i32>} : memref<128x128xf32, #tpu.memory_space<vmem>>, vector<1x16xf32>,
        %get3A_367 = vector.shape_cast %get3A_366 : vector<1x16xf32> to vector<16xf32>
        %get3A_368 = arith.constant 0 : i32
        %get3A_369 = arith.constant 0 : i32
        %get3A_370 = tpu.memref_slice %arg12[%scan3A_249, %get3A_368, %get3A_369] : memref<2x128x128xf32, #tpu.memory_space<vmem>> -> memref<1x128x128xf32, #tpu.memory_space<vmem>>
        %get3A_371 = tpu.memref_squeeze %get3A_370 : memref<1x128x128xf32, #tpu.memory_space<vmem>> -> memref<128x128xf32, #tpu.memory_space<vmem>>
        %get3A_372 = arith.index_cast %add3A_276 : i32 to index
        %get3A_373 = arith.constant 64 : index
        %get3A_374 = tpu.vector_load %get3A_371[%get3A_372, %get3A_373] {strides = array<i32>} : memref<128x128xf32, #tpu.memory_space<vmem>>, vector<1x16xf32>,
        %get3A_375 = vector.shape_cast %get3A_374 : vector<1x16xf32> to vector<16xf32>
        %add3A_376 = arith.addf %get3A_367, %get3A_375 : vector<16xf32>
        %add3A_377 = arith.addf %add3A_357, %add3A_376 : vector<16xf32>
        %mul3A_378 = arith.mulf %add3A_376, %add3A_376 : vector<16xf32>
        %add3A_379 = arith.addf %add3A_359, %mul3A_378 : vector<16xf32>
        %get3A_380 = arith.constant 0 : i32
        %get3A_381 = arith.constant 0 : i32
        %get3A_382 = tpu.memref_slice %arg11[%scan3A_248, %get3A_380, %get3A_381] : memref<2x128x128xf32, #tpu.memory_space<vmem>> -> memref<1x128x128xf32, #tpu.memory_space<vmem>>
        %get3A_383 = tpu.memref_squeeze %get3A_382 : memref<1x128x128xf32, #tpu.memory_space<vmem>> -> memref<128x128xf32, #tpu.memory_space<vmem>>
        %get3A_384 = arith.index_cast %add3A_276 : i32 to index
        %get3A_385 = arith.constant 80 : index
        %get3A_386 = tpu.vector_load %get3A_383[%get3A_384, %get3A_385] {strides = array<i32>} : memref<128x128xf32, #tpu.memory_space<vmem>>, vector<1x16xf32>,
        %get3A_387 = vector.shape_cast %get3A_386 : vector<1x16xf32> to vector<16xf32>
        %get3A_388 = arith.constant 0 : i32
        %get3A_389 = arith.constant 0 : i32
        %get3A_390 = tpu.memref_slice %arg12[%scan3A_249, %get3A_388, %get3A_389] : memref<2x128x128xf32, #tpu.memory_space<vmem>> -> memref<1x128x128xf32, #tpu.memory_space<vmem>>
        %get3A_391 = tpu.memref_squeeze %get3A_390 : memref<1x128x128xf32, #tpu.memory_space<vmem>> -> memref<128x128xf32, #tpu.memory_space<vmem>>
        %get3A_392 = arith.index_cast %add3A_276 : i32 to index
        %get3A_393 = arith.constant 80 : index
        %get3A_394 = tpu.vector_load %get3A_391[%get3A_392, %get3A_393] {strides = array<i32>} : memref<128x128xf32, #tpu.memory_space<vmem>>, vector<1x16xf32>,
        %get3A_395 = vector.shape_cast %get3A_394 : vector<1x16xf32> to vector<16xf32>
        %add3A_396 = arith.addf %get3A_387, %get3A_395 : vector<16xf32>
        %add3A_397 = arith.addf %add3A_377, %add3A_396 : vector<16xf32>
        %mul3A_398 = arith.mulf %add3A_396, %add3A_396 : vector<16xf32>
        %add3A_399 = arith.addf %add3A_379, %mul3A_398 : vector<16xf32>
        %get3A_400 = arith.constant 0 : i32
        %get3A_401 = arith.constant 0 : i32
        %get3A_402 = tpu.memref_slice %arg11[%scan3A_248, %get3A_400, %get3A_401] : memref<2x128x128xf32, #tpu.memory_space<vmem>> -> memref<1x128x128xf32, #tpu.memory_space<vmem>>
        %get3A_403 = tpu.memref_squeeze %get3A_402 : memref<1x128x128xf32, #tpu.memory_space<vmem>> -> memref<128x128xf32, #tpu.memory_space<vmem>>
        %get3A_404 = arith.index_cast %add3A_276 : i32 to index
        %get3A_405 = arith.constant 96 : index
        %get3A_406 = tpu.vector_load %get3A_403[%get3A_404, %get3A_405] {strides = array<i32>} : memref<128x128xf32, #tpu.memory_space<vmem>>, vector<1x16xf32>,
        %get3A_407 = vector.shape_cast %get3A_406 : vector<1x16xf32> to vector<16xf32>
        %get3A_408 = arith.constant 0 : i32
        %get3A_409 = arith.constant 0 : i32
        %get3A_410 = tpu.memref_slice %arg12[%scan3A_249, %get3A_408, %get3A_409] : memref<2x128x128xf32, #tpu.memory_space<vmem>> -> memref<1x128x128xf32, #tpu.memory_space<vmem>>
        %get3A_411 = tpu.memref_squeeze %get3A_410 : memref<1x128x128xf32, #tpu.memory_space<vmem>> -> memref<128x128xf32, #tpu.memory_space<vmem>>
        %get3A_412 = arith.index_cast %add3A_276 : i32 to index
        %get3A_413 = arith.constant 96 : index
        %get3A_414 = tpu.vector_load %get3A_411[%get3A_412, %get3A_413] {strides = array<i32>} : memref<128x128xf32, #tpu.memory_space<vmem>>, vector<1x16xf32>,
        %get3A_415 = vector.shape_cast %get3A_414 : vector<1x16xf32> to vector<16xf32>
        %add3A_416 = arith.addf %get3A_407, %get3A_415 : vector<16xf32>
        %add3A_417 = arith.addf %add3A_397, %add3A_416 : vector<16xf32>
        %mul3A_418 = arith.mulf %add3A_416, %add3A_416 : vector<16xf32>
        %add3A_419 = arith.addf %add3A_399, %mul3A_418 : vector<16xf32>
        %get3A_420 = arith.constant 0 : i32
        %get3A_421 = arith.constant 0 : i32
        %get3A_422 = tpu.memref_slice %arg11[%scan3A_248, %get3A_420, %get3A_421] : memref<2x128x128xf32, #tpu.memory_space<vmem>> -> memref<1x128x128xf32, #tpu.memory_space<vmem>>
        %get3A_423 = tpu.memref_squeeze %get3A_422 : memref<1x128x128xf32, #tpu.memory_space<vmem>> -> memref<128x128xf32, #tpu.memory_space<vmem>>
        %get3A_424 = arith.index_cast %add3A_276 : i32 to index
        %get3A_425 = arith.constant 112 : index
        %get3A_426 = tpu.vector_load %get3A_423[%get3A_424, %get3A_425] {strides = array<i32>} : memref<128x128xf32, #tpu.memory_space<vmem>>, vector<1x16xf32>,
        %get3A_427 = vector.shape_cast %get3A_426 : vector<1x16xf32> to vector<16xf32>
        %get3A_428 = arith.constant 0 : i32
        %get3A_429 = arith.constant 0 : i32
        %get3A_430 = tpu.memref_slice %arg12[%scan3A_249, %get3A_428, %get3A_429] : memref<2x128x128xf32, #tpu.memory_space<vmem>> -> memref<1x128x128xf32, #tpu.memory_space<vmem>>
        %get3A_431 = tpu.memref_squeeze %get3A_430 : memref<1x128x128xf32, #tpu.memory_space<vmem>> -> memref<128x128xf32, #tpu.memory_space<vmem>>
        %get3A_432 = arith.index_cast %add3A_276 : i32 to index
        %get3A_433 = arith.constant 112 : index
        %get3A_434 = tpu.vector_load %get3A_431[%get3A_432, %get3A_433] {strides = array<i32>} : memref<128x128xf32, #tpu.memory_space<vmem>>, vector<1x16xf32>,
        %get3A_435 = vector.shape_cast %get3A_434 : vector<1x16xf32> to vector<16xf32>
        %add3A_436 = arith.addf %get3A_427, %get3A_435 : vector<16xf32>
        %add3A_437 = arith.addf %add3A_417, %add3A_436 : vector<16xf32>
        %mul3A_438 = arith.mulf %add3A_436, %add3A_436 : vector<16xf32>
        %add3A_439 = arith.addf %add3A_419, %mul3A_438 : vector<16xf32>
        %iota3A = tpu.iota {dimensions = array<i32: 0>} : vector<16xi32>
        %add3A_440 = arith.constant 8 : i32
        %add3A_441 = vector.broadcast %add3A_440 : i32 to vector<16xi32>
        %add3A_442 = arith.addi %iota3A, %add3A_441 : vector<16xi32>
        %and3A = arith.constant 15 : i32
        %and3A_443 = vector.broadcast %and3A : i32 to vector<16xi32>
        %and3A_444 = arith.andi %add3A_442, %and3A_443 : vector<16xi32>
        %lt3A_445 = arith.constant 0 : i32
        %lt3A_446 = vector.broadcast %lt3A_445 : i32 to vector<16xi32>
        %lt3A_447 = arith.cmpi slt, %and3A_444, %lt3A_446 : vector<16xi32>
        %add3A_448 = arith.constant 16 : i32
        %add3A_449 = vector.broadcast %add3A_448 : i32 to vector<16xi32>
        %add3A_450 = arith.addi %and3A_444, %add3A_449 : vector<16xi32>
        %select_n3A = arith.select %lt3A_447, %add3A_450, %and3A_444 : vector<16xi1>, vector<16xi32>
        %broadcast_in_dim3A_451 = vector.shape_cast %select_n3A : vector<16xi32> to vector<16x1xi32>
        %gather3A = vector.shape_cast %broadcast_in_dim3A_451 : vector<16x1xi32> to vector<16xi32>
        %gather3A_452 = tpu.dynamic_gather %add3A_437[%gather3A] in [0] : vector<16xf32>, vector<16xi32> -> vector<16xf32>
        %add3A_453 = arith.addf %add3A_437, %gather3A_452 : vector<16xf32>
        %add3A_454 = arith.constant 4 : i32
        %add3A_455 = vector.broadcast %add3A_454 : i32 to vector<16xi32>
        %add3A_456 = arith.addi %iota3A, %add3A_455 : vector<16xi32>
        %and3A_457 = arith.constant 15 : i32
        %and3A_458 = vector.broadcast %and3A_457 : i32 to vector<16xi32>
        %and3A_459 = arith.andi %add3A_456, %and3A_458 : vector<16xi32>
        %lt3A_460 = arith.constant 0 : i32
        %lt3A_461 = vector.broadcast %lt3A_460 : i32 to vector<16xi32>
        %lt3A_462 = arith.cmpi slt, %and3A_459, %lt3A_461 : vector<16xi32>
        %add3A_463 = arith.constant 16 : i32
        %add3A_464 = vector.broadcast %add3A_463 : i32 to vector<16xi32>
        %add3A_465 = arith.addi %and3A_459, %add3A_464 : vector<16xi32>
        %select_n3A_466 = arith.select %lt3A_462, %add3A_465, %and3A_459 : vector<16xi1>, vector<16xi32>
        %broadcast_in_dim3A_467 = vector.shape_cast %select_n3A_466 : vector<16xi32> to vector<16x1xi32>
        %gather3A_468 = vector.shape_cast %broadcast_in_dim3A_467 : vector<16x1xi32> to vector<16xi32>
        %gather3A_469 = tpu.dynamic_gather %add3A_453[%gather3A_468] in [0] : vector<16xf32>, vector<16xi32> -> vector<16xf32>
        %add3A_470 = arith.addf %add3A_453, %gather3A_469 : vector<16xf32>
        %add3A_471 = arith.constant 2 : i32
        %add3A_472 = vector.broadcast %add3A_471 : i32 to vector<16xi32>
        %add3A_473 = arith.addi %iota3A, %add3A_472 : vector<16xi32>
        %and3A_474 = arith.constant 15 : i32
        %and3A_475 = vector.broadcast %and3A_474 : i32 to vector<16xi32>
        %and3A_476 = arith.andi %add3A_473, %and3A_475 : vector<16xi32>
        %lt3A_477 = arith.constant 0 : i32
        %lt3A_478 = vector.broadcast %lt3A_477 : i32 to vector<16xi32>
        %lt3A_479 = arith.cmpi slt, %and3A_476, %lt3A_478 : vector<16xi32>
        %add3A_480 = arith.constant 16 : i32
        %add3A_481 = vector.broadcast %add3A_480 : i32 to vector<16xi32>
        %add3A_482 = arith.addi %and3A_476, %add3A_481 : vector<16xi32>
        %select_n3A_483 = arith.select %lt3A_479, %add3A_482, %and3A_476 : vector<16xi1>, vector<16xi32>
        %broadcast_in_dim3A_484 = vector.shape_cast %select_n3A_483 : vector<16xi32> to vector<16x1xi32>
        %gather3A_485 = vector.shape_cast %broadcast_in_dim3A_484 : vector<16x1xi32> to vector<16xi32>
        %gather3A_486 = tpu.dynamic_gather %add3A_470[%gather3A_485] in [0] : vector<16xf32>, vector<16xi32> -> vector<16xf32>
        %add3A_487 = arith.addf %add3A_470, %gather3A_486 : vector<16xf32>
        %add3A_488 = arith.constant 1 : i32
        %add3A_489 = vector.broadcast %add3A_488 : i32 to vector<16xi32>
        %add3A_490 = arith.addi %iota3A, %add3A_489 : vector<16xi32>
        %and3A_491 = arith.constant 15 : i32
        %and3A_492 = vector.broadcast %and3A_491 : i32 to vector<16xi32>
        %and3A_493 = arith.andi %add3A_490, %and3A_492 : vector<16xi32>
        %lt3A_494 = arith.constant 0 : i32
        %lt3A_495 = vector.broadcast %lt3A_494 : i32 to vector<16xi32>
        %lt3A_496 = arith.cmpi slt, %and3A_493, %lt3A_495 : vector<16xi32>
        %add3A_497 = arith.constant 16 : i32
        %add3A_498 = vector.broadcast %add3A_497 : i32 to vector<16xi32>
        %add3A_499 = arith.addi %and3A_493, %add3A_498 : vector<16xi32>
        %select_n3A_500 = arith.select %lt3A_496, %add3A_499, %and3A_493 : vector<16xi1>, vector<16xi32>
        %broadcast_in_dim3A_501 = vector.shape_cast %select_n3A_500 : vector<16xi32> to vector<16x1xi32>
        %gather3A_502 = vector.shape_cast %broadcast_in_dim3A_501 : vector<16x1xi32> to vector<16xi32>
        %gather3A_503 = tpu.dynamic_gather %add3A_487[%gather3A_502] in [0] : vector<16xf32>, vector<16xi32> -> vector<16xf32>
        %add3A_504 = arith.addf %add3A_487, %gather3A_503 : vector<16xf32>
        %mul3A_505 = arith.constant 7.812500e-03 : f32
        %mul3A_506 = vector.broadcast %mul3A_505 : f32 to vector<16xf32>
        %mul3A_507 = arith.mulf %add3A_504, %mul3A_506 : vector<16xf32>
        %iota3A_508 = tpu.iota {dimensions = array<i32: 0>} : vector<16xi32>
        %add3A_509 = arith.constant 8 : i32
        %add3A_510 = vector.broadcast %add3A_509 : i32 to vector<16xi32>
        %add3A_511 = arith.addi %iota3A_508, %add3A_510 : vector<16xi32>
        %and3A_512 = arith.constant 15 : i32
        %and3A_513 = vector.broadcast %and3A_512 : i32 to vector<16xi32>
        %and3A_514 = arith.andi %add3A_511, %and3A_513 : vector<16xi32>
        %lt3A_515 = arith.constant 0 : i32
        %lt3A_516 = vector.broadcast %lt3A_515 : i32 to vector<16xi32>
        %lt3A_517 = arith.cmpi slt, %and3A_514, %lt3A_516 : vector<16xi32>
        %add3A_518 = arith.constant 16 : i32
        %add3A_519 = vector.broadcast %add3A_518 : i32 to vector<16xi32>
        %add3A_520 = arith.addi %and3A_514, %add3A_519 : vector<16xi32>
        %select_n3A_521 = arith.select %lt3A_517, %add3A_520, %and3A_514 : vector<16xi1>, vector<16xi32>
        %broadcast_in_dim3A_522 = vector.shape_cast %select_n3A_521 : vector<16xi32> to vector<16x1xi32>
        %gather3A_523 = vector.shape_cast %broadcast_in_dim3A_522 : vector<16x1xi32> to vector<16xi32>
        %gather3A_524 = tpu.dynamic_gather %add3A_439[%gather3A_523] in [0] : vector<16xf32>, vector<16xi32> -> vector<16xf32>
        %add3A_525 = arith.addf %add3A_439, %gather3A_524 : vector<16xf32>
        %add3A_526 = arith.constant 4 : i32
        %add3A_527 = vector.broadcast %add3A_526 : i32 to vector<16xi32>
        %add3A_528 = arith.addi %iota3A_508, %add3A_527 : vector<16xi32>
        %and3A_529 = arith.constant 15 : i32
        %and3A_530 = vector.broadcast %and3A_529 : i32 to vector<16xi32>
        %and3A_531 = arith.andi %add3A_528, %and3A_530 : vector<16xi32>
        %lt3A_532 = arith.constant 0 : i32
        %lt3A_533 = vector.broadcast %lt3A_532 : i32 to vector<16xi32>
        %lt3A_534 = arith.cmpi slt, %and3A_531, %lt3A_533 : vector<16xi32>
        %add3A_535 = arith.constant 16 : i32
        %add3A_536 = vector.broadcast %add3A_535 : i32 to vector<16xi32>
        %add3A_537 = arith.addi %and3A_531, %add3A_536 : vector<16xi32>
        %select_n3A_538 = arith.select %lt3A_534, %add3A_537, %and3A_531 : vector<16xi1>, vector<16xi32>
        %broadcast_in_dim3A_539 = vector.shape_cast %select_n3A_538 : vector<16xi32> to vector<16x1xi32>
        %gather3A_540 = vector.shape_cast %broadcast_in_dim3A_539 : vector<16x1xi32> to vector<16xi32>
        %gather3A_541 = tpu.dynamic_gather %add3A_525[%gather3A_540] in [0] : vector<16xf32>, vector<16xi32> -> vector<16xf32>
        %add3A_542 = arith.addf %add3A_525, %gather3A_541 : vector<16xf32>
        %add3A_543 = arith.constant 2 : i32
        %add3A_544 = vector.broadcast %add3A_543 : i32 to vector<16xi32>
        %add3A_545 = arith.addi %iota3A_508, %add3A_544 : vector<16xi32>
        %and3A_546 = arith.constant 15 : i32
        %and3A_547 = vector.broadcast %and3A_546 : i32 to vector<16xi32>
        %and3A_548 = arith.andi %add3A_545, %and3A_547 : vector<16xi32>
        %lt3A_549 = arith.constant 0 : i32
        %lt3A_550 = vector.broadcast %lt3A_549 : i32 to vector<16xi32>
        %lt3A_551 = arith.cmpi slt, %and3A_548, %lt3A_550 : vector<16xi32>
        %add3A_552 = arith.constant 16 : i32
        %add3A_553 = vector.broadcast %add3A_552 : i32 to vector<16xi32>
        %add3A_554 = arith.addi %and3A_548, %add3A_553 : vector<16xi32>
        %select_n3A_555 = arith.select %lt3A_551, %add3A_554, %and3A_548 : vector<16xi1>, vector<16xi32>
        %broadcast_in_dim3A_556 = vector.shape_cast %select_n3A_555 : vector<16xi32> to vector<16x1xi32>
        %gather3A_557 = vector.shape_cast %broadcast_in_dim3A_556 : vector<16x1xi32> to vector<16xi32>
        %gather3A_558 = tpu.dynamic_gather %add3A_542[%gather3A_557] in [0] : vector<16xf32>, vector<16xi32> -> vector<16xf32>
        %add3A_559 = arith.addf %add3A_542, %gather3A_558 : vector<16xf32>
        %add3A_560 = arith.constant 1 : i32
        %add3A_561 = vector.broadcast %add3A_560 : i32 to vector<16xi32>
        %add3A_562 = arith.addi %iota3A_508, %add3A_561 : vector<16xi32>
        %and3A_563 = arith.constant 15 : i32
        %and3A_564 = vector.broadcast %and3A_563 : i32 to vector<16xi32>
        %and3A_565 = arith.andi %add3A_562, %and3A_564 : vector<16xi32>
        %lt3A_566 = arith.constant 0 : i32
        %lt3A_567 = vector.broadcast %lt3A_566 : i32 to vector<16xi32>
        %lt3A_568 = arith.cmpi slt, %and3A_565, %lt3A_567 : vector<16xi32>
        %add3A_569 = arith.constant 16 : i32
        %add3A_570 = vector.broadcast %add3A_569 : i32 to vector<16xi32>
        %add3A_571 = arith.addi %and3A_565, %add3A_570 : vector<16xi32>
        %select_n3A_572 = arith.select %lt3A_568, %add3A_571, %and3A_565 : vector<16xi1>, vector<16xi32>
        %broadcast_in_dim3A_573 = vector.shape_cast %select_n3A_572 : vector<16xi32> to vector<16x1xi32>
        %gather3A_574 = vector.shape_cast %broadcast_in_dim3A_573 : vector<16x1xi32> to vector<16xi32>
        %gather3A_575 = tpu.dynamic_gather %add3A_559[%gather3A_574] in [0] : vector<16xf32>, vector<16xi32> -> vector<16xf32>
        %add3A_576 = arith.addf %add3A_559, %gather3A_575 : vector<16xf32>
        %mul3A_577 = arith.constant 7.812500e-03 : f32
        %mul3A_578 = vector.broadcast %mul3A_577 : f32 to vector<16xf32>
        %mul3A_579 = arith.mulf %add3A_576, %mul3A_578 : vector<16xf32>
        %mul3A_580 = arith.mulf %mul3A_507, %mul3A_507 : vector<16xf32>
        %sub3A = arith.subf %mul3A_579, %mul3A_580 : vector<16xf32>
        %add3A_581 = arith.constant 9.99999996E-13 : f32
        %add3A_582 = vector.broadcast %add3A_581 : f32 to vector<16xf32>
        %add3A_583 = arith.addf %sub3A, %add3A_582 : vector<16xf32>
        %bitcast_convert_type3A = tpu.bitcast %add3A_583 : vector<16xf32> -> vector<16xi32>
        %shift_right_arithmetic3A = arith.constant 1 : i32
        %shift_right_arithmetic3A_584 = vector.broadcast %shift_right_arithmetic3A : i32 to vector<16xi32>
        %shift_right_arithmetic3A_585 = arith.shrsi %bitcast_convert_type3A, %shift_right_arithmetic3A_584 : vector<16xi32>
        %sub3A_586 = arith.constant 1597463007 : i32
        %sub3A_587 = vector.broadcast %sub3A_586 : i32 to vector<16xi32>
        %sub3A_588 = arith.subi %sub3A_587, %shift_right_arithmetic3A_585 : vector<16xi32>
        %bitcast_convert_type3A_589 = tpu.bitcast %sub3A_588 : vector<16xi32> -> vector<16xf32>
        %mul3A_590 = arith.constant 5.000000e-01 : f32
        %mul3A_591 = vector.broadcast %mul3A_590 : f32 to vector<16xf32>
        %mul3A_592 = arith.mulf %mul3A_591, %add3A_583 : vector<16xf32>
        %mul3A_593 = arith.mulf %mul3A_592, %bitcast_convert_type3A_589 : vector<16xf32>
        %mul3A_594 = arith.mulf %mul3A_593, %bitcast_convert_type3A_589 : vector<16xf32>
        %sub3A_595 = arith.constant 1.500000e+00 : f32
        %sub3A_596 = vector.broadcast %sub3A_595 : f32 to vector<16xf32>
        %sub3A_597 = arith.subf %sub3A_596, %mul3A_594 : vector<16xf32>
        %mul3A_598 = arith.mulf %bitcast_convert_type3A_589, %sub3A_597 : vector<16xf32>
        %mul3A_599 = arith.constant 5.000000e-01 : f32
        %mul3A_600 = vector.broadcast %mul3A_599 : f32 to vector<16xf32>
        %mul3A_601 = arith.mulf %mul3A_600, %add3A_583 : vector<16xf32>
        %mul3A_602 = arith.mulf %mul3A_601, %mul3A_598 : vector<16xf32>
        %mul3A_603 = arith.mulf %mul3A_602, %mul3A_598 : vector<16xf32>
        %sub3A_604 = arith.constant 1.500000e+00 : f32
        %sub3A_605 = vector.broadcast %sub3A_604 : f32 to vector<16xf32>
        %sub3A_606 = arith.subf %sub3A_605, %mul3A_603 : vector<16xf32>
        %mul3A_607 = arith.mulf %mul3A_598, %sub3A_606 : vector<16xf32>
        %sub3A_608 = arith.subf %add3A_296, %mul3A_507 : vector<16xf32>
        %mul3A_609 = arith.mulf %sub3A_608, %mul3A_607 : vector<16xf32>
        %mul3A_610 = arith.mulf %mul3A_609, %get3A_7 : vector<16xf32>
        %add3A_611 = arith.addf %mul3A_610, %get3A_47 : vector<16xf32>
        %swap3A = arith.constant 0 : i32
        %swap3A_612 = arith.constant 0 : i32
        %swap3A_613 = tpu.memref_slice %arg13[%scan3A_250, %swap3A, %swap3A_612] : memref<2x128x128xf32, #tpu.memory_space<vmem>> -> memref<1x128x128xf32, #tpu.memory_space<vmem>>
        %swap3A_614 = tpu.memref_squeeze %swap3A_613 : memref<1x128x128xf32, #tpu.memory_space<vmem>> -> memref<128x128xf32, #tpu.memory_space<vmem>>
        %swap3A_615 = arith.index_cast %add3A_276 : i32 to index
        %swap3A_616 = arith.constant 0 : index
        %swap3A_617 = tpu.vector_load %swap3A_614[%swap3A_615, %swap3A_616] {strides = array<i32>} : memref<128x128xf32, #tpu.memory_space<vmem>>, vector<1x16xf32>,
        %swap3A_618 = vector.shape_cast %swap3A_617 : vector<1x16xf32> to vector<16xf32>
        %swap3A_619 = vector.shape_cast %add3A_611 : vector<16xf32> to vector<1x16xf32>
        tpu.vector_store %swap3A_614[%swap3A_615, %swap3A_616], %swap3A_619 {strides = array<i32>} : memref<128x128xf32, #tpu.memory_space<vmem>>, vector<1x16xf32>,
        %sub3A_620 = arith.subf %add3A_316, %mul3A_507 : vector<16xf32>
        %mul3A_621 = arith.mulf %sub3A_620, %mul3A_607 : vector<16xf32>
        %mul3A_622 = arith.mulf %mul3A_621, %get3A_12 : vector<16xf32>
        %add3A_623 = arith.addf %mul3A_622, %get3A_52 : vector<16xf32>
        %swap3A_624 = arith.constant 0 : i32
        %swap3A_625 = arith.constant 0 : i32
        %swap3A_626 = tpu.memref_slice %arg13[%scan3A_250, %swap3A_624, %swap3A_625] : memref<2x128x128xf32, #tpu.memory_space<vmem>> -> memref<1x128x128xf32, #tpu.memory_space<vmem>>
        %swap3A_627 = tpu.memref_squeeze %swap3A_626 : memref<1x128x128xf32, #tpu.memory_space<vmem>> -> memref<128x128xf32, #tpu.memory_space<vmem>>
        %swap3A_628 = arith.index_cast %add3A_276 : i32 to index
        %swap3A_629 = arith.constant 16 : index
        %swap3A_630 = tpu.vector_load %swap3A_627[%swap3A_628, %swap3A_629] {strides = array<i32>} : memref<128x128xf32, #tpu.memory_space<vmem>>, vector<1x16xf32>,
        %swap3A_631 = vector.shape_cast %swap3A_630 : vector<1x16xf32> to vector<16xf32>
        %swap3A_632 = vector.shape_cast %add3A_623 : vector<16xf32> to vector<1x16xf32>
        tpu.vector_store %swap3A_627[%swap3A_628, %swap3A_629], %swap3A_632 {strides = array<i32>} : memref<128x128xf32, #tpu.memory_space<vmem>>, vector<1x16xf32>,
        %sub3A_633 = arith.subf %add3A_336, %mul3A_507 : vector<16xf32>
        %mul3A_634 = arith.mulf %sub3A_633, %mul3A_607 : vector<16xf32>
        %mul3A_635 = arith.mulf %mul3A_634, %get3A_17 : vector<16xf32>
        %add3A_636 = arith.addf %mul3A_635, %get3A_57 : vector<16xf32>
        %swap3A_637 = arith.constant 0 : i32
        %swap3A_638 = arith.constant 0 : i32
        %swap3A_639 = tpu.memref_slice %arg13[%scan3A_250, %swap3A_637, %swap3A_638] : memref<2x128x128xf32, #tpu.memory_space<vmem>> -> memref<1x128x128xf32, #tpu.memory_space<vmem>>
        %swap3A_640 = tpu.memref_squeeze %swap3A_639 : memref<1x128x128xf32, #tpu.memory_space<vmem>> -> memref<128x128xf32, #tpu.memory_space<vmem>>
        %swap3A_641 = arith.index_cast %add3A_276 : i32 to index
        %swap3A_642 = arith.constant 32 : index
        %swap3A_643 = tpu.vector_load %swap3A_640[%swap3A_641, %swap3A_642] {strides = array<i32>} : memref<128x128xf32, #tpu.memory_space<vmem>>, vector<1x16xf32>,
        %swap3A_644 = vector.shape_cast %swap3A_643 : vector<1x16xf32> to vector<16xf32>
        %swap3A_645 = vector.shape_cast %add3A_636 : vector<16xf32> to vector<1x16xf32>
        tpu.vector_store %swap3A_640[%swap3A_641, %swap3A_642], %swap3A_645 {strides = array<i32>} : memref<128x128xf32, #tpu.memory_space<vmem>>, vector<1x16xf32>,
        %sub3A_646 = arith.subf %add3A_356, %mul3A_507 : vector<16xf32>
        %mul3A_647 = arith.mulf %sub3A_646, %mul3A_607 : vector<16xf32>
        %mul3A_648 = arith.mulf %mul3A_647, %get3A_22 : vector<16xf32>
        %add3A_649 = arith.addf %mul3A_648, %get3A_62 : vector<16xf32>
        %swap3A_650 = arith.constant 0 : i32
        %swap3A_651 = arith.constant 0 : i32
        %swap3A_652 = tpu.memref_slice %arg13[%scan3A_250, %swap3A_650, %swap3A_651] : memref<2x128x128xf32, #tpu.memory_space<vmem>> -> memref<1x128x128xf32, #tpu.memory_space<vmem>>
        %swap3A_653 = tpu.memref_squeeze %swap3A_652 : memref<1x128x128xf32, #tpu.memory_space<vmem>> -> memref<128x128xf32, #tpu.memory_space<vmem>>
        %swap3A_654 = arith.index_cast %add3A_276 : i32 to index
        %swap3A_655 = arith.constant 48 : index
        %swap3A_656 = tpu.vector_load %swap3A_653[%swap3A_654, %swap3A_655] {strides = array<i32>} : memref<128x128xf32, #tpu.memory_space<vmem>>, vector<1x16xf32>,
        %swap3A_657 = vector.shape_cast %swap3A_656 : vector<1x16xf32> to vector<16xf32>
        %swap3A_658 = vector.shape_cast %add3A_649 : vector<16xf32> to vector<1x16xf32>
        tpu.vector_store %swap3A_653[%swap3A_654, %swap3A_655], %swap3A_658 {strides = array<i32>} : memref<128x128xf32, #tpu.memory_space<vmem>>, vector<1x16xf32>,
        %sub3A_659 = arith.subf %add3A_376, %mul3A_507 : vector<16xf32>
        %mul3A_660 = arith.mulf %sub3A_659, %mul3A_607 : vector<16xf32>
        %mul3A_661 = arith.mulf %mul3A_660, %get3A_27 : vector<16xf32>
        %add3A_662 = arith.addf %mul3A_661, %get3A_67 : vector<16xf32>
        %swap3A_663 = arith.constant 0 : i32
        %swap3A_664 = arith.constant 0 : i32
        %swap3A_665 = tpu.memref_slice %arg13[%scan3A_250, %swap3A_663, %swap3A_664] : memref<2x128x128xf32, #tpu.memory_space<vmem>> -> memref<1x128x128xf32, #tpu.memory_space<vmem>>
        %swap3A_666 = tpu.memref_squeeze %swap3A_665 : memref<1x128x128xf32, #tpu.memory_space<vmem>> -> memref<128x128xf32, #tpu.memory_space<vmem>>
        %swap3A_667 = arith.index_cast %add3A_276 : i32 to index
        %swap3A_668 = arith.constant 64 : index
        %swap3A_669 = tpu.vector_load %swap3A_666[%swap3A_667, %swap3A_668] {strides = array<i32>} : memref<128x128xf32, #tpu.memory_space<vmem>>, vector<1x16xf32>,
        %swap3A_670 = vector.shape_cast %swap3A_669 : vector<1x16xf32> to vector<16xf32>
        %swap3A_671 = vector.shape_cast %add3A_662 : vector<16xf32> to vector<1x16xf32>
        tpu.vector_store %swap3A_666[%swap3A_667, %swap3A_668], %swap3A_671 {strides = array<i32>} : memref<128x128xf32, #tpu.memory_space<vmem>>, vector<1x16xf32>,
        %sub3A_672 = arith.subf %add3A_396, %mul3A_507 : vector<16xf32>
        %mul3A_673 = arith.mulf %sub3A_672, %mul3A_607 : vector<16xf32>
        %mul3A_674 = arith.mulf %mul3A_673, %get3A_32 : vector<16xf32>
        %add3A_675 = arith.addf %mul3A_674, %get3A_72 : vector<16xf32>
        %swap3A_676 = arith.constant 0 : i32
        %swap3A_677 = arith.constant 0 : i32
        %swap3A_678 = tpu.memref_slice %arg13[%scan3A_250, %swap3A_676, %swap3A_677] : memref<2x128x128xf32, #tpu.memory_space<vmem>> -> memref<1x128x128xf32, #tpu.memory_space<vmem>>
        %swap3A_679 = tpu.memref_squeeze %swap3A_678 : memref<1x128x128xf32, #tpu.memory_space<vmem>> -> memref<128x128xf32, #tpu.memory_space<vmem>>
        %swap3A_680 = arith.index_cast %add3A_276 : i32 to index
        %swap3A_681 = arith.constant 80 : index
        %swap3A_682 = tpu.vector_load %swap3A_679[%swap3A_680, %swap3A_681] {strides = array<i32>} : memref<128x128xf32, #tpu.memory_space<vmem>>, vector<1x16xf32>,
        %swap3A_683 = vector.shape_cast %swap3A_682 : vector<1x16xf32> to vector<16xf32>
        %swap3A_684 = vector.shape_cast %add3A_675 : vector<16xf32> to vector<1x16xf32>
        tpu.vector_store %swap3A_679[%swap3A_680, %swap3A_681], %swap3A_684 {strides = array<i32>} : memref<128x128xf32, #tpu.memory_space<vmem>>, vector<1x16xf32>,
        %sub3A_685 = arith.subf %add3A_416, %mul3A_507 : vector<16xf32>
        %mul3A_686 = arith.mulf %sub3A_685, %mul3A_607 : vector<16xf32>
        %mul3A_687 = arith.mulf %mul3A_686, %get3A_37 : vector<16xf32>
        %add3A_688 = arith.addf %mul3A_687, %get3A_77 : vector<16xf32>
        %swap3A_689 = arith.constant 0 : i32
        %swap3A_690 = arith.constant 0 : i32
        %swap3A_691 = tpu.memref_slice %arg13[%scan3A_250, %swap3A_689, %swap3A_690] : memref<2x128x128xf32, #tpu.memory_space<vmem>> -> memref<1x128x128xf32, #tpu.memory_space<vmem>>
        %swap3A_692 = tpu.memref_squeeze %swap3A_691 : memref<1x128x128xf32, #tpu.memory_space<vmem>> -> memref<128x128xf32, #tpu.memory_space<vmem>>
        %swap3A_693 = arith.index_cast %add3A_276 : i32 to index
        %swap3A_694 = arith.constant 96 : index
        %swap3A_695 = tpu.vector_load %swap3A_692[%swap3A_693, %swap3A_694] {strides = array<i32>} : memref<128x128xf32, #tpu.memory_space<vmem>>, vector<1x16xf32>,
        %swap3A_696 = vector.shape_cast %swap3A_695 : vector<1x16xf32> to vector<16xf32>
        %swap3A_697 = vector.shape_cast %add3A_688 : vector<16xf32> to vector<1x16xf32>
        tpu.vector_store %swap3A_692[%swap3A_693, %swap3A_694], %swap3A_697 {strides = array<i32>} : memref<128x128xf32, #tpu.memory_space<vmem>>, vector<1x16xf32>,
        %sub3A_698 = arith.subf %add3A_436, %mul3A_507 : vector<16xf32>
        %mul3A_699 = arith.mulf %sub3A_698, %mul3A_607 : vector<16xf32>
        %mul3A_700 = arith.mulf %mul3A_699, %get3A_42 : vector<16xf32>
        %add3A_701 = arith.addf %mul3A_700, %get3A_82 : vector<16xf32>
        %swap3A_702 = arith.constant 0 : i32
        %swap3A_703 = arith.constant 0 : i32
        %swap3A_704 = tpu.memref_slice %arg13[%scan3A_250, %swap3A_702, %swap3A_703] : memref<2x128x128xf32, #tpu.memory_space<vmem>> -> memref<1x128x128xf32, #tpu.memory_space<vmem>>
        %swap3A_705 = tpu.memref_squeeze %swap3A_704 : memref<1x128x128xf32, #tpu.memory_space<vmem>> -> memref<128x128xf32, #tpu.memory_space<vmem>>
        %swap3A_706 = arith.index_cast %add3A_276 : i32 to index
        %swap3A_707 = arith.constant 112 : index
        %swap3A_708 = tpu.vector_load %swap3A_705[%swap3A_706, %swap3A_707] {strides = array<i32>} : memref<128x128xf32, #tpu.memory_space<vmem>>, vector<1x16xf32>,
        %swap3A_709 = vector.shape_cast %swap3A_708 : vector<1x16xf32> to vector<16xf32>
        %swap3A_710 = vector.shape_cast %add3A_701 : vector<16xf32> to vector<1x16xf32>
        tpu.vector_store %swap3A_705[%swap3A_706, %swap3A_707], %swap3A_710 {strides = array<i32>} : memref<128x128xf32, #tpu.memory_space<vmem>>, vector<1x16xf32>,
        %mul3A_711 = arith.constant 2 : i32
        %mul3A_712 = arith.muli %scan3A_272, %mul3A_711 : i32
        %add3A_713 = arith.constant 1 : i32
        %add3A_714 = arith.addi %mul3A_712, %add3A_713 : i32
        %broadcast_in_dim3A_715 = arith.constant 0.000000e+00 : f32
        %broadcast_in_dim3A_716 = vector.broadcast %broadcast_in_dim3A_715 : f32 to vector<16xf32>
        %broadcast_in_dim3A_717 = arith.constant 0.000000e+00 : f32
        %broadcast_in_dim3A_718 = vector.broadcast %broadcast_in_dim3A_717 : f32 to vector<16xf32>
        %get3A_719 = arith.constant 0 : i32
        %get3A_720 = arith.constant 0 : i32
        %get3A_721 = tpu.memref_slice %arg11[%scan3A_248, %get3A_719, %get3A_720] : memref<2x128x128xf32, #tpu.memory_space<vmem>> -> memref<1x128x128xf32, #tpu.memory_space<vmem>>
        %get3A_722 = tpu.memref_squeeze %get3A_721 : memref<1x128x128xf32, #tpu.memory_space<vmem>> -> memref<128x128xf32, #tpu.memory_space<vmem>>
        %get3A_723 = arith.index_cast %add3A_714 : i32 to index
        %get3A_724 = arith.constant 0 : index
        %get3A_725 = tpu.vector_load %get3A_722[%get3A_723, %get3A_724] {strides = array<i32>} : memref<128x128xf32, #tpu.memory_space<vmem>>, vector<1x16xf32>,
        %get3A_726 = vector.shape_cast %get3A_725 : vector<1x16xf32> to vector<16xf32>
        %get3A_727 = arith.constant 0 : i32
        %get3A_728 = arith.constant 0 : i32
        %get3A_729 = tpu.memref_slice %arg12[%scan3A_249, %get3A_727, %get3A_728] : memref<2x128x128xf32, #tpu.memory_space<vmem>> -> memref<1x128x128xf32, #tpu.memory_space<vmem>>
        %get3A_730 = tpu.memref_squeeze %get3A_729 : memref<1x128x128xf32, #tpu.memory_space<vmem>> -> memref<128x128xf32, #tpu.memory_space<vmem>>
        %get3A_731 = arith.index_cast %add3A_714 : i32 to index
        %get3A_732 = arith.constant 0 : index
        %get3A_733 = tpu.vector_load %get3A_730[%get3A_731, %get3A_732] {strides = array<i32>} : memref<128x128xf32, #tpu.memory_space<vmem>>, vector<1x16xf32>,
        %get3A_734 = vector.shape_cast %get3A_733 : vector<1x16xf32> to vector<16xf32>
        %add3A_735 = arith.addf %get3A_726, %get3A_734 : vector<16xf32>
        %add3A_736 = arith.addf %broadcast_in_dim3A_716, %add3A_735 : vector<16xf32>
        %mul3A_737 = arith.mulf %add3A_735, %add3A_735 : vector<16xf32>
        %add3A_738 = arith.addf %broadcast_in_dim3A_718, %mul3A_737 : vector<16xf32>
        %get3A_739 = arith.constant 0 : i32
        %get3A_740 = arith.constant 0 : i32
        %get3A_741 = tpu.memref_slice %arg11[%scan3A_248, %get3A_739, %get3A_740] : memref<2x128x128xf32, #tpu.memory_space<vmem>> -> memref<1x128x128xf32, #tpu.memory_space<vmem>>
        %get3A_742 = tpu.memref_squeeze %get3A_741 : memref<1x128x128xf32, #tpu.memory_space<vmem>> -> memref<128x128xf32, #tpu.memory_space<vmem>>
        %get3A_743 = arith.index_cast %add3A_714 : i32 to index
        %get3A_744 = arith.constant 16 : index
        %get3A_745 = tpu.vector_load %get3A_742[%get3A_743, %get3A_744] {strides = array<i32>} : memref<128x128xf32, #tpu.memory_space<vmem>>, vector<1x16xf32>,
        %get3A_746 = vector.shape_cast %get3A_745 : vector<1x16xf32> to vector<16xf32>
        %get3A_747 = arith.constant 0 : i32
        %get3A_748 = arith.constant 0 : i32
        %get3A_749 = tpu.memref_slice %arg12[%scan3A_249, %get3A_747, %get3A_748] : memref<2x128x128xf32, #tpu.memory_space<vmem>> -> memref<1x128x128xf32, #tpu.memory_space<vmem>>
        %get3A_750 = tpu.memref_squeeze %get3A_749 : memref<1x128x128xf32, #tpu.memory_space<vmem>> -> memref<128x128xf32, #tpu.memory_space<vmem>>
        %get3A_751 = arith.index_cast %add3A_714 : i32 to index
        %get3A_752 = arith.constant 16 : index
        %get3A_753 = tpu.vector_load %get3A_750[%get3A_751, %get3A_752] {strides = array<i32>} : memref<128x128xf32, #tpu.memory_space<vmem>>, vector<1x16xf32>,
        %get3A_754 = vector.shape_cast %get3A_753 : vector<1x16xf32> to vector<16xf32>
        %add3A_755 = arith.addf %get3A_746, %get3A_754 : vector<16xf32>
        %add3A_756 = arith.addf %add3A_736, %add3A_755 : vector<16xf32>
        %mul3A_757 = arith.mulf %add3A_755, %add3A_755 : vector<16xf32>
        %add3A_758 = arith.addf %add3A_738, %mul3A_757 : vector<16xf32>
        %get3A_759 = arith.constant 0 : i32
        %get3A_760 = arith.constant 0 : i32
        %get3A_761 = tpu.memref_slice %arg11[%scan3A_248, %get3A_759, %get3A_760] : memref<2x128x128xf32, #tpu.memory_space<vmem>> -> memref<1x128x128xf32, #tpu.memory_space<vmem>>
        %get3A_762 = tpu.memref_squeeze %get3A_761 : memref<1x128x128xf32, #tpu.memory_space<vmem>> -> memref<128x128xf32, #tpu.memory_space<vmem>>
        %get3A_763 = arith.index_cast %add3A_714 : i32 to index
        %get3A_764 = arith.constant 32 : index
        %get3A_765 = tpu.vector_load %get3A_762[%get3A_763, %get3A_764] {strides = array<i32>} : memref<128x128xf32, #tpu.memory_space<vmem>>, vector<1x16xf32>,
        %get3A_766 = vector.shape_cast %get3A_765 : vector<1x16xf32> to vector<16xf32>
        %get3A_767 = arith.constant 0 : i32
        %get3A_768 = arith.constant 0 : i32
        %get3A_769 = tpu.memref_slice %arg12[%scan3A_249, %get3A_767, %get3A_768] : memref<2x128x128xf32, #tpu.memory_space<vmem>> -> memref<1x128x128xf32, #tpu.memory_space<vmem>>
        %get3A_770 = tpu.memref_squeeze %get3A_769 : memref<1x128x128xf32, #tpu.memory_space<vmem>> -> memref<128x128xf32, #tpu.memory_space<vmem>>
        %get3A_771 = arith.index_cast %add3A_714 : i32 to index
        %get3A_772 = arith.constant 32 : index
        %get3A_773 = tpu.vector_load %get3A_770[%get3A_771, %get3A_772] {strides = array<i32>} : memref<128x128xf32, #tpu.memory_space<vmem>>, vector<1x16xf32>,
        %get3A_774 = vector.shape_cast %get3A_773 : vector<1x16xf32> to vector<16xf32>
        %add3A_775 = arith.addf %get3A_766, %get3A_774 : vector<16xf32>
        %add3A_776 = arith.addf %add3A_756, %add3A_775 : vector<16xf32>
        %mul3A_777 = arith.mulf %add3A_775, %add3A_775 : vector<16xf32>
        %add3A_778 = arith.addf %add3A_758, %mul3A_777 : vector<16xf32>
        %get3A_779 = arith.constant 0 : i32
        %get3A_780 = arith.constant 0 : i32
        %get3A_781 = tpu.memref_slice %arg11[%scan3A_248, %get3A_779, %get3A_780] : memref<2x128x128xf32, #tpu.memory_space<vmem>> -> memref<1x128x128xf32, #tpu.memory_space<vmem>>
        %get3A_782 = tpu.memref_squeeze %get3A_781 : memref<1x128x128xf32, #tpu.memory_space<vmem>> -> memref<128x128xf32, #tpu.memory_space<vmem>>
        %get3A_783 = arith.index_cast %add3A_714 : i32 to index
        %get3A_784 = arith.constant 48 : index
        %get3A_785 = tpu.vector_load %get3A_782[%get3A_783, %get3A_784] {strides = array<i32>} : memref<128x128xf32, #tpu.memory_space<vmem>>, vector<1x16xf32>,
        %get3A_786 = vector.shape_cast %get3A_785 : vector<1x16xf32> to vector<16xf32>
        %get3A_787 = arith.constant 0 : i32
        %get3A_788 = arith.constant 0 : i32
        %get3A_789 = tpu.memref_slice %arg12[%scan3A_249, %get3A_787, %get3A_788] : memref<2x128x128xf32, #tpu.memory_space<vmem>> -> memref<1x128x128xf32, #tpu.memory_space<vmem>>
        %get3A_790 = tpu.memref_squeeze %get3A_789 : memref<1x128x128xf32, #tpu.memory_space<vmem>> -> memref<128x128xf32, #tpu.memory_space<vmem>>
        %get3A_791 = arith.index_cast %add3A_714 : i32 to index
        %get3A_792 = arith.constant 48 : index
        %get3A_793 = tpu.vector_load %get3A_790[%get3A_791, %get3A_792] {strides = array<i32>} : memref<128x128xf32, #tpu.memory_space<vmem>>, vector<1x16xf32>,
        %get3A_794 = vector.shape_cast %get3A_793 : vector<1x16xf32> to vector<16xf32>
        %add3A_795 = arith.addf %get3A_786, %get3A_794 : vector<16xf32>
        %add3A_796 = arith.addf %add3A_776, %add3A_795 : vector<16xf32>
        %mul3A_797 = arith.mulf %add3A_795, %add3A_795 : vector<16xf32>
        %add3A_798 = arith.addf %add3A_778, %mul3A_797 : vector<16xf32>
        %get3A_799 = arith.constant 0 : i32
        %get3A_800 = arith.constant 0 : i32
        %get3A_801 = tpu.memref_slice %arg11[%scan3A_248, %get3A_799, %get3A_800] : memref<2x128x128xf32, #tpu.memory_space<vmem>> -> memref<1x128x128xf32, #tpu.memory_space<vmem>>
        %get3A_802 = tpu.memref_squeeze %get3A_801 : memref<1x128x128xf32, #tpu.memory_space<vmem>> -> memref<128x128xf32, #tpu.memory_space<vmem>>
        %get3A_803 = arith.index_cast %add3A_714 : i32 to index
        %get3A_804 = arith.constant 64 : index
        %get3A_805 = tpu.vector_load %get3A_802[%get3A_803, %get3A_804] {strides = array<i32>} : memref<128x128xf32, #tpu.memory_space<vmem>>, vector<1x16xf32>,
        %get3A_806 = vector.shape_cast %get3A_805 : vector<1x16xf32> to vector<16xf32>
        %get3A_807 = arith.constant 0 : i32
        %get3A_808 = arith.constant 0 : i32
        %get3A_809 = tpu.memref_slice %arg12[%scan3A_249, %get3A_807, %get3A_808] : memref<2x128x128xf32, #tpu.memory_space<vmem>> -> memref<1x128x128xf32, #tpu.memory_space<vmem>>
        %get3A_810 = tpu.memref_squeeze %get3A_809 : memref<1x128x128xf32, #tpu.memory_space<vmem>> -> memref<128x128xf32, #tpu.memory_space<vmem>>
        %get3A_811 = arith.index_cast %add3A_714 : i32 to index
        %get3A_812 = arith.constant 64 : index
        %get3A_813 = tpu.vector_load %get3A_810[%get3A_811, %get3A_812] {strides = array<i32>} : memref<128x128xf32, #tpu.memory_space<vmem>>, vector<1x16xf32>,
        %get3A_814 = vector.shape_cast %get3A_813 : vector<1x16xf32> to vector<16xf32>
        %add3A_815 = arith.addf %get3A_806, %get3A_814 : vector<16xf32>
        %add3A_816 = arith.addf %add3A_796, %add3A_815 : vector<16xf32>
        %mul3A_817 = arith.mulf %add3A_815, %add3A_815 : vector<16xf32>
        %add3A_818 = arith.addf %add3A_798, %mul3A_817 : vector<16xf32>
        %get3A_819 = arith.constant 0 : i32
        %get3A_820 = arith.constant 0 : i32
        %get3A_821 = tpu.memref_slice %arg11[%scan3A_248, %get3A_819, %get3A_820] : memref<2x128x128xf32, #tpu.memory_space<vmem>> -> memref<1x128x128xf32, #tpu.memory_space<vmem>>
        %get3A_822 = tpu.memref_squeeze %get3A_821 : memref<1x128x128xf32, #tpu.memory_space<vmem>> -> memref<128x128xf32, #tpu.memory_space<vmem>>
        %get3A_823 = arith.index_cast %add3A_714 : i32 to index
        %get3A_824 = arith.constant 80 : index
        %get3A_825 = tpu.vector_load %get3A_822[%get3A_823, %get3A_824] {strides = array<i32>} : memref<128x128xf32, #tpu.memory_space<vmem>>, vector<1x16xf32>,
        %get3A_826 = vector.shape_cast %get3A_825 : vector<1x16xf32> to vector<16xf32>
        %get3A_827 = arith.constant 0 : i32
        %get3A_828 = arith.constant 0 : i32
        %get3A_829 = tpu.memref_slice %arg12[%scan3A_249, %get3A_827, %get3A_828] : memref<2x128x128xf32, #tpu.memory_space<vmem>> -> memref<1x128x128xf32, #tpu.memory_space<vmem>>
        %get3A_830 = tpu.memref_squeeze %get3A_829 : memref<1x128x128xf32, #tpu.memory_space<vmem>> -> memref<128x128xf32, #tpu.memory_space<vmem>>
        %get3A_831 = arith.index_cast %add3A_714 : i32 to index
        %get3A_832 = arith.constant 80 : index
        %get3A_833 = tpu.vector_load %get3A_830[%get3A_831, %get3A_832] {strides = array<i32>} : memref<128x128xf32, #tpu.memory_space<vmem>>, vector<1x16xf32>,
        %get3A_834 = vector.shape_cast %get3A_833 : vector<1x16xf32> to vector<16xf32>
        %add3A_835 = arith.addf %get3A_826, %get3A_834 : vector<16xf32>
        %add3A_836 = arith.addf %add3A_816, %add3A_835 : vector<16xf32>
        %mul3A_837 = arith.mulf %add3A_835, %add3A_835 : vector<16xf32>
        %add3A_838 = arith.addf %add3A_818, %mul3A_837 : vector<16xf32>
        %get3A_839 = arith.constant 0 : i32
        %get3A_840 = arith.constant 0 : i32
        %get3A_841 = tpu.memref_slice %arg11[%scan3A_248, %get3A_839, %get3A_840] : memref<2x128x128xf32, #tpu.memory_space<vmem>> -> memref<1x128x128xf32, #tpu.memory_space<vmem>>
        %get3A_842 = tpu.memref_squeeze %get3A_841 : memref<1x128x128xf32, #tpu.memory_space<vmem>> -> memref<128x128xf32, #tpu.memory_space<vmem>>
        %get3A_843 = arith.index_cast %add3A_714 : i32 to index
        %get3A_844 = arith.constant 96 : index
        %get3A_845 = tpu.vector_load %get3A_842[%get3A_843, %get3A_844] {strides = array<i32>} : memref<128x128xf32, #tpu.memory_space<vmem>>, vector<1x16xf32>,
        %get3A_846 = vector.shape_cast %get3A_845 : vector<1x16xf32> to vector<16xf32>
        %get3A_847 = arith.constant 0 : i32
        %get3A_848 = arith.constant 0 : i32
        %get3A_849 = tpu.memref_slice %arg12[%scan3A_249, %get3A_847, %get3A_848] : memref<2x128x128xf32, #tpu.memory_space<vmem>> -> memref<1x128x128xf32, #tpu.memory_space<vmem>>
        %get3A_850 = tpu.memref_squeeze %get3A_849 : memref<1x128x128xf32, #tpu.memory_space<vmem>> -> memref<128x128xf32, #tpu.memory_space<vmem>>
        %get3A_851 = arith.index_cast %add3A_714 : i32 to index
        %get3A_852 = arith.constant 96 : index
        %get3A_853 = tpu.vector_load %get3A_850[%get3A_851, %get3A_852] {strides = array<i32>} : memref<128x128xf32, #tpu.memory_space<vmem>>, vector<1x16xf32>,
        %get3A_854 = vector.shape_cast %get3A_853 : vector<1x16xf32> to vector<16xf32>
        %add3A_855 = arith.addf %get3A_846, %get3A_854 : vector<16xf32>
        %add3A_856 = arith.addf %add3A_836, %add3A_855 : vector<16xf32>
        %mul3A_857 = arith.mulf %add3A_855, %add3A_855 : vector<16xf32>
        %add3A_858 = arith.addf %add3A_838, %mul3A_857 : vector<16xf32>
        %get3A_859 = arith.constant 0 : i32
        %get3A_860 = arith.constant 0 : i32
        %get3A_861 = tpu.memref_slice %arg11[%scan3A_248, %get3A_859, %get3A_860] : memref<2x128x128xf32, #tpu.memory_space<vmem>> -> memref<1x128x128xf32, #tpu.memory_space<vmem>>
        %get3A_862 = tpu.memref_squeeze %get3A_861 : memref<1x128x128xf32, #tpu.memory_space<vmem>> -> memref<128x128xf32, #tpu.memory_space<vmem>>
        %get3A_863 = arith.index_cast %add3A_714 : i32 to index
        %get3A_864 = arith.constant 112 : index
        %get3A_865 = tpu.vector_load %get3A_862[%get3A_863, %get3A_864] {strides = array<i32>} : memref<128x128xf32, #tpu.memory_space<vmem>>, vector<1x16xf32>,
        %get3A_866 = vector.shape_cast %get3A_865 : vector<1x16xf32> to vector<16xf32>
        %get3A_867 = arith.constant 0 : i32
        %get3A_868 = arith.constant 0 : i32
        %get3A_869 = tpu.memref_slice %arg12[%scan3A_249, %get3A_867, %get3A_868] : memref<2x128x128xf32, #tpu.memory_space<vmem>> -> memref<1x128x128xf32, #tpu.memory_space<vmem>>
        %get3A_870 = tpu.memref_squeeze %get3A_869 : memref<1x128x128xf32, #tpu.memory_space<vmem>> -> memref<128x128xf32, #tpu.memory_space<vmem>>
        %get3A_871 = arith.index_cast %add3A_714 : i32 to index
        %get3A_872 = arith.constant 112 : index
        %get3A_873 = tpu.vector_load %get3A_870[%get3A_871, %get3A_872] {strides = array<i32>} : memref<128x128xf32, #tpu.memory_space<vmem>>, vector<1x16xf32>,
        %get3A_874 = vector.shape_cast %get3A_873 : vector<1x16xf32> to vector<16xf32>
        %add3A_875 = arith.addf %get3A_866, %get3A_874 : vector<16xf32>
        %add3A_876 = arith.addf %add3A_856, %add3A_875 : vector<16xf32>
        %mul3A_877 = arith.mulf %add3A_875, %add3A_875 : vector<16xf32>
        %add3A_878 = arith.addf %add3A_858, %mul3A_877 : vector<16xf32>
        %iota3A_879 = tpu.iota {dimensions = array<i32: 0>} : vector<16xi32>
        %add3A_880 = arith.constant 8 : i32
        %add3A_881 = vector.broadcast %add3A_880 : i32 to vector<16xi32>
        %add3A_882 = arith.addi %iota3A_879, %add3A_881 : vector<16xi32>
        %and3A_883 = arith.constant 15 : i32
        %and3A_884 = vector.broadcast %and3A_883 : i32 to vector<16xi32>
        %and3A_885 = arith.andi %add3A_882, %and3A_884 : vector<16xi32>
        %lt3A_886 = arith.constant 0 : i32
        %lt3A_887 = vector.broadcast %lt3A_886 : i32 to vector<16xi32>
        %lt3A_888 = arith.cmpi slt, %and3A_885, %lt3A_887 : vector<16xi32>
        %add3A_889 = arith.constant 16 : i32
        %add3A_890 = vector.broadcast %add3A_889 : i32 to vector<16xi32>
        %add3A_891 = arith.addi %and3A_885, %add3A_890 : vector<16xi32>
        %select_n3A_892 = arith.select %lt3A_888, %add3A_891, %and3A_885 : vector<16xi1>, vector<16xi32>
        %broadcast_in_dim3A_893 = vector.shape_cast %select_n3A_892 : vector<16xi32> to vector<16x1xi32>
        %gather3A_894 = vector.shape_cast %broadcast_in_dim3A_893 : vector<16x1xi32> to vector<16xi32>
        %gather3A_895 = tpu.dynamic_gather %add3A_876[%gather3A_894] in [0] : vector<16xf32>, vector<16xi32> -> vector<16xf32>
        %add3A_896 = arith.addf %add3A_876, %gather3A_895 : vector<16xf32>
        %add3A_897 = arith.constant 4 : i32
        %add3A_898 = vector.broadcast %add3A_897 : i32 to vector<16xi32>
        %add3A_899 = arith.addi %iota3A_879, %add3A_898 : vector<16xi32>
        %and3A_900 = arith.constant 15 : i32
        %and3A_901 = vector.broadcast %and3A_900 : i32 to vector<16xi32>
        %and3A_902 = arith.andi %add3A_899, %and3A_901 : vector<16xi32>
        %lt3A_903 = arith.constant 0 : i32
        %lt3A_904 = vector.broadcast %lt3A_903 : i32 to vector<16xi32>
        %lt3A_905 = arith.cmpi slt, %and3A_902, %lt3A_904 : vector<16xi32>
        %add3A_906 = arith.constant 16 : i32
        %add3A_907 = vector.broadcast %add3A_906 : i32 to vector<16xi32>
        %add3A_908 = arith.addi %and3A_902, %add3A_907 : vector<16xi32>
        %select_n3A_909 = arith.select %lt3A_905, %add3A_908, %and3A_902 : vector<16xi1>, vector<16xi32>
        %broadcast_in_dim3A_910 = vector.shape_cast %select_n3A_909 : vector<16xi32> to vector<16x1xi32>
        %gather3A_911 = vector.shape_cast %broadcast_in_dim3A_910 : vector<16x1xi32> to vector<16xi32>
        %gather3A_912 = tpu.dynamic_gather %add3A_896[%gather3A_911] in [0] : vector<16xf32>, vector<16xi32> -> vector<16xf32>
        %add3A_913 = arith.addf %add3A_896, %gather3A_912 : vector<16xf32>
        %add3A_914 = arith.constant 2 : i32
        %add3A_915 = vector.broadcast %add3A_914 : i32 to vector<16xi32>
        %add3A_916 = arith.addi %iota3A_879, %add3A_915 : vector<16xi32>
        %and3A_917 = arith.constant 15 : i32
        %and3A_918 = vector.broadcast %and3A_917 : i32 to vector<16xi32>
        %and3A_919 = arith.andi %add3A_916, %and3A_918 : vector<16xi32>
        %lt3A_920 = arith.constant 0 : i32
        %lt3A_921 = vector.broadcast %lt3A_920 : i32 to vector<16xi32>
        %lt3A_922 = arith.cmpi slt, %and3A_919, %lt3A_921 : vector<16xi32>
        %add3A_923 = arith.constant 16 : i32
        %add3A_924 = vector.broadcast %add3A_923 : i32 to vector<16xi32>
        %add3A_925 = arith.addi %and3A_919, %add3A_924 : vector<16xi32>
        %select_n3A_926 = arith.select %lt3A_922, %add3A_925, %and3A_919 : vector<16xi1>, vector<16xi32>
        %broadcast_in_dim3A_927 = vector.shape_cast %select_n3A_926 : vector<16xi32> to vector<16x1xi32>
        %gather3A_928 = vector.shape_cast %broadcast_in_dim3A_927 : vector<16x1xi32> to vector<16xi32>
        %gather3A_929 = tpu.dynamic_gather %add3A_913[%gather3A_928] in [0] : vector<16xf32>, vector<16xi32> -> vector<16xf32>
        %add3A_930 = arith.addf %add3A_913, %gather3A_929 : vector<16xf32>
        %add3A_931 = arith.constant 1 : i32
        %add3A_932 = vector.broadcast %add3A_931 : i32 to vector<16xi32>
        %add3A_933 = arith.addi %iota3A_879, %add3A_932 : vector<16xi32>
        %and3A_934 = arith.constant 15 : i32
        %and3A_935 = vector.broadcast %and3A_934 : i32 to vector<16xi32>
        %and3A_936 = arith.andi %add3A_933, %and3A_935 : vector<16xi32>
        %lt3A_937 = arith.constant 0 : i32
        %lt3A_938 = vector.broadcast %lt3A_937 : i32 to vector<16xi32>
        %lt3A_939 = arith.cmpi slt, %and3A_936, %lt3A_938 : vector<16xi32>
        %add3A_940 = arith.constant 16 : i32
        %add3A_941 = vector.broadcast %add3A_940 : i32 to vector<16xi32>
        %add3A_942 = arith.addi %and3A_936, %add3A_941 : vector<16xi32>
        %select_n3A_943 = arith.select %lt3A_939, %add3A_942, %and3A_936 : vector<16xi1>, vector<16xi32>
        %broadcast_in_dim3A_944 = vector.shape_cast %select_n3A_943 : vector<16xi32> to vector<16x1xi32>
        %gather3A_945 = vector.shape_cast %broadcast_in_dim3A_944 : vector<16x1xi32> to vector<16xi32>
        %gather3A_946 = tpu.dynamic_gather %add3A_930[%gather3A_945] in [0] : vector<16xf32>, vector<16xi32> -> vector<16xf32>
        %add3A_947 = arith.addf %add3A_930, %gather3A_946 : vector<16xf32>
        %mul3A_948 = arith.constant 7.812500e-03 : f32
        %mul3A_949 = vector.broadcast %mul3A_948 : f32 to vector<16xf32>
        %mul3A_950 = arith.mulf %add3A_947, %mul3A_949 : vector<16xf32>
        %iota3A_951 = tpu.iota {dimensions = array<i32: 0>} : vector<16xi32>
        %add3A_952 = arith.constant 8 : i32
        %add3A_953 = vector.broadcast %add3A_952 : i32 to vector<16xi32>
        %add3A_954 = arith.addi %iota3A_951, %add3A_953 : vector<16xi32>
        %and3A_955 = arith.constant 15 : i32
        %and3A_956 = vector.broadcast %and3A_955 : i32 to vector<16xi32>
        %and3A_957 = arith.andi %add3A_954, %and3A_956 : vector<16xi32>
        %lt3A_958 = arith.constant 0 : i32
        %lt3A_959 = vector.broadcast %lt3A_958 : i32 to vector<16xi32>
        %lt3A_960 = arith.cmpi slt, %and3A_957, %lt3A_959 : vector<16xi32>
        %add3A_961 = arith.constant 16 : i32
        %add3A_962 = vector.broadcast %add3A_961 : i32 to vector<16xi32>
        %add3A_963 = arith.addi %and3A_957, %add3A_962 : vector<16xi32>
        %select_n3A_964 = arith.select %lt3A_960, %add3A_963, %and3A_957 : vector<16xi1>, vector<16xi32>
        %broadcast_in_dim3A_965 = vector.shape_cast %select_n3A_964 : vector<16xi32> to vector<16x1xi32>
        %gather3A_966 = vector.shape_cast %broadcast_in_dim3A_965 : vector<16x1xi32> to vector<16xi32>
        %gather3A_967 = tpu.dynamic_gather %add3A_878[%gather3A_966] in [0] : vector<16xf32>, vector<16xi32> -> vector<16xf32>
        %add3A_968 = arith.addf %add3A_878, %gather3A_967 : vector<16xf32>
        %add3A_969 = arith.constant 4 : i32
        %add3A_970 = vector.broadcast %add3A_969 : i32 to vector<16xi32>
        %add3A_971 = arith.addi %iota3A_951, %add3A_970 : vector<16xi32>
        %and3A_972 = arith.constant 15 : i32
        %and3A_973 = vector.broadcast %and3A_972 : i32 to vector<16xi32>
        %and3A_974 = arith.andi %add3A_971, %and3A_973 : vector<16xi32>
        %lt3A_975 = arith.constant 0 : i32
        %lt3A_976 = vector.broadcast %lt3A_975 : i32 to vector<16xi32>
        %lt3A_977 = arith.cmpi slt, %and3A_974, %lt3A_976 : vector<16xi32>
        %add3A_978 = arith.constant 16 : i32
        %add3A_979 = vector.broadcast %add3A_978 : i32 to vector<16xi32>
        %add3A_980 = arith.addi %and3A_974, %add3A_979 : vector<16xi32>
        %select_n3A_981 = arith.select %lt3A_977, %add3A_980, %and3A_974 : vector<16xi1>, vector<16xi32>
        %broadcast_in_dim3A_982 = vector.shape_cast %select_n3A_981 : vector<16xi32> to vector<16x1xi32>
        %gather3A_983 = vector.shape_cast %broadcast_in_dim3A_982 : vector<16x1xi32> to vector<16xi32>
        %gather3A_984 = tpu.dynamic_gather %add3A_968[%gather3A_983] in [0] : vector<16xf32>, vector<16xi32> -> vector<16xf32>
        %add3A_985 = arith.addf %add3A_968, %gather3A_984 : vector<16xf32>
        %add3A_986 = arith.constant 2 : i32
        %add3A_987 = vector.broadcast %add3A_986 : i32 to vector<16xi32>
        %add3A_988 = arith.addi %iota3A_951, %add3A_987 : vector<16xi32>
        %and3A_989 = arith.constant 15 : i32
        %and3A_990 = vector.broadcast %and3A_989 : i32 to vector<16xi32>
        %and3A_991 = arith.andi %add3A_988, %and3A_990 : vector<16xi32>
        %lt3A_992 = arith.constant 0 : i32
        %lt3A_993 = vector.broadcast %lt3A_992 : i32 to vector<16xi32>
        %lt3A_994 = arith.cmpi slt, %and3A_991, %lt3A_993 : vector<16xi32>
        %add3A_995 = arith.constant 16 : i32
        %add3A_996 = vector.broadcast %add3A_995 : i32 to vector<16xi32>
        %add3A_997 = arith.addi %and3A_991, %add3A_996 : vector<16xi32>
        %select_n3A_998 = arith.select %lt3A_994, %add3A_997, %and3A_991 : vector<16xi1>, vector<16xi32>
        %broadcast_in_dim3A_999 = vector.shape_cast %select_n3A_998 : vector<16xi32> to vector<16x1xi32>
        %gather3A_1000 = vector.shape_cast %broadcast_in_dim3A_999 : vector<16x1xi32> to vector<16xi32>
        %gather3A_1001 = tpu.dynamic_gather %add3A_985[%gather3A_1000] in [0] : vector<16xf32>, vector<16xi32> -> vector<16xf32>
        %add3A_1002 = arith.addf %add3A_985, %gather3A_1001 : vector<16xf32>
        %add3A_1003 = arith.constant 1 : i32
        %add3A_1004 = vector.broadcast %add3A_1003 : i32 to vector<16xi32>
        %add3A_1005 = arith.addi %iota3A_951, %add3A_1004 : vector<16xi32>
        %and3A_1006 = arith.constant 15 : i32
        %and3A_1007 = vector.broadcast %and3A_1006 : i32 to vector<16xi32>
        %and3A_1008 = arith.andi %add3A_1005, %and3A_1007 : vector<16xi32>
        %lt3A_1009 = arith.constant 0 : i32
        %lt3A_1010 = vector.broadcast %lt3A_1009 : i32 to vector<16xi32>
        %lt3A_1011 = arith.cmpi slt, %and3A_1008, %lt3A_1010 : vector<16xi32>
        %add3A_1012 = arith.constant 16 : i32
        %add3A_1013 = vector.broadcast %add3A_1012 : i32 to vector<16xi32>
        %add3A_1014 = arith.addi %and3A_1008, %add3A_1013 : vector<16xi32>
        %select_n3A_1015 = arith.select %lt3A_1011, %add3A_1014, %and3A_1008 : vector<16xi1>, vector<16xi32>
        %broadcast_in_dim3A_1016 = vector.shape_cast %select_n3A_1015 : vector<16xi32> to vector<16x1xi32>
        %gather3A_1017 = vector.shape_cast %broadcast_in_dim3A_1016 : vector<16x1xi32> to vector<16xi32>
        %gather3A_1018 = tpu.dynamic_gather %add3A_1002[%gather3A_1017] in [0] : vector<16xf32>, vector<16xi32> -> vector<16xf32>
        %add3A_1019 = arith.addf %add3A_1002, %gather3A_1018 : vector<16xf32>
        %mul3A_1020 = arith.constant 7.812500e-03 : f32
        %mul3A_1021 = vector.broadcast %mul3A_1020 : f32 to vector<16xf32>
        %mul3A_1022 = arith.mulf %add3A_1019, %mul3A_1021 : vector<16xf32>
        %mul3A_1023 = arith.mulf %mul3A_950, %mul3A_950 : vector<16xf32>
        %sub3A_1024 = arith.subf %mul3A_1022, %mul3A_1023 : vector<16xf32>
        %add3A_1025 = arith.constant 9.99999996E-13 : f32
        %add3A_1026 = vector.broadcast %add3A_1025 : f32 to vector<16xf32>
        %add3A_1027 = arith.addf %sub3A_1024, %add3A_1026 : vector<16xf32>
        %bitcast_convert_type3A_1028 = tpu.bitcast %add3A_1027 : vector<16xf32> -> vector<16xi32>
        %shift_right_arithmetic3A_1029 = arith.constant 1 : i32
        %shift_right_arithmetic3A_1030 = vector.broadcast %shift_right_arithmetic3A_1029 : i32 to vector<16xi32>
        %shift_right_arithmetic3A_1031 = arith.shrsi %bitcast_convert_type3A_1028, %shift_right_arithmetic3A_1030 : vector<16xi32>
        %sub3A_1032 = arith.constant 1597463007 : i32
        %sub3A_1033 = vector.broadcast %sub3A_1032 : i32 to vector<16xi32>
        %sub3A_1034 = arith.subi %sub3A_1033, %shift_right_arithmetic3A_1031 : vector<16xi32>
        %bitcast_convert_type3A_1035 = tpu.bitcast %sub3A_1034 : vector<16xi32> -> vector<16xf32>
        %mul3A_1036 = arith.constant 5.000000e-01 : f32
        %mul3A_1037 = vector.broadcast %mul3A_1036 : f32 to vector<16xf32>
        %mul3A_1038 = arith.mulf %mul3A_1037, %add3A_1027 : vector<16xf32>
        %mul3A_1039 = arith.mulf %mul3A_1038, %bitcast_convert_type3A_1035 : vector<16xf32>
        %mul3A_1040 = arith.mulf %mul3A_1039, %bitcast_convert_type3A_1035 : vector<16xf32>
        %sub3A_1041 = arith.constant 1.500000e+00 : f32
        %sub3A_1042 = vector.broadcast %sub3A_1041 : f32 to vector<16xf32>
        %sub3A_1043 = arith.subf %sub3A_1042, %mul3A_1040 : vector<16xf32>
        %mul3A_1044 = arith.mulf %bitcast_convert_type3A_1035, %sub3A_1043 : vector<16xf32>
        %mul3A_1045 = arith.constant 5.000000e-01 : f32
        %mul3A_1046 = vector.broadcast %mul3A_1045 : f32 to vector<16xf32>
        %mul3A_1047 = arith.mulf %mul3A_1046, %add3A_1027 : vector<16xf32>
        %mul3A_1048 = arith.mulf %mul3A_1047, %mul3A_1044 : vector<16xf32>
        %mul3A_1049 = arith.mulf %mul3A_1048, %mul3A_1044 : vector<16xf32>
        %sub3A_1050 = arith.constant 1.500000e+00 : f32
        %sub3A_1051 = vector.broadcast %sub3A_1050 : f32 to vector<16xf32>
        %sub3A_1052 = arith.subf %sub3A_1051, %mul3A_1049 : vector<16xf32>
        %mul3A_1053 = arith.mulf %mul3A_1044, %sub3A_1052 : vector<16xf32>
        %sub3A_1054 = arith.subf %add3A_735, %mul3A_950 : vector<16xf32>
        %mul3A_1055 = arith.mulf %sub3A_1054, %mul3A_1053 : vector<16xf32>
        %mul3A_1056 = arith.mulf %mul3A_1055, %get3A_7 : vector<16xf32>
        %add3A_1057 = arith.addf %mul3A_1056, %get3A_47 : vector<16xf32>
        %swap3A_1058 = arith.constant 0 : i32
        %swap3A_1059 = arith.constant 0 : i32
        %swap3A_1060 = tpu.memref_slice %arg13[%scan3A_250, %swap3A_1058, %swap3A_1059] : memref<2x128x128xf32, #tpu.memory_space<vmem>> -> memref<1x128x128xf32, #tpu.memory_space<vmem>>
        %swap3A_1061 = tpu.memref_squeeze %swap3A_1060 : memref<1x128x128xf32, #tpu.memory_space<vmem>> -> memref<128x128xf32, #tpu.memory_space<vmem>>
        %swap3A_1062 = arith.index_cast %add3A_714 : i32 to index
        %swap3A_1063 = arith.constant 0 : index
        %swap3A_1064 = tpu.vector_load %swap3A_1061[%swap3A_1062, %swap3A_1063] {strides = array<i32>} : memref<128x128xf32, #tpu.memory_space<vmem>>, vector<1x16xf32>,
        %swap3A_1065 = vector.shape_cast %swap3A_1064 : vector<1x16xf32> to vector<16xf32>
        %swap3A_1066 = vector.shape_cast %add3A_1057 : vector<16xf32> to vector<1x16xf32>
        tpu.vector_store %swap3A_1061[%swap3A_1062, %swap3A_1063], %swap3A_1066 {strides = array<i32>} : memref<128x128xf32, #tpu.memory_space<vmem>>, vector<1x16xf32>,
        %sub3A_1067 = arith.subf %add3A_755, %mul3A_950 : vector<16xf32>
        %mul3A_1068 = arith.mulf %sub3A_1067, %mul3A_1053 : vector<16xf32>
        %mul3A_1069 = arith.mulf %mul3A_1068, %get3A_12 : vector<16xf32>
        %add3A_1070 = arith.addf %mul3A_1069, %get3A_52 : vector<16xf32>
        %swap3A_1071 = arith.constant 0 : i32
        %swap3A_1072 = arith.constant 0 : i32
        %swap3A_1073 = tpu.memref_slice %arg13[%scan3A_250, %swap3A_1071, %swap3A_1072] : memref<2x128x128xf32, #tpu.memory_space<vmem>> -> memref<1x128x128xf32, #tpu.memory_space<vmem>>
        %swap3A_1074 = tpu.memref_squeeze %swap3A_1073 : memref<1x128x128xf32, #tpu.memory_space<vmem>> -> memref<128x128xf32, #tpu.memory_space<vmem>>
        %swap3A_1075 = arith.index_cast %add3A_714 : i32 to index
        %swap3A_1076 = arith.constant 16 : index
        %swap3A_1077 = tpu.vector_load %swap3A_1074[%swap3A_1075, %swap3A_1076] {strides = array<i32>} : memref<128x128xf32, #tpu.memory_space<vmem>>, vector<1x16xf32>,
        %swap3A_1078 = vector.shape_cast %swap3A_1077 : vector<1x16xf32> to vector<16xf32>
        %swap3A_1079 = vector.shape_cast %add3A_1070 : vector<16xf32> to vector<1x16xf32>
        tpu.vector_store %swap3A_1074[%swap3A_1075, %swap3A_1076], %swap3A_1079 {strides = array<i32>} : memref<128x128xf32, #tpu.memory_space<vmem>>, vector<1x16xf32>,
        %sub3A_1080 = arith.subf %add3A_775, %mul3A_950 : vector<16xf32>
        %mul3A_1081 = arith.mulf %sub3A_1080, %mul3A_1053 : vector<16xf32>
        %mul3A_1082 = arith.mulf %mul3A_1081, %get3A_17 : vector<16xf32>
        %add3A_1083 = arith.addf %mul3A_1082, %get3A_57 : vector<16xf32>
        %swap3A_1084 = arith.constant 0 : i32
        %swap3A_1085 = arith.constant 0 : i32
        %swap3A_1086 = tpu.memref_slice %arg13[%scan3A_250, %swap3A_1084, %swap3A_1085] : memref<2x128x128xf32, #tpu.memory_space<vmem>> -> memref<1x128x128xf32, #tpu.memory_space<vmem>>
        %swap3A_1087 = tpu.memref_squeeze %swap3A_1086 : memref<1x128x128xf32, #tpu.memory_space<vmem>> -> memref<128x128xf32, #tpu.memory_space<vmem>>
        %swap3A_1088 = arith.index_cast %add3A_714 : i32 to index
        %swap3A_1089 = arith.constant 32 : index
        %swap3A_1090 = tpu.vector_load %swap3A_1087[%swap3A_1088, %swap3A_1089] {strides = array<i32>} : memref<128x128xf32, #tpu.memory_space<vmem>>, vector<1x16xf32>,
        %swap3A_1091 = vector.shape_cast %swap3A_1090 : vector<1x16xf32> to vector<16xf32>
        %swap3A_1092 = vector.shape_cast %add3A_1083 : vector<16xf32> to vector<1x16xf32>
        tpu.vector_store %swap3A_1087[%swap3A_1088, %swap3A_1089], %swap3A_1092 {strides = array<i32>} : memref<128x128xf32, #tpu.memory_space<vmem>>, vector<1x16xf32>,
        %sub3A_1093 = arith.subf %add3A_795, %mul3A_950 : vector<16xf32>
        %mul3A_1094 = arith.mulf %sub3A_1093, %mul3A_1053 : vector<16xf32>
        %mul3A_1095 = arith.mulf %mul3A_1094, %get3A_22 : vector<16xf32>
        %add3A_1096 = arith.addf %mul3A_1095, %get3A_62 : vector<16xf32>
        %swap3A_1097 = arith.constant 0 : i32
        %swap3A_1098 = arith.constant 0 : i32
        %swap3A_1099 = tpu.memref_slice %arg13[%scan3A_250, %swap3A_1097, %swap3A_1098] : memref<2x128x128xf32, #tpu.memory_space<vmem>> -> memref<1x128x128xf32, #tpu.memory_space<vmem>>
        %swap3A_1100 = tpu.memref_squeeze %swap3A_1099 : memref<1x128x128xf32, #tpu.memory_space<vmem>> -> memref<128x128xf32, #tpu.memory_space<vmem>>
        %swap3A_1101 = arith.index_cast %add3A_714 : i32 to index
        %swap3A_1102 = arith.constant 48 : index
        %swap3A_1103 = tpu.vector_load %swap3A_1100[%swap3A_1101, %swap3A_1102] {strides = array<i32>} : memref<128x128xf32, #tpu.memory_space<vmem>>, vector<1x16xf32>,
        %swap3A_1104 = vector.shape_cast %swap3A_1103 : vector<1x16xf32> to vector<16xf32>
        %swap3A_1105 = vector.shape_cast %add3A_1096 : vector<16xf32> to vector<1x16xf32>
        tpu.vector_store %swap3A_1100[%swap3A_1101, %swap3A_1102], %swap3A_1105 {strides = array<i32>} : memref<128x128xf32, #tpu.memory_space<vmem>>, vector<1x16xf32>,
        %sub3A_1106 = arith.subf %add3A_815, %mul3A_950 : vector<16xf32>
        %mul3A_1107 = arith.mulf %sub3A_1106, %mul3A_1053 : vector<16xf32>
        %mul3A_1108 = arith.mulf %mul3A_1107, %get3A_27 : vector<16xf32>
        %add3A_1109 = arith.addf %mul3A_1108, %get3A_67 : vector<16xf32>
        %swap3A_1110 = arith.constant 0 : i32
        %swap3A_1111 = arith.constant 0 : i32
        %swap3A_1112 = tpu.memref_slice %arg13[%scan3A_250, %swap3A_1110, %swap3A_1111] : memref<2x128x128xf32, #tpu.memory_space<vmem>> -> memref<1x128x128xf32, #tpu.memory_space<vmem>>
        %swap3A_1113 = tpu.memref_squeeze %swap3A_1112 : memref<1x128x128xf32, #tpu.memory_space<vmem>> -> memref<128x128xf32, #tpu.memory_space<vmem>>
        %swap3A_1114 = arith.index_cast %add3A_714 : i32 to index
        %swap3A_1115 = arith.constant 64 : index
        %swap3A_1116 = tpu.vector_load %swap3A_1113[%swap3A_1114, %swap3A_1115] {strides = array<i32>} : memref<128x128xf32, #tpu.memory_space<vmem>>, vector<1x16xf32>,
        %swap3A_1117 = vector.shape_cast %swap3A_1116 : vector<1x16xf32> to vector<16xf32>
        %swap3A_1118 = vector.shape_cast %add3A_1109 : vector<16xf32> to vector<1x16xf32>
        tpu.vector_store %swap3A_1113[%swap3A_1114, %swap3A_1115], %swap3A_1118 {strides = array<i32>} : memref<128x128xf32, #tpu.memory_space<vmem>>, vector<1x16xf32>,
        %sub3A_1119 = arith.subf %add3A_835, %mul3A_950 : vector<16xf32>
        %mul3A_1120 = arith.mulf %sub3A_1119, %mul3A_1053 : vector<16xf32>
        %mul3A_1121 = arith.mulf %mul3A_1120, %get3A_32 : vector<16xf32>
        %add3A_1122 = arith.addf %mul3A_1121, %get3A_72 : vector<16xf32>
        %swap3A_1123 = arith.constant 0 : i32
        %swap3A_1124 = arith.constant 0 : i32
        %swap3A_1125 = tpu.memref_slice %arg13[%scan3A_250, %swap3A_1123, %swap3A_1124] : memref<2x128x128xf32, #tpu.memory_space<vmem>> -> memref<1x128x128xf32, #tpu.memory_space<vmem>>
        %swap3A_1126 = tpu.memref_squeeze %swap3A_1125 : memref<1x128x128xf32, #tpu.memory_space<vmem>> -> memref<128x128xf32, #tpu.memory_space<vmem>>
        %swap3A_1127 = arith.index_cast %add3A_714 : i32 to index
        %swap3A_1128 = arith.constant 80 : index
        %swap3A_1129 = tpu.vector_load %swap3A_1126[%swap3A_1127, %swap3A_1128] {strides = array<i32>} : memref<128x128xf32, #tpu.memory_space<vmem>>, vector<1x16xf32>,
        %swap3A_1130 = vector.shape_cast %swap3A_1129 : vector<1x16xf32> to vector<16xf32>
        %swap3A_1131 = vector.shape_cast %add3A_1122 : vector<16xf32> to vector<1x16xf32>
        tpu.vector_store %swap3A_1126[%swap3A_1127, %swap3A_1128], %swap3A_1131 {strides = array<i32>} : memref<128x128xf32, #tpu.memory_space<vmem>>, vector<1x16xf32>,
        %sub3A_1132 = arith.subf %add3A_855, %mul3A_950 : vector<16xf32>
        %mul3A_1133 = arith.mulf %sub3A_1132, %mul3A_1053 : vector<16xf32>
        %mul3A_1134 = arith.mulf %mul3A_1133, %get3A_37 : vector<16xf32>
        %add3A_1135 = arith.addf %mul3A_1134, %get3A_77 : vector<16xf32>
        %swap3A_1136 = arith.constant 0 : i32
        %swap3A_1137 = arith.constant 0 : i32
        %swap3A_1138 = tpu.memref_slice %arg13[%scan3A_250, %swap3A_1136, %swap3A_1137] : memref<2x128x128xf32, #tpu.memory_space<vmem>> -> memref<1x128x128xf32, #tpu.memory_space<vmem>>
        %swap3A_1139 = tpu.memref_squeeze %swap3A_1138 : memref<1x128x128xf32, #tpu.memory_space<vmem>> -> memref<128x128xf32, #tpu.memory_space<vmem>>
        %swap3A_1140 = arith.index_cast %add3A_714 : i32 to index
        %swap3A_1141 = arith.constant 96 : index
        %swap3A_1142 = tpu.vector_load %swap3A_1139[%swap3A_1140, %swap3A_1141] {strides = array<i32>} : memref<128x128xf32, #tpu.memory_space<vmem>>, vector<1x16xf32>,
        %swap3A_1143 = vector.shape_cast %swap3A_1142 : vector<1x16xf32> to vector<16xf32>
        %swap3A_1144 = vector.shape_cast %add3A_1135 : vector<16xf32> to vector<1x16xf32>
        tpu.vector_store %swap3A_1139[%swap3A_1140, %swap3A_1141], %swap3A_1144 {strides = array<i32>} : memref<128x128xf32, #tpu.memory_space<vmem>>, vector<1x16xf32>,
        %sub3A_1145 = arith.subf %add3A_875, %mul3A_950 : vector<16xf32>
        %mul3A_1146 = arith.mulf %sub3A_1145, %mul3A_1053 : vector<16xf32>
        %mul3A_1147 = arith.mulf %mul3A_1146, %get3A_42 : vector<16xf32>
        %add3A_1148 = arith.addf %mul3A_1147, %get3A_82 : vector<16xf32>
        %swap3A_1149 = arith.constant 0 : i32
        %swap3A_1150 = arith.constant 0 : i32
        %swap3A_1151 = tpu.memref_slice %arg13[%scan3A_250, %swap3A_1149, %swap3A_1150] : memref<2x128x128xf32, #tpu.memory_space<vmem>> -> memref<1x128x128xf32, #tpu.memory_space<vmem>>
        %swap3A_1152 = tpu.memref_squeeze %swap3A_1151 : memref<1x128x128xf32, #tpu.memory_space<vmem>> -> memref<128x128xf32, #tpu.memory_space<vmem>>
        %swap3A_1153 = arith.index_cast %add3A_714 : i32 to index
        %swap3A_1154 = arith.constant 112 : index
        %swap3A_1155 = tpu.vector_load %swap3A_1152[%swap3A_1153, %swap3A_1154] {strides = array<i32>} : memref<128x128xf32, #tpu.memory_space<vmem>>, vector<1x16xf32>,
        %swap3A_1156 = vector.shape_cast %swap3A_1155 : vector<1x16xf32> to vector<16xf32>
        %swap3A_1157 = vector.shape_cast %add3A_1148 : vector<16xf32> to vector<1x16xf32>
        tpu.vector_store %swap3A_1152[%swap3A_1153, %swap3A_1154], %swap3A_1157 {strides = array<i32>} : memref<128x128xf32, #tpu.memory_space<vmem>>, vector<1x16xf32>,
      }
      %scan3A_255 = arith.constant 64 : i32
      %mul3A_256 = arith.constant 128 : i32
      %mul3A_257 = arith.muli %add3A_142, %mul3A_256 : i32
      %add3A_258 = arith.addi %mul3A_2, %mul3A_257 : i32
      %dma_start3A_259 = arith.constant 1 : i32
      %dma_start3A_260 = arith.constant 0 : i32
      %dma_start3A_261 = arith.constant 0 : i32
      %dma_start3A_262 = tpu.memref_slice %arg13[%dma_start3A_259, %dma_start3A_260, %dma_start3A_261] : memref<2x128x128xf32, #tpu.memory_space<vmem>> -> memref<1x128x128xf32, #tpu.memory_space<vmem>>
      %dma_start3A_263 = tpu.memref_squeeze %dma_start3A_262 : memref<1x128x128xf32, #tpu.memory_space<vmem>> -> memref<128x128xf32, #tpu.memory_space<vmem>>
      %dma_start3A_264 = arith.constant 0 : i32
      %dma_start3A_265 = tpu.memref_slice %arg8[%add3A_258, %dma_start3A_264] : memref<204800x128xf32, #tpu.memory_space<hbm>> -> memref<128x128xf32, #tpu.memory_space<hbm>>
      %dma_start3A_266 = arith.constant 0 : i32
      %dma_start3A_267 = tpu.memref_slice %arg8[%add3A_258, %dma_start3A_266] : memref<204800x128xf32, #tpu.memory_space<hbm>> -> memref<128x128xf32, #tpu.memory_space<hbm>>
      %dma_start3A_268 = arith.constant 0 : i32
      %dma_start3A_269 = arith.constant 0 : i32
      %dma_start3A_270 = tpu.memref_slice %arg13[%dma_start3A_259, %dma_start3A_268, %dma_start3A_269] : memref<2x128x128xf32, #tpu.memory_space<vmem>> -> memref<1x128x128xf32, #tpu.memory_space<vmem>>
      %dma_start3A_271 = tpu.memref_squeeze %dma_start3A_270 : memref<1x128x128xf32, #tpu.memory_space<vmem>> -> memref<128x128xf32, #tpu.memory_space<vmem>>
      tpu.enqueue_dma source(%dma_start3A_271 : memref<128x128xf32, #tpu.memory_space<vmem>>) target(%dma_start3A_267 : memref<128x128xf32, #tpu.memory_space<hbm>>) target_semaphore(%arg20 : memref<!tpu.dma_semaphore, #tpu.memory_space<semaphore_mem>>)
    }
    %scan3A_106 = arith.constant 25 : i32
    %add3A_107 = arith.constant 6144 : i32
    %add3A_108 = arith.addi %mul3A_2, %add3A_107 : i32
    %dma_wait3A = arith.constant 0 : i32
    %dma_wait3A_109 = arith.constant 0 : i32
    %dma_wait3A_110 = arith.constant 0 : i32
    %dma_wait3A_111 = tpu.memref_slice %arg13[%dma_wait3A, %dma_wait3A_109, %dma_wait3A_110] : memref<2x128x128xf32, #tpu.memory_space<vmem>> -> memref<1x128x128xf32, #tpu.memory_space<vmem>>
    %dma_wait3A_112 = tpu.memref_squeeze %dma_wait3A_111 : memref<1x128x128xf32, #tpu.memory_space<vmem>> -> memref<128x128xf32, #tpu.memory_space<vmem>>
    %dma_wait3A_113 = arith.constant 0 : i32
    %dma_wait3A_114 = tpu.memref_slice %arg8[%add3A_108, %dma_wait3A_113] : memref<204800x128xf32, #tpu.memory_space<hbm>> -> memref<128x128xf32, #tpu.memory_space<hbm>>
    %dma_wait3A_115 = arith.constant 0 : i32
    %dma_wait3A_116 = tpu.memref_slice %arg8[%add3A_108, %dma_wait3A_115] : memref<204800x128xf32, #tpu.memory_space<hbm>> -> memref<128x128xf32, #tpu.memory_space<hbm>>
    %dma_wait3A_117 = arith.constant 0 : i32
    %dma_wait3A_118 = arith.constant 0 : i32
    %dma_wait3A_119 = tpu.memref_slice %arg13[%dma_wait3A, %dma_wait3A_117, %dma_wait3A_118] : memref<2x128x128xf32, #tpu.memory_space<vmem>> -> memref<1x128x128xf32, #tpu.memory_space<vmem>>
    %dma_wait3A_120 = tpu.memref_squeeze %dma_wait3A_119 : memref<1x128x128xf32, #tpu.memory_space<vmem>> -> memref<128x128xf32, #tpu.memory_space<vmem>>
    tpu.wait_dma2 semaphore(%arg19 : memref<!tpu.dma_semaphore, #tpu.memory_space<semaphore_mem>>) src(%dma_wait3A_120 : memref<128x128xf32, #tpu.memory_space<vmem>>) dst(%dma_wait3A_116 : memref<128x128xf32, #tpu.memory_space<hbm>>)
    %add3A_121 = arith.constant 6272 : i32
    %add3A_122 = arith.addi %mul3A_2, %add3A_121 : i32
    %dma_wait3A_123 = arith.constant 1 : i32
    %dma_wait3A_124 = arith.constant 0 : i32
    %dma_wait3A_125 = arith.constant 0 : i32
    %dma_wait3A_126 = tpu.memref_slice %arg13[%dma_wait3A_123, %dma_wait3A_124, %dma_wait3A_125] : memref<2x128x128xf32, #tpu.memory_space<vmem>> -> memref<1x128x128xf32, #tpu.memory_space<vmem>>
    %dma_wait3A_127 = tpu.memref_squeeze %dma_wait3A_126 : memref<1x128x128xf32, #tpu.memory_space<vmem>> -> memref<128x128xf32, #tpu.memory_space<vmem>>
    %dma_wait3A_128 = arith.constant 0 : i32
    %dma_wait3A_129 = tpu.memref_slice %arg8[%add3A_122, %dma_wait3A_128] : memref<204800x128xf32, #tpu.memory_space<hbm>> -> memref<128x128xf32, #tpu.memory_space<hbm>>
    %dma_wait3A_130 = arith.constant 0 : i32
    %dma_wait3A_131 = tpu.memref_slice %arg8[%add3A_122, %dma_wait3A_130] : memref<204800x128xf32, #tpu.memory_space<hbm>> -> memref<128x128xf32, #tpu.memory_space<hbm>>
    %dma_wait3A_132 = arith.constant 0 : i32
    %dma_wait3A_133 = arith.constant 0 : i32
    %dma_wait3A_134 = tpu.memref_slice %arg13[%dma_wait3A_123, %dma_wait3A_132, %dma_wait3A_133] : memref<2x128x128xf32, #tpu.memory_space<vmem>> -> memref<1x128x128xf32, #tpu.memory_space<vmem>>
    %dma_wait3A_135 = tpu.memref_squeeze %dma_wait3A_134 : memref<1x128x128xf32, #tpu.memory_space<vmem>> -> memref<128x128xf32, #tpu.memory_space<vmem>>
    tpu.wait_dma2 semaphore(%arg20 : memref<!tpu.dma_semaphore, #tpu.memory_space<semaphore_mem>>) src(%dma_wait3A_135 : memref<128x128xf32, #tpu.memory_space<vmem>>) dst(%dma_wait3A_131 : memref<128x128xf32, #tpu.memory_space<hbm>>)
    return
  }
}

</mosaic_0001>

<sc_bundles>
// kernel: kernel.3.cloned.1.call-start
scs
__scs_entry_jumppad:
0x0: {  	(pc) =	sbr.rel $0x88, $3  }
0x1: {  	(tag) =	ssettag $0x0;
	lr =	simm.s32 $0x1  }
0x2: {  	[smem:$0x3F9A] =	sst lr;
	_ =	strace $0xD0000000  }
0x3: {  	_ = 	snop  }
0x4: {  	_ = 	snop  }
0x5: {  	_ = 	snop  }
0x6: {  	_ = 	snop  }
0x7: {  	_ = 	snop  }
__scs_overlays_trampoline_lowered:
0x8: {  	[smem:$0x3FA9] =	sst s0  }
0x9: {  	[smem:$0x3FAA] =	sst s1  }
0xa: {  	[smem:$0x3FAB] =	sst s2  }
0xb: {  	[smem:$0x3FAC] =	sst s3  }
0xc: {  	[smem:$0x3FAD] =	sst s4  }
0xd: {  	[smem:$0x3FAE] =	sst s5  }
0xe: {  	[smem:$0x3FAF] =	sst s6  }
0xf: {  	[smem:$0x3FB0] =	sst s7  }
0x10: {  	[smem:$0x3FB1] =	sst s8  }
0x11: {  	[smem:$0x3FB2] =	sst s9;
	s0 =	simm.s32 @!p0 $0x0  }
0x12: {  	s1 =	sld [smem:$0x3F98];
	s0 =	simm.s32 @p0 $0x1  }
0x13: {  	[smem:$0x3FB3] =	sst s0;
	s0 =	simm.s32 @!p1 $0x0  }
0x14: {  	s2 =	sld [smem:$0x3F97];
	s0 =	simm.s32 @p1 $0x1  }
0x15: {  	[smem:$0x3FB4] =	sst s0;
	s0 =	simm.s32 @!p2 $0x0  }
0x16: {  	s3 =	sld [smem:$0x3FDB];
	s0 =	simm.s32 @p2 $0x1  }
0x17: {  	s4 =	simm.s32 $0x1BF5;
	[smem:$0x3FB6] =	sst s0  }
0x18: {  	s0 =	sld [smem:$0x3F99];
	_ =	swait.ge [sflag:s4], $0x0  }
0x19: {  	s7 =	sld [smem:$0x3F9A]  }
0x1a: {  	s8 =	sadd.s32 $0xFFFFE003, lr  }
0x1b: {  	s9 =	sadd.s32 $0xFFFFFEF7, lr;
	s5 =	simm.s32 $0xFFFFFFFF;
	p2 =	slt.u32 s8, $0xFFFFF086  }
0x1c: {  	p1 =	slt.u32 s9, $0xF7A;
	s5 =	simm.s32 @!p2 $0x0  }
0x1d: {  	s5 =	simm.s32 @p1 $0x1;
	p0 =	seq.s32 s7, s2  }
0x1e: {  	s7 =	smul.u32 @!p0 $0xF7A, s2;
	p2 =	seq.s32 @!p0 s5, $0x0  }
0x1f: {  	s9 =	smul.u32 $0xF7A, s1;
	s8 =	simm.s32 @!p0 $0x1BF5;
	p2 =	por !p2, p0  }
0x20: {  	[sflag:s8] =	ssyncset.s32 @!p0 $0xFFFFF086;
	s6 =	sadd.s32 @!p0 s3, s7;
	s7 =	simm.s32 @!p0 $0x108  }
0x21: {  	s3 =	sadd.s32 s3, s9;
	s6 =	sadd.s32 @!p0 $0x88, s6;
	s7 =	simm.s32 @p2 $0x1082  }
0x22: {  	[simem:s7], [sflag:s8] =	dma.local @!p0 [hbm:s6], $0xF7A  }
0x23: {  	s9 =	sor.u32 $0xD0000000, s2;
	s6 =	simm.s32 $0x108;
	_ =	swait.ge @!p0 [sflag:s8], $0x0  }
0x24: {  	s3 =	sadd.s32 $0x88, s3;
	s6 =	simm.s32 @!p1 $0x1082;
	[sflag:s4] =	ssyncset.s32 $0xFFFFF086  }
0x25: {  	[simem:s6], [sflag:s4] =	dma.local [hbm:s3], $0xF7A  }
0x26: {  	[smem:$0x3F9A] =	sst s1;
	(tag) =	ssettag s2;
	_ =	strace s9  }
0x27: {  	s1 =	sld [smem:$0x3FAA]  }
0x28: {  	s2 =	sld [smem:$0x3FAB]  }
0x29: {  	s4 =	sld [smem:$0x3FAD]  }
0x2a: {  	p0 =	seq.s32 s5, $0x0;
	s5 =	sld [smem:$0x3FAE]  }
0x2b: {  	s6 =	sld [smem:$0x3FAF]  }
0x2c: {  	s7 =	sld [smem:$0x3FB0]  }
0x2d: {  	s3 =	simm.s32 $0x108;
	s8 =	sld [smem:$0x3FB1]  }
0x2e: {  	s3 =	simm.s32 @!p0 $0x1082;
	s9 =	sld [smem:$0x3FB2]  }
0x2f: {  	lr =	sadd.s32 s0, s3;
	s0 =	sld [smem:$0x3FA9]  }
0x30: {  	s3 =	sld [smem:$0x3FAC]  }
0x31: {  	[smem:$0x3FB5] =	sst s10  }
0x32: {  	s10 =	sld [smem:$0x3FB3];
	_ =	sdelay $0x3  }
0x33: {  	p0 =	seq.s32 s10, $0x1;
	s10 =	sld [smem:$0x3FB5];
	_ =	sdelay $0x3  }
0x34: {  	[smem:$0x3FB5] =	sst s10  }
0x35: {  	s10 =	sld [smem:$0x3FB4];
	_ =	sdelay $0x3  }
0x36: {  	p1 =	seq.s32 s10, $0x1;
	s10 =	sld [smem:$0x3FB5];
	_ =	sdelay $0x3  }
0x37: {  	[smem:$0x3FB5] =	sst s10  }
0x38: {  	s10 =	sld [smem:$0x3FB6]  }
0x39: {  	_ = 	snop;
	(pc) =	sbr.ind lr, $3  }
0x3a: {  	_ = 	snop  }
0x3b: {  	_ = 	snop  }
0x3c: {  	p2 =	seq.s32 s10, $0x1;
	s10 =	sld [smem:$0x3FB5]  }
0x3d: {  	_ =	shalt  }
0x3e: {  	_ =	shalt  }
0x3f: {  	_ =	shalt  }
0x40: {  	_ =	shalt  }
0x41: {  	_ =	shalt  }
0x42: {  	_ =	shalt  }
0x43: {  	_ =	shalt  }
0x44: {  	_ =	shalt  }
0x45: {  	_ =	shalt  }
0x46: {  	_ =	shalt  }
0x47: {  	_ =	shalt  }
0x48: {  	_ =	shalt  }
0x49: {  	_ =	shalt  }
0x4a: {  	_ =	shalt  }
0x4b: {  	_ =	shalt  }
0x4c: {  	_ =	shalt  }
0x4d: {  	_ =	shalt  }
0x4e: {  	_ =	shalt  }
0x4f: {  	_ =	shalt  }
0x50: {  	_ =	shalt  }
0x51: {  	_ =	shalt  }
0x52: {  	_ =	shalt  }
0x53: {  	_ =	shalt  }
0x54: {  	_ =	shalt  }
0x55: {  	_ =	shalt  }
0x56: {  	_ =	shalt  }
0x57: {  	_ =	shalt  }
0x58: {  	_ =	shalt  }
0x59: {  	_ =	shalt  }
0x5a: {  	_ =	shalt  }
0x5b: {  	_ =	shalt  }
0x5c: {  	_ =	shalt  }
0x5d: {  	_ =	shalt  }
0x5e: {  	_ =	shalt  }
0x5f: {  	_ =	shalt  }
0x60: {  	_ =	shalt  }
0x61: {  	_ =	shalt  }
0x62: {  	_ =	shalt  }
0x63: {  	_ =	shalt  }
0x64: {  	_ =	shalt  }
0x65: {  	_ =	shalt  }
0x66: {  	_ =	shalt  }
0x67: {  	_ =	shalt  }
0x68: {  	_ =	shalt  }
0x69: {  	_ =	shalt  }
0x6a: {  	_ =	shalt  }
0x6b: {  	_ =	shalt  }
0x6c: {  	_ =	shalt  }
0x6d: {  	_ =	shalt  }
0x6e: {  	_ =	shalt  }
0x6f: {  	_ =	shalt  }
0x70: {  	_ =	shalt  }
0x71: {  	_ =	shalt  }
0x72: {  	_ =	shalt  }
0x73: {  	_ =	shalt  }
0x74: {  	_ =	shalt  }
0x75: {  	_ =	shalt  }
0x76: {  	_ =	shalt  }
0x77: {  	_ =	shalt  }
0x78: {  	_ =	shalt  }
0x79: {  	_ =	shalt  }
0x7a: {  	_ =	shalt  }
0x7b: {  	_ =	shalt  }
0x7c: {  	_ =	shalt  }
0x7d: {  	_ =	shalt  }
0x7e: {  	_ =	shalt  }
0x7f: {  	_ =	shalt  }
0x80: {  	_ =	shalt  }
0x81: {  	_ =	shalt  }
0x82: {  	_ =	shalt  }
0x83: {  	_ =	shalt  }
0x84: {  	_ =	shalt  }
0x85: {  	_ =	shalt  }
0x86: {  	_ =	shalt  }
0x87: {  	_ =	shalt  }
.Lfunc_end0:
.L_simem_size_0:
called_computation_lowered:
.L_overlay_start_0:
0x88: {  	s2 =	sld [smem:$0x3FD9]  }
0x89: {  	s3 =	sld [smem:$0x3FFE];
	_ =	sdelay $0x1  }
0x8a: {  	s1 =	srdreg.scid  }
0x8b: {  	s0 =	sand.u32 $0x1, s1  }
0x8c: {  	s17 =	sshll.u32 s0, $0xA;
	s2 =	sadd.s32 s3, s2  }
0x8d: {  	s2 =	sadd.s32 s2, s17  }
0x8e: {  	[smem:$0x3FC1] =	sst s2  }
0x8f: {  	_ = 	snop  }
0x90: {  	s2 =	sld [smem:$0x3FC7]  }
0x91: {  	s18 =	sld [smem:$0x3FC4]  }
0x92: {  	s4 =	sld [smem:$0x3FC3]  }
0x93: {  	s5 =	sld [smem:$0x3FD0];
	(tm) =	ssettm $0x1  }
0x94: {  	s6 =	sld [smem:$0x3FFB];
	_ =	sdelay $0x3  }
0x95: {  	_ =	strace s6  }
0x96: {  	s6 =	sld [smem:$0x3FFC];
	_ =	sdelay $0x3  }
0x97: {  	_ =	strace s6  }
0x98: {  	s6 =	sld [smem:$0x3FFD];
	_ =	sdelay $0x3  }
0x99: {  	_ =	strace s6  }
0x9a: {  	_ =	strace $0x8FFFFFFF  }
0x9b: {  	s19 =	sld [smem:$0x3FDB];
	_ =	sdelay $0x1  }
0x9c: {  	s7 =	simm.s32 $_scs_section_size  }
0x9d: {  	s8 =	simm.s32 $_size__tile_overlayer_lowered;
	s9 =	simm.s32 $_tile_overlayer_lowered  }
0x9e: {  	s22 =	simm.s32 $0x1BFF;
	s21 =	sshll.u32 s9, $0x1;
	s6 =	sadd.s32 s7, s19  }
0x9f: {  	s10 =	simm.s32 $0x0;
	s20 =	sshll.u32 s8, $0x1;
	s8 =	sadd.s32 s21, s6  }
0xa0: {  	[timem:s10], [sflag:s22] =	dma.local [hbm:s8], s20  }
0xa1: {  	_ =	swait.ge [sflag:s22], s20  }
0xa2: {  	s7 =	ssub.s32 $0x0, s20;
	[sflag:s22] =	ssyncset.done $0x0  }
0xa3: {  	[sflag:s22] =	ssyncadd.s32 s7;
	_ =	sdelay $0x1  }
0xa4: {  	s23 =	simm.s32 $0x1B8B  }
0xa5: {  	_ =	swait.ge [sflag:s23], $0x1  }
0xa6: {  	[sflag:s23] =	ssyncset.done $0x0  }
0xa7: {  	s25 =	simm.s32 $0x1B8E;
	s24 =	sld [smem:$0x3FFE];
	[sflag:s23] =	ssyncadd.s32 $0xFFFFFFFF  }
0xa8: {  	s26 =	simm.s32 $execute0_lowered;
	[smem:$0x3FD2] =	sst s25  }
0xa9: {  	s8 =	sshll.u32 s26, $0x1;
	_ =	strace $0x80000046;
	[dreg:$0x1] =	wrdreg $0xFFFFFFFF  }
0xaa: {  	s28 =	simm.s32 $_size_execute0_lowered;
	s6 =	sadd.s32 s6, s8;
	[dreg:$0x0] =	wrdreg $0x0  }
0xab: {  	s8 =	sshll.u32 s28, $0x1;
	[dreg:$0x2] =	wrdreg s6  }
0xac: {  	[dreg:$0x3] =	wrdreg s8  }
0xad: {  	[dreg:$0x4] =	wrdreg $0xC0  }
0xae: {  	_ =	task [dreg:s10], $0x5FFFF  }
0xaf: {  	[dreg:$0x1] =	wrdreg $0xFFFFFFFF  }
0xb0: {  	[dreg:$0x0] =	wrdreg $0x60  }
0xb1: {  	[dreg:$0x2] =	wrdreg s24  }
0xb2: {  	[dreg:$0x3] =	wrdreg s2  }
0xb3: {  	[dreg:$0x4] =	wrdreg s18  }
0xb4: {  	[dreg:$0x5] =	wrdreg s4  }
0xb5: {  	[dreg:$0x6] =	wrdreg s5  }
0xb6: {  	[dreg:$0x7] =	wrdreg $0x9  }
0xb7: {  	_ =	task.clear_ibuf [dreg:s10], $0x8FFFF;
	_ =	strace $0x90000046  }
0xb8: {  	s29 =	simm.s32 $0x9;
	_ =	strace $0x80000048  }
0xb9: {  	_ =	swait.ge [sflag:s29], $0x1  }
0xba: {  	[sflag:s29] =	ssyncadd.s32 $0xFFFFFFFF  }
0xbb: {  	_ =	strace $0x90000048  }
0xbc: {  	_ =	sfence  }
0xbd: {  	s30 =	sld [smem:$0x0];
	_ =	sdelay $0x2  }
0xbe: {  	s31 =	sshll.u32 s1, $0xD;
	s1 =	sshrl.u32 s1, $0x2  }
0xbf: {  	s3 =	sand.u32 $0x4000, s31;
	s1 =	sadd.s32 s1, s30  }
0xc0: {  	s0 =	sor.u32 s3, s0;
	s1 =	sshll.u32 s1, $0x11  }
0xc1: {  	s0 =	sor.u32 s1, s0  }
0xc2: {  	s0 =	sadd.s32 $0x8F2B, s0  }
0xc3: {  	[sflag:s0] =	ssyncadd.remote.s32 $0x1  }
0xc4: {  	_ =	sfence.sel $0xFFFF  }
0xc5: {  	[dreg:$0x0] =	wrdreg $0xFFFFFFFF;
	(pc) =	sbr.abs _section_cstart, $3  }
0xc6: {  	[dreg:$0x1] =	wrdreg $0xFFFFFFFF  }
0xc7: {  	_ =	task.clear_ibuf [dreg:s10], $0x2FFFF;
	_ =	strace $0x9FFFFFFF  }
0xc8: {  	(tm) =	ssettm $0x7FFFFFFF  }
0xc9: {  	_ =	shalt  }
tec
execute0_lowered:
.L_overlay_start_1:
0x0: {  	(tag) =	ssettag $0x1  }
0x1: {  	s0 =	rddreg [dreg:$0x0]  }
0x2: {  	s1 =	rddreg [dreg:$0x1]  }
0x3: {  	s2 =	srdreg.scid;
	s3 =	stileid.u32;
	v0 =	vimm.s32 $0xFEDCBA98;
	v1 =	vimm.s32 $0x76543210;
	v2 =	vimm.s32 $0x3210FEDC  }
0x4: {  	s5 =	rddreg [dreg:$0x4];
	s6 =	simm.s32 $0x0;
	v3 =	vimm.s32 $0xBA987654;
	v4 =	vimm.s32 $0x10FEDCBA;
	v5 =	vimm.s32 $0x98765432;
	s13 =	simm.s32 $0x7  }
0x5: {  	v6 =	vimm.s32 $0xFEDCBA9;
	v7 =	vimm.s32 $0x87654321;
	s14 =	simm.s32 $0x1900;
	s17 =	simm.s32 $0x80;
	s19 =	simm.s32 $0xB200  }
0x6: {  	s20 =	simm.s32 $0x7200;
	s21 =	simm.s32 $0xF200;
	s22 =	simm.s32 $0x1;
	v0 =	vunpack.c.l.s4.s8 v0;
	v1 =	vunpack.c.l.s4.s8 v1;
	v2 =	vunpack.c.l.s4.s8 v2  }
0x7: {  	s23 =	simm.s32 $0x3;
	s24 =	simm.s32 $0x13200;
	s25 =	simm.s32 $0x2;
	v3 =	vunpack.c.l.s4.s8 v3;
	v4 =	vunpack.c.l.s4.s8 v4;
	v5 =	vunpack.c.l.s4.s8 v5  }
0x8: {  	s28 =	simm.s32 $0x17200;
	s2 =	sand.u32 $0x1, s2;
	s3 =	sshll.u32 s3, $0x1;
	v6 =	vunpack.c.l.s4.s8 v6;
	v7 =	vunpack.c.l.s4.s8 v7;
	v0 =	vunpack.c.0.s8.s32 v0  }
0x9: {  	s29 =	simm.s32 $0x5;
	s30 =	simm.s32 $0x6;
	s3 =	sor.u32 s2, s3;
	v2 =	vunpack.c.0.s8.s32 v2;
	v3 =	vunpack.c.0.s8.s32 v3;
	v4 =	vunpack.c.0.s8.s32 v4  }
0xa: {  	s31 =	simm.s32 $0x0;
	[smem:$0x7FF] =	sst s6;
	s7 =	smul.u32 $0x1900, s3;
	v5 =	vunpack.c.0.s8.s32 v5;
	v6 =	vunpack.c.0.s8.s32 v6;
	v7 =	vunpack.c.0.s8.s32 v7  }
0xb: {  	s8 =	sadd.s32 $0xCC00, s0;
	_ =	strace $0x80000047;
	s2 =	ssub.s32 $0x2, s2;
	v1 =	vunpack.c.0.s8.s32 v1;
	v2 =	vcombine.low v3, v2  }
0xc: {  	s26 =	sshrl.u32 s2, $0x1;
	s11 =	smul.u32 $0xC8000, s3;
	s4 =	sshrl.u32 s7, $0x3;
	v3 =	vcombine.low v5, v4;
	v4 =	vcombine.low v7, v6;
	v0 =	vand.u32 $0xF, v0  }
0xd: {  	s4 =	sadd.s32 s4, s0;
	s0 =	ssub.s32 s2, s26;
	v0 =	vcombine.low v0, v1;
	s26 =	simm.s32 $0x4  }
0xe: {  	s9 =	sadd.s32 $0x6800, s4;
	s10 =	sadd.s32 $0x400, s4;
	s12 =	smax.u32 s0, $0x1;
	v1 =	vand.u32 $0xF, v2;
	v2 =	vand.u32 $0xF, v3;
	v3 =	vand.u32 $0xF, v4  }
.LBB2_1:
0xf: {  	[tilespmem:s6], [sflag:$0x7] =	stream.linear.gather [hbm4b:s9+s6], $0x1900, $0x38;
	[tilespmem:$0x1B300] =	vst v63  }
0x10: {  	_ =	swait.ge [sflag:s13], $0x1900  }
0x11: {  	[sflag:s13] =	ssyncset.done $0x0  }
0x12: {  	[sflag:s13] =	ssyncadd.s32 $0xFFFFE700  }
0x13: {  	[tilespmem:s14], [sflag:$0x7] =	stream.linear.gather [hbm4b:s10+s6], $0x1900, $0x38;
	[tilespmem:$0x1B300] =	vst v63  }
0x14: {  	_ =	swait.ge [sflag:s13], $0x1900  }
0x15: {  	[sflag:s13] =	ssyncset.done $0x0  }
0x16: {  	[sflag:s13] =	ssyncadd.s32 $0xFFFFE700  }
0x17: {  	s2 =	simm.s32 $0x1B200;
	s0 =	rddreg [dreg:$0x2]  }
0x18: {  	[tilespmem:s2], [sflag:$0x7] =	stream.linear.gather [hbm4b:s0+s6], $0x80, $0x38;
	[tilespmem:$0x1B300] =	vst v63  }
0x19: {  	_ =	swait.ge [sflag:s13], $0x80  }
0x1a: {  	[sflag:s13] =	ssyncset.done $0x0  }
0x1b: {  	[sflag:s13] =	ssyncadd.s32 $0xFFFFFF80  }
0x1c: {  	s16 =	simm.s32 $0x1B280;
	s15 =	rddreg [dreg:$0x3]  }
0x1d: {  	[tilespmem:s16], [sflag:$0x7] =	stream.linear.gather [hbm4b:s15+s6], $0x80, $0x38;
	[tilespmem:$0x1B300] =	vst v63  }
0x1e: {  	_ =	swait.ge [sflag:s13], $0x80  }
0x1f: {  	[sflag:s13] =	ssyncset.done $0x0  }
0x20: {  	[sflag:s13] =	ssyncadd.s32 $0xFFFFFF80  }
0x21: {  	v4 =	vld [tilespmem:$0x1B200]  }
0x22: {  	v5 =	vld [tilespmem:$0x1B210]  }
0x23: {  	v6 =	vld [tilespmem:$0x1B220]  }
0x24: {  	v7 =	vld [tilespmem:$0x1B230]  }
0x25: {  	v8 =	vld [tilespmem:$0x1B240]  }
0x26: {  	v9 =	vld [tilespmem:$0x1B250]  }
0x27: {  	v10 =	vld [tilespmem:$0x1B260]  }
0x28: {  	v11 =	vld [tilespmem:$0x1B270]  }
0x29: {  	v12 =	vld [tilespmem:$0x1B280]  }
0x2a: {  	v13 =	vld [tilespmem:$0x1B290]  }
0x2b: {  	v14 =	vld [tilespmem:$0x1B2A0]  }
0x2c: {  	v15 =	vld [tilespmem:$0x1B2B0]  }
0x2d: {  	v16 =	vld [tilespmem:$0x1B2C0]  }
0x2e: {  	v17 =	vld [tilespmem:$0x1B2D0]  }
0x2f: {  	s18 =	simm.s32 $0x3200;
	v18 =	vld [tilespmem:$0x1B2E0]  }
0x30: {  	v19 =	vld [tilespmem:$0x1B2F0];
	[tilespmem:s18], [sflag:$0x1] =	stream.indirect.gather [hbm4b:s1+s17], $0x80, s6, s17, $0xb8  }
0x31: {  	s0 =	simm.s32 $0x0  }
0x32: {  	[tilespmem:s19], [sflag:$0x3] =	stream.indirect.gather [hbm4b:s8+s17], $0x80, s14, s17, $0xb8;
	[tilespmem:$0x1B300] =	vst v63  }
.LBB2_2:
0x33: {  	s2 =	sshll.u32 s0, $0x8  }
0x34: {  	s3 =	sor.u32 $0x80, s2  }
0x35: {  	[tilespmem:s20], [sflag:$0x2] =	stream.indirect.gather [hbm4b:s1+s17], $0x80, s3, s17, $0xb8;
	[tilespmem:$0x1B300] =	vst v63  }
0x36: {  	s4 =	sadd.s32 $0x1980, s2  }
0x37: {  	[tilespmem:s21], [sflag:$0x4] =	stream.indirect.gather [hbm4b:s8+s17], $0x80, s4, s17, $0xb8;
	[tilespmem:$0x1B300] =	vst v63  }
0x38: {  	_ =	swait.ge [sflag:s22], $0x4000  }
0x39: {  	[sflag:s22] =	ssyncset.done $0x0  }
0x3a: {  	[sflag:s22] =	ssyncadd.s32 $0xFFFFC000  }
0x3b: {  	_ =	swait.ge [sflag:s23], $0x4000  }
0x3c: {  	p0 =	seq.s32 s0, $0x0;
	[sflag:s23] =	ssyncset.done $0x0  }
0x3d: {  	s4 =	simm.s32 @!p0 $0x5;
	[sflag:s23] =	ssyncadd.s32 $0xFFFFC000  }
0x3e: {  	_ =	swait.ge @!p0 [sflag:s4], $0x4000  }
0x3f: {  	[sflag:s4] =	ssyncset.done @!p0 $0x0  }
0x40: {  	s15 =	simm.s32 $0x0;
	[sflag:s4] =	ssyncadd.s32 @!p0 $0xFFFFC000  }
0x41: {  	v20 =	vld [tilespmem:s15+$0x32A0]  }
0x42: {  	v21 =	vld [tilespmem:s15+$0x3280]  }
0x43: {  	v22 =	vld [tilespmem:s15+$0xB280]  }
0x44: {  	v23 =	vld [tilespmem:s15+$0x3290]  }
0x45: {  	v24 =	vld [tilespmem:s15+$0xB290]  }
0x46: {  	v25 =	vld [tilespmem:s15+$0xB2A0]  }
0x47: {  	v26 =	vld [tilespmem:s15+$0x32B0]  }
0x48: {  	v27 =	vld [tilespmem:s15+$0xB2B0];
	v21 =	vadd.f32 v22, v21  }
0x49: {  	v28 =	vld [tilespmem:s15+$0x32C0]  }
0x4a: {  	v22 =	vadd.f32 v24, v23;
	v24 =	vld [tilespmem:s15+$0xB2C0];
	v29 =	vadd.f32 $0.0e+00, v21  }
0x4b: {  	v32 =	vld [tilespmem:s15+$0xB2D0];
	v20 =	vadd.f32 v25, v20  }
0x4c: {  	v25 =	vld [tilespmem:s15+$0x32D0];
	v30 =	vmul.f32 v21, v21;
	v31 =	vmul.f32 v22, v22;
	v29 =	vadd.f32 v22, v29  }
0x4d: {  	v23 =	vadd.f32 v27, v26;
	v26 =	vld [tilespmem:s15+$0x32E0]  }
0x4e: {  	v27 =	vadd.f32 v31, v30;
	v30 =	vmul.f32 v20, v20;
	v31 =	vld [tilespmem:s15+$0xB2E0];
	v29 =	vadd.f32 v20, v29  }
0x4f: {  	v33 =	vld [tilespmem:s15+$0xB2F0];
	v24 =	vadd.f32 v24, v28  }
0x50: {  	v28 =	vld [tilespmem:s15+$0x32F0];
	v27 =	vadd.f32 v30, v27;
	v30 =	vmul.f32 v23, v23;
	v29 =	vadd.f32 v23, v29  }
0x51: {  	v25 =	vadd.f32 v32, v25  }
0x52: {  	v27 =	vadd.f32 v30, v27;
	v30 =	vmul.f32 v24, v24;
	v29 =	vadd.f32 v24, v29  }
0x53: {  	v26 =	vadd.f32 v31, v26  }
0x54: {  	v59 =	vld [tilespmem:s15+$0x3200];
	v27 =	vadd.f32 v30, v27;
	v30 =	vmul.f32 v25, v25;
	v29 =	vadd.f32 v25, v29  }
0x55: {  	v34 =	vld [tilespmem:s15+$0x3210];
	v28 =	vadd.f32 v33, v28  }
0x56: {  	v31 =	vld [tilespmem:s15+$0xB200];
	v27 =	vadd.f32 v30, v27;
	v30 =	vmul.f32 v26, v26;
	v29 =	vadd.f32 v26, v29  }
0x57: {  	v60 =	vld [tilespmem:s15+$0xB210]  }
0x58: {  	v35 =	vld [tilespmem:s15+$0x3220];
	v27 =	vadd.f32 v30, v27;
	v30 =	vmul.f32 v28, v28;
	v29 =	vadd.f32 v28, v29  }
0x59: {  	v36 =	vld [tilespmem:s15+$0xB220]  }
0x5a: {  	v37 =	vld [tilespmem:s15+$0x3230];
	v27 =	vadd.f32 v30, v27;
	v30 =	vperm.xlane v29, v0  }
0x5b: {  	v61 =	vld [tilespmem:s15+$0xB230];
	v31 =	vadd.f32 v31, v59  }
0x5c: {  	v62 =	vld [tilespmem:s15+$0x3240];
	v29 =	vadd.f32 v29, v30;
	v30 =	vperm.xlane v27, v0  }
0x5d: {  	v40 =	vld [tilespmem:s15+$0xB240];
	v33 =	vadd.f32 v60, v34;
	v38 =	vadd.f32 $0.0e+00, v31  }
0x5e: {  	v63 =	vld [tilespmem:s15+$0x3250];
	v35 =	vadd.f32 v36, v35;
	v42 =	vperm.xlane v29, v1;
	v27 =	vadd.f32 v30, v27  }
0x5f: {  	v48 =	vld [tilespmem:s15+$0xB250];
	v41 =	vmul.f32 v33, v33;
	v39 =	vmul.f32 v31, v31;
	v30 =	vadd.f32 v33, v38  }
0x60: {  	v43 =	vld [tilespmem:s15+$0x3260];
	v32 =	vadd.f32 v61, v37;
	v29 =	vadd.f32 v29, v42;
	v50 =	vperm.xlane v27, v1  }
0x61: {  	v51 =	vld [tilespmem:s15+$0xB260];
	v49 =	vmul.f32 v35, v35;
	v39 =	vadd.f32 v41, v39;
	v30 =	vadd.f32 v35, v30  }
0x62: {  	v52 =	vld [tilespmem:s15+$0x3270];
	v34 =	vadd.f32 v40, v62;
	v44 =	vperm.xlane v29, v2;
	v27 =	vadd.f32 v50, v27  }
0x63: {  	v53 =	vld [tilespmem:s15+$0xB270];
	v54 =	vmul.f32 v32, v32;
	v39 =	vadd.f32 v49, v39;
	v30 =	vadd.f32 v32, v30  }
0x64: {  	v36 =	vadd.f32 v48, v63;
	v29 =	vadd.f32 v29, v44;
	v55 =	vperm.xlane v27, v2  }
0x65: {  	v56 =	vmul.f32 v34, v34;
	v39 =	vadd.f32 v54, v39;
	v30 =	vadd.f32 v34, v30  }
0x66: {  	v37 =	vadd.f32 v51, v43;
	v57 =	vperm.xlane v29, v3;
	v27 =	vadd.f32 v55, v27  }
0x67: {  	v58 =	vmul.f32 v36, v36;
	v39 =	vadd.f32 v56, v39;
	v30 =	vadd.f32 v36, v30  }
0x68: {  	v40 =	vadd.f32 v53, v52;
	v29 =	vadd.f32 v29, v57;
	v59 =	vperm.xlane v27, v3  }
0x69: {  	v60 =	vmul.f32 v37, v37;
	v38 =	vadd.f32 v58, v39;
	v30 =	vadd.f32 v37, v30  }
0x6a: {  	v29 =	vmul.f32 $7.812500000e-03, v29;
	v27 =	vadd.f32 v59, v27  }
0x6b: {  	v61 =	vmul.f32 v40, v40;
	v38 =	vadd.f32 v60, v38;
	v30 =	vadd.f32 v40, v30  }
0x6c: {  	v27 =	vmul.f32 $7.812500000e-03, v27;
	v62 =	vmul.f32 v29, v29  }
0x6d: {  	v38 =	vadd.f32 v61, v38;
	v63 =	vperm.xlane v30, v0  }
0x6e: {  	v27 =	vsub.f32 v27, v62  }
0x6f: {  	v39 =	vperm.xlane v38, v0;
	v30 =	vadd.f32 v30, v63  }
0x70: {  	v27 =	vadd.f32 $9.999999960e-13, v27  }
0x71: {  	v38 =	vadd.f32 v39, v38;
	v45 =	vperm.xlane v30, v1  }
0x72: {  	v46 =	vshra.s32 v27, $0x1;
	v27 =	vmul.f32 $5.000000000e-01, v27  }
0x73: {  	v47 =	vperm.xlane v38, v1;
	v30 =	vadd.f32 v30, v45;
	v39 =	vsub.s32 $0x5F3759DF, v46  }
0x74: {  	v48 =	vmul.f32 v39, v27  }
0x75: {  	v38 =	vadd.f32 v47, v38;
	v49 =	vperm.xlane v30, v2  }
0x76: {  	v50 =	vmul.f32 v39, v48  }
0x77: {  	v51 =	vperm.xlane v38, v2;
	v30 =	vadd.f32 v30, v49  }
0x78: {  	v41 =	vsub.f32 $1.500000000e+00, v50  }
0x79: {  	v38 =	vadd.f32 v51, v38;
	v43 =	vperm.xlane v30, v3  }
0x7a: {  	v39 =	vmul.f32 v39, v41  }
0x7b: {  	v52 =	vperm.xlane v38, v3;
	v30 =	vadd.f32 v30, v43  }
0x7c: {  	v27 =	vmul.f32 v39, v27  }
0x7d: {  	v38 =	vadd.f32 v52, v38;
	v30 =	vmul.f32 $7.812500000e-03, v30  }
0x7e: {  	v27 =	vmul.f32 v27, v39  }
0x7f: {  	v38 =	vmul.f32 $7.812500000e-03, v38;
	v53 =	vmul.f32 v30, v30  }
0x80: {  	v27 =	vsub.f32 $1.500000000e+00, v27  }
0x81: {  	v21 =	vsub.f32 v21, v29;
	v38 =	vsub.f32 v38, v53  }
0x82: {  	s4 =	simm.s32 $0x100;
	v28 =	vsub.f32 v28, v29;
	v22 =	vsub.f32 v22, v29;
	v27 =	vmul.f32 v27, v39  }
0x83: {  	v54 =	vld [tilespmem:s4+$0x32A0];
	v20 =	vsub.f32 v20, v29;
	v38 =	vadd.f32 $9.999999960e-13, v38  }
0x84: {  	v56 =	vld [tilespmem:s4+$0xB280];
	v23 =	vsub.f32 v23, v29;
	v57 =	vsub.f32 v24, v29;
	v28 =	vmul.f32 v27, v28  }
0x85: {  	v58 =	vld [tilespmem:s4+$0x3290];
	v25 =	vsub.f32 v25, v29;
	v26 =	vsub.f32 v26, v29;
	v24 =	vshra.s32 v38, $0x1  }
0x86: {  	v60 =	vld [tilespmem:s4+$0xB2B0];
	v29 =	vsub.f32 v31, v30;
	v45 =	vsub.s32 $0x5F3759DF, v24;
	v24 =	vmul.f32 v28, v11  }
0x87: {  	v46 =	vld [tilespmem:s4+$0xB2A0];
	v47 =	vsub.f32 v33, v30;
	v38 =	vmul.f32 $5.000000000e-01, v38;
	v21 =	vmul.f32 v27, v21  }
0x88: {  	v55 =	vld [tilespmem:s4+$0x3280];
	v48 =	vsub.f32 v35, v30;
	v24 =	vadd.f32 v24, v19  }
0x89: {  	v32 =	vsub.f32 v32, v30;
	v28 =	vld [tilespmem:s4+$0xB290];
	v31 =	vmul.f32 v45, v38;
	v21 =	vmul.f32 v21, v4  }
0x8a: {  	v59 =	vld [tilespmem:s4+$0x32B0];
	v34 =	vsub.f32 v34, v30;
	v36 =	vsub.f32 v36, v30;
	[tilespmem:s15+$0x132F0] =	vst v24  }
0x8b: {  	v37 =	vsub.f32 v37, v30;
	v31 =	vmul.f32 v45, v31;
	v21 =	vadd.f32 v21, v12;
	v49 =	vld [tilespmem:s4+$0x32C0]  }
0x8c: {  	v30 =	vsub.f32 v40, v30;
	v39 =	vadd.f32 v46, v54;
	v61 =	vld [tilespmem:s4+$0xB2C0]  }
0x8d: {  	v50 =	vmul.f32 v27, v22;
	v31 =	vsub.f32 $1.500000000e+00, v31;
	v24 =	vadd.f32 v56, v55;
	v62 =	vld [tilespmem:s4+$0x32D0];
	[tilespmem:s15+$0x13280] =	vst v21  }
0x8e: {  	v40 =	vmul.f32 v27, v20;
	v22 =	vmul.f32 v27, v23;
	v28 =	vadd.f32 v28, v58;
	v63 =	vld [tilespmem:s4+$0xB2D0]  }
0x8f: {  	v21 =	vmul.f32 v27, v25;
	v31 =	vmul.f32 v45, v31;
	v23 =	vadd.f32 $0.0e+00, v24;
	v52 =	vld [tilespmem:s4+$0x3200]  }
0x90: {  	v25 =	vadd.f32 v60, v59;
	v53 =	vmul.f32 v24, v24;
	v60 =	vld [tilespmem:s4+$0xB200];
	v54 =	vmul.f32 v28, v28  }
0x91: {  	v20 =	vmul.f32 v27, v57;
	v50 =	vmul.f32 v50, v5;
	v23 =	vadd.f32 v28, v23  }
0x92: {  	v57 =	vmul.f32 v39, v39;
	v38 =	vmul.f32 v31, v38;
	v56 =	vadd.f32 v54, v53  }
0x93: {  	v33 =	vmul.f32 v27, v26;
	v27 =	vadd.f32 v50, v13;
	v46 =	vld [tilespmem:s4+$0x32E0];
	v23 =	vadd.f32 v39, v23  }
0x94: {  	v35 =	vld [tilespmem:s4+$0xB2E0];
	v55 =	vmul.f32 v38, v31;
	v41 =	vadd.f32 v61, v49;
	v38 =	vadd.f32 v57, v56  }
0x95: {  	v45 =	vld [tilespmem:s4+$0x32F0];
	v59 =	vmul.f32 v25, v25;
	v26 =	vadd.f32 v63, v62;
	v42 =	vadd.f32 v60, v52  }
0x96: {  	v51 =	vld [tilespmem:s4+$0xB2F0];
	v58 =	vsub.f32 $1.500000000e+00, v55;
	v23 =	vadd.f32 v25, v23  }
0x97: {  	v63 =	vld [tilespmem:s4+$0x3210];
	[tilespmem:s15+$0x13290] =	vst v27;
	v62 =	vmul.f32 v41, v41;
	v38 =	vadd.f32 v59, v38;
	v56 =	vmul.f32 v26, v26  }
0x98: {  	v27 =	vld [tilespmem:s4+$0xB210];
	v54 =	vmul.f32 v42, v42;
	v61 =	vadd.f32 v41, v23;
	v31 =	vmul.f32 v58, v31  }
0x99: {  	v50 =	vld [tilespmem:s4+$0x3240];
	v23 =	vmul.f32 v40, v6;
	v40 =	vadd.f32 v35, v46;
	v38 =	vadd.f32 v62, v38  }
0x9a: {  	v53 =	vld [tilespmem:s4+$0xB240];
	v43 =	vadd.f32 v26, v61;
	v29 =	vmul.f32 v31, v29;
	v46 =	vmul.f32 v31, v47  }
0x9b: {  	v57 =	vld [tilespmem:s4+$0x3220];
	v35 =	vadd.f32 v51, v45;
	v59 =	vmul.f32 v40, v40;
	v48 =	vmul.f32 v31, v48  }
0x9c: {  	v49 =	vld [tilespmem:s4+$0x3230];
	v32 =	vmul.f32 v31, v32;
	v38 =	vadd.f32 v56, v38;
	v43 =	vadd.f32 v40, v43  }
0x9d: {  	v58 =	vld [tilespmem:s4+$0xB220];
	v60 =	vmul.f32 v35, v35;
	v52 =	vmul.f32 v31, v34;
	v61 =	vadd.f32 $0.0e+00, v42  }
0x9e: {  	v51 =	vld [tilespmem:s4+$0xB230];
	v36 =	vmul.f32 v31, v36;
	v38 =	vadd.f32 v59, v38;
	v43 =	vadd.f32 v35, v43  }
0x9f: {  	v37 =	vmul.f32 v31, v37;
	v27 =	vadd.f32 v27, v63;
	v50 =	vadd.f32 v53, v50  }
0xa0: {  	v46 =	vmul.f32 v46, v5;
	v38 =	vadd.f32 v60, v38;
	v62 =	vperm.xlane v43, v0  }
0xa1: {  	v55 =	vld [tilespmem:s4+$0xB250];
	v32 =	vmul.f32 v32, v7;
	v37 =	vmul.f32 v37, v10;
	v34 =	vadd.f32 v27, v61  }
0xa2: {  	v47 =	vld [tilespmem:s4+$0x3250];
	v45 =	vadd.f32 v58, v57;
	v63 =	vperm.xlane v38, v0;
	v43 =	vadd.f32 v43, v62  }
0xa3: {  	v56 =	vmul.f32 v27, v27;
	v57 =	vmul.f32 v31, v30;
	v31 =	vld [tilespmem:s4+$0x3260];
	v49 =	vadd.f32 v51, v49  }
0xa4: {  	v30 =	vadd.f32 v45, v34;
	v34 =	vld [tilespmem:s4+$0xB260];
	v38 =	vadd.f32 v63, v38;
	v60 =	vperm.xlane v43, v1  }
0xa5: {  	v53 =	vld [tilespmem:s4+$0x3270];
	v46 =	vadd.f32 v46, v13;
	v61 =	vadd.f32 v56, v54;
	v62 =	vmul.f32 v45, v45  }
0xa6: {  	v56 =	vld [tilespmem:s4+$0xB270];
	v30 =	vadd.f32 v49, v30;
	v63 =	vperm.xlane v38, v1;
	v43 =	vadd.f32 v43, v60  }
0xa7: {  	v58 =	vmul.f32 v49, v49;
	v47 =	vadd.f32 v55, v47;
	v44 =	vadd.f32 v62, v61  }
0xa8: {  	v30 =	vadd.f32 v50, v30;
	v38 =	vadd.f32 v63, v38;
	v59 =	vperm.xlane v43, v2  }
0xa9: {  	v54 =	vadd.f32 v34, v31;
	v60 =	vmul.f32 v50, v50;
	v44 =	vadd.f32 v58, v44  }
0xaa: {  	v30 =	vadd.f32 v47, v30;
	v61 =	vperm.xlane v38, v2;
	v31 =	vadd.f32 v43, v59  }
0xab: {  	v62 =	vmul.f32 v47, v47;
	v51 =	vadd.f32 v56, v53;
	v44 =	vadd.f32 v60, v44  }
0xac: {  	v30 =	vadd.f32 v54, v30;
	v34 =	vadd.f32 v61, v38;
	v63 =	vperm.xlane v31, v3  }
0xad: {  	v55 =	vmul.f32 v29, v4;
	v29 =	vmul.f32 v54, v54;
	v58 =	vadd.f32 v62, v44  }
0xae: {  	v30 =	vadd.f32 v51, v30;
	v59 =	vperm.xlane v34, v3;
	v31 =	vadd.f32 v31, v63  }
0xaf: {  	v32 =	vadd.f32 v32, v15;
	v60 =	vmul.f32 v51, v51;
	v29 =	vadd.f32 v29, v58  }
0xb0: {  	v61 =	vperm.xlane v30, v0;
	v53 =	vmul.f32 $7.812500000e-03, v31;
	v31 =	vadd.f32 v59, v34  }
0xb1: {  	v37 =	vadd.f32 v37, v18;
	v43 =	vmul.f32 v48, v6;
	v29 =	vadd.f32 v60, v29  }
0xb2: {  	v62 =	vadd.f32 v30, v61;
	v30 =	vmul.f32 $7.812500000e-03, v31;
	v31 =	vmul.f32 v53, v53  }
0xb3: {  	v43 =	vadd.f32 v43, v14;
	v63 =	vperm.xlane v29, v0;
	v56 =	vsub.f32 v24, v53  }
0xb4: {  	v38 =	vsub.f32 v28, v53;
	v24 =	vperm.xlane v62, v1;
	v28 =	vsub.f32 v30, v31  }
0xb5: {  	v48 =	vadd.f32 v63, v29;
	v29 =	vsub.f32 v26, v53  }
0xb6: {  	v24 =	vadd.f32 v62, v24;
	v28 =	vadd.f32 $9.999999960e-13, v28  }
0xb7: {  	v30 =	vsub.f32 v25, v53;
	v25 =	vmul.f32 v36, v9;
	v61 =	vperm.xlane v48, v1  }
0xb8: {  	v26 =	vperm.xlane v24, v2;
	v62 =	vshra.s32 v28, $0x1;
	v44 =	vmul.f32 $5.000000000e-01, v28  }
0xb9: {  	v31 =	vsub.f32 v41, v53;
	v36 =	vadd.f32 v61, v48;
	v41 =	vsub.s32 $0x5F3759DF, v62  }
0xba: {  	v60 =	vmul.f32 v52, v8;
	v24 =	vadd.f32 v24, v26;
	v26 =	vmul.f32 v41, v44  }
0xbb: {  	v34 =	vsub.f32 v39, v53;
	v63 =	vadd.f32 v55, v12;
	v48 =	vperm.xlane v36, v2  }
0xbc: {  	v39 =	vadd.f32 v60, v16;
	v58 =	vperm.xlane v24, v3;
	v26 =	vmul.f32 v41, v26  }
0xbd: {  	[tilespmem:s15+$0x13200] =	vst v63;
	v63 =	vadd.f32 v23, v14;
	v36 =	vadd.f32 v48, v36  }
0xbe: {  	v59 =	vmul.f32 v57, v11;
	v24 =	vadd.f32 v24, v58;
	v26 =	vsub.f32 $1.500000000e+00, v26  }
0xbf: {  	v25 =	vadd.f32 v25, v17;
	v62 =	vmul.f32 v22, v7;
	v60 =	vperm.xlane v36, v3  }
0xc0: {  	v28 =	vsub.f32 v40, v53;
	v61 =	vmul.f32 $7.812500000e-03, v24;
	v41 =	vmul.f32 v41, v26  }
0xc1: {  	[tilespmem:s15+$0x13210] =	vst v46;
	v48 =	vadd.f32 v59, v19;
	v22 =	vadd.f32 v60, v36  }
0xc2: {  	[tilespmem:s15+$0x13230] =	vst v32;
	v62 =	vadd.f32 v62, v15;
	v23 =	vmul.f32 v61, v61;
	v44 =	vmul.f32 v41, v44  }
0xc3: {  	[tilespmem:s15+$0x13260] =	vst v37;
	v26 =	vsub.f32 v42, v61;
	v55 =	vmul.f32 $7.812500000e-03, v22;
	v27 =	vsub.f32 v27, v61  }
0xc4: {  	[tilespmem:s15+$0x13250] =	vst v25;
	v24 =	vsub.f32 v45, v61;
	v25 =	vsub.f32 v49, v61;
	v57 =	vmul.f32 v44, v41  }
0xc5: {  	[tilespmem:s15+$0x13220] =	vst v43;
	v58 =	vmul.f32 v20, v8;
	v22 =	vsub.f32 v50, v61;
	v20 =	vsub.f32 v55, v23  }
0xc6: {  	v32 =	vmul.f32 v21, v9;
	[tilespmem:s15+$0x13240] =	vst v39;
	v21 =	vsub.f32 v54, v61;
	v59 =	vsub.f32 $1.500000000e+00, v57  }
0xc7: {  	v33 =	vmul.f32 v33, v10;
	[tilespmem:s15+$0x132A0] =	vst v63;
	v23 =	vsub.f32 v47, v61;
	v60 =	vadd.f32 $9.999999960e-13, v20  }
0xc8: {  	s16 =	simm.s32 $0x200;
	[tilespmem:s15+$0x13270] =	vst v48;
	v20 =	vsub.f32 v51, v61;
	v61 =	vsub.f32 v35, v53;
	v37 =	vmul.f32 v59, v41  }
0xc9: {  	v40 =	vld [tilespmem:s16+$0x32A0];
	v42 =	vadd.f32 v58, v16;
	v63 =	vshra.s32 v60, $0x1;
	v39 =	vmul.f32 $5.000000000e-01, v60  }
0xca: {  	s18 =	simm.s32 $0xC00;
	v36 =	vld [tilespmem:s16+$0x3280];
	[tilespmem:s15+$0x132B0] =	vst v62;
	v35 =	vsub.s32 $0x5F3759DF, v63;
	v41 =	vmul.f32 v37, v56;
	v43 =	vmul.f32 v37, v61  }
.LBB2_3:
0xcb: {  	p1 =	sne.s32 s18, $0xFC00;
	v44 =	vld [tilespmem:s16+$0xB280];
	v45 =	vmul.f32 v35, v39;
	v38 =	vmul.f32 v37, v38;
	[tilespmem:s15+$0x132C0] =	vst v42;
	v32 =	vadd.f32 v32, v17  }
0xcc: {  	v34 =	vmul.f32 v37, v34;
	v33 =	vadd.f32 v33, v18;
	v42 =	vld [tilespmem:s16+$0x3290];
	v43 =	vmul.f32 v43, v11  }
0xcd: {  	v30 =	vmul.f32 v37, v30;
	v46 =	vld [tilespmem:s16+$0xB290];
	v45 =	vmul.f32 v35, v45;
	[tilespmem:s15+$0x132D0] =	vst v32  }
0xce: {  	v31 =	vmul.f32 v37, v31;
	v47 =	vmul.f32 v37, v29;
	v32 =	vld [tilespmem:s16+$0xB2A0];
	v29 =	vadd.f32 v43, v19;
	[tilespmem:s15+$0x132E0] =	vst v33;
	s15 =	smov.u32 s4;
	s4 =	smov.u32 s16  }
0xcf: {  	v41 =	vmul.f32 v41, v4;
	v33 =	vld [tilespmem:s4+$0x32B0];
	v43 =	vsub.f32 $1.500000000e+00, v45;
	v45 =	vmul.f32 v37, v28  }
0xd0: {  	v38 =	vmul.f32 v38, v5;
	v37 =	vmul.f32 v34, v6;
	v28 =	vadd.f32 v44, v36;
	v44 =	vld [tilespmem:s4+$0xB2B0];
	[tilespmem:s15+$0x132F0] =	vst v29  }
0xd1: {  	v41 =	vadd.f32 v41, v12;
	v34 =	vld [tilespmem:s4+$0x32C0];
	v43 =	vmul.f32 v35, v43;
	v35 =	vmul.f32 v30, v7  }
0xd2: {  	v36 =	vmul.f32 v31, v8;
	v48 =	vadd.f32 $0.0e+00, v28;
	v29 =	vadd.f32 v46, v42;
	v42 =	vld [tilespmem:s4+$0xB2C0]  }
0xd3: {  	v30 =	vadd.f32 v32, v40;
	v46 =	vld [tilespmem:s4+$0x32D0];
	v39 =	vmul.f32 v43, v39;
	[tilespmem:s15+$0x13280] =	vst v41;
	v32 =	vmul.f32 v47, v9  }
0xd4: {  	v40 =	vmul.f32 v28, v28;
	v41 =	vadd.f32 v29, v48;
	v47 =	vmul.f32 v29, v29;
	v48 =	vld [tilespmem:s4+$0xB2D0]  }
0xd5: {  	v31 =	vadd.f32 v44, v33;
	v44 =	vld [tilespmem:s4+$0x32E0];
	v39 =	vmul.f32 v39, v43;
	v33 =	vmul.f32 v45, v10  }
0xd6: {  	v45 =	vadd.f32 v47, v40;
	v41 =	vadd.f32 v30, v41;
	v47 =	vmul.f32 v30, v30;
	v49 =	vld [tilespmem:s4+$0xB2E0]  }
0xd7: {  	v40 =	vadd.f32 v42, v34;
	v34 =	vld [tilespmem:s4+$0x32F0];
	v39 =	vsub.f32 $1.500000000e+00, v39  }
0xd8: {  	v42 =	vadd.f32 v47, v45;
	v45 =	vadd.f32 v31, v41;
	v47 =	vmul.f32 v31, v31;
	v50 =	vld [tilespmem:s4+$0xB2F0]  }
0xd9: {  	v38 =	vadd.f32 v38, v13;
	v51 =	vld [tilespmem:s4+$0x3200];
	v41 =	vadd.f32 v48, v46;
	v43 =	vmul.f32 v39, v43  }
0xda: {  	v46 =	vld [tilespmem:s4+$0xB200];
	v39 =	vadd.f32 v47, v42;
	v45 =	vadd.f32 v40, v45;
	v47 =	vmul.f32 v40, v40  }
0xdb: {  	v48 =	vld [tilespmem:s4+$0x3210];
	v42 =	vadd.f32 v49, v44;
	v26 =	vmul.f32 v43, v26;
	v27 =	vmul.f32 v43, v27;
	[tilespmem:s15+$0x13290] =	vst v38  }
0xdc: {  	v38 =	vld [tilespmem:s4+$0xB210];
	v44 =	vadd.f32 v47, v39;
	v45 =	vadd.f32 v41, v45;
	v47 =	vmul.f32 v41, v41  }
0xdd: {  	v25 =	vmul.f32 v43, v25;
	v49 =	vld [tilespmem:s4+$0x3220];
	v39 =	vadd.f32 v50, v34;
	v34 =	vmul.f32 v43, v24  }
0xde: {  	v50 =	vld [tilespmem:s4+$0xB220];
	v44 =	vadd.f32 v47, v44;
	v45 =	vadd.f32 v42, v45;
	v47 =	vmul.f32 v42, v42  }
0xdf: {  	v52 =	vmul.f32 v43, v23;
	v24 =	vadd.f32 v46, v51;
	v46 =	vld [tilespmem:s4+$0x3230];
	v51 =	vmul.f32 v43, v22  }
0xe0: {  	v23 =	vld [tilespmem:s4+$0xB230];
	v44 =	vadd.f32 v47, v44;
	v45 =	vadd.f32 v39, v45;
	v47 =	vmul.f32 v39, v39  }
0xe1: {  	v53 =	vadd.f32 $0.0e+00, v24;
	v54 =	vmul.f32 v24, v24;
	v22 =	vadd.f32 v38, v48;
	v38 =	vld [tilespmem:s4+$0x3240]  }
0xe2: {  	v55 =	vmul.f32 v43, v21;
	v48 =	vld [tilespmem:s4+$0xB240];
	v44 =	vadd.f32 v47, v44;
	v47 =	vperm.xlane v45, v0  }
0xe3: {  	v53 =	vadd.f32 v22, v53;
	v56 =	vmul.f32 v22, v22;
	v21 =	vadd.f32 v50, v49;
	v49 =	vld [tilespmem:s4+$0x3250]  }
0xe4: {  	v43 =	vmul.f32 v43, v20;
	v50 =	vld [tilespmem:s4+$0xB250];
	v45 =	vadd.f32 v45, v47;
	v47 =	vperm.xlane v44, v0  }
0xe5: {  	v54 =	vadd.f32 v56, v54;
	v53 =	vadd.f32 v21, v53;
	v56 =	vmul.f32 v21, v21;
	v57 =	vld [tilespmem:s4+$0x3260]  }
0xe6: {  	v20 =	vadd.f32 v23, v46;
	v46 =	vld [tilespmem:s4+$0xB260];
	v58 =	vperm.xlane v45, v1;
	v44 =	vadd.f32 v47, v44  }
0xe7: {  	v26 =	vmul.f32 v26, v4;
	v47 =	vadd.f32 v56, v54;
	v23 =	vadd.f32 v48, v38;
	v38 =	vld [tilespmem:s4+$0x3270]  }
0xe8: {  	v48 =	vadd.f32 v20, v53;
	v53 =	vld [tilespmem:s4+$0xB270];
	v45 =	vadd.f32 v45, v58;
	v54 =	vperm.xlane v44, v1  }
0xe9: {  	v56 =	vmul.f32 v20, v20;
	v58 =	vmul.f32 v23, v23;
	v49 =	vadd.f32 v50, v49  }
0xea: {  	v48 =	vadd.f32 v23, v48;
	v50 =	vperm.xlane v45, v2;
	v44 =	vadd.f32 v54, v44  }
0xeb: {  	v47 =	vadd.f32 v56, v47;
	v54 =	vmul.f32 v49, v49;
	v46 =	vadd.f32 v46, v57  }
0xec: {  	v48 =	vadd.f32 v49, v48;
	v45 =	vadd.f32 v45, v50;
	v50 =	vperm.xlane v44, v2  }
0xed: {  	v47 =	vadd.f32 v58, v47;
	v56 =	vmul.f32 v46, v46;
	v53 =	vadd.f32 v53, v38  }
0xee: {  	v38 =	vadd.f32 v46, v48;
	v48 =	vperm.xlane v45, v3;
	v44 =	vadd.f32 v50, v44  }
0xef: {  	v27 =	vmul.f32 v27, v5;
	v47 =	vadd.f32 v54, v47;
	v50 =	vmul.f32 v53, v53  }
0xf0: {  	v38 =	vadd.f32 v53, v38;
	v45 =	vadd.f32 v45, v48;
	v48 =	vperm.xlane v44, v3  }
0xf1: {  	v25 =	vmul.f32 v25, v7;
	v54 =	vmul.f32 v34, v6;
	v47 =	vadd.f32 v56, v47  }
0xf2: {  	v34 =	vperm.xlane v38, v0;
	v45 =	vmul.f32 $7.812500000e-03, v45;
	v44 =	vadd.f32 v48, v44  }
0xf3: {  	v47 =	vadd.f32 v50, v47;
	v50 =	vmul.f32 v52, v9;
	v48 =	vmul.f32 v51, v8  }
0xf4: {  	v51 =	vadd.f32 v38, v34;
	v34 =	vmul.f32 $7.812500000e-03, v44;
	v44 =	vmul.f32 v45, v45  }
0xf5: {  	v52 =	vperm.xlane v47, v0;
	v56 =	vsub.f32 v28, v45;
	v38 =	vsub.f32 v29, v45  }
0xf6: {  	v28 =	vperm.xlane v51, v1;
	v29 =	vsub.f32 v34, v44;
	v34 =	vsub.f32 v30, v45  }
0xf7: {  	v44 =	vadd.f32 v52, v47;
	v30 =	vsub.f32 v31, v45;
	v47 =	vmul.f32 v55, v10  }
0xf8: {  	v43 =	vmul.f32 v43, v11;
	v51 =	vadd.f32 v51, v28;
	v28 =	vadd.f32 $9.999999960e-13, v29  }
0xf9: {  	v31 =	vsub.f32 v40, v45;
	v52 =	vperm.xlane v44, v1;
	v29 =	vsub.f32 v41, v45  }
0xfa: {  	v40 =	vperm.xlane v51, v2;
	v41 =	vshra.s32 v28, $0x1;
	v55 =	vmul.f32 $5.000000000e-01, v28  }
0xfb: {  	v44 =	vadd.f32 v52, v44;
	v28 =	vsub.f32 v42, v45;
	v41 =	vsub.s32 $0x5F3759DF, v41  }
0xfc: {  	v26 =	vadd.f32 v26, v12;
	v40 =	vadd.f32 v51, v40;
	v42 =	vmul.f32 v41, v55  }
0xfd: {  	v27 =	vadd.f32 v27, v13;
	v52 =	vadd.f32 v54, v14;
	v51 =	vperm.xlane v44, v2  }
0xfe: {  	v25 =	vadd.f32 v25, v15;
	v54 =	vperm.xlane v40, v3;
	v42 =	vmul.f32 v41, v42;
	[tilespmem:s15+$0x13200] =	vst v26  }
0xff: {  	v26 =	vadd.f32 v51, v44;
	[tilespmem:s15+$0x13210] =	vst v27;
	v27 =	vadd.f32 v48, v16  }
0x100: {  	v40 =	vadd.f32 v40, v54;
	v42 =	vsub.f32 $1.500000000e+00, v42;
	[tilespmem:s15+$0x13220] =	vst v52  }
0x101: {  	v47 =	vadd.f32 v47, v18;
	v44 =	vperm.xlane v26, v3;
	[tilespmem:s15+$0x13230] =	vst v25;
	v25 =	vadd.f32 v50, v17  }
0x102: {  	v40 =	vmul.f32 $7.812500000e-03, v40;
	v41 =	vmul.f32 v41, v42;
	[tilespmem:s15+$0x13240] =	vst v27;
	v42 =	vadd.f32 v43, v19  }
0x103: {  	v37 =	vadd.f32 v37, v14;
	v27 =	vadd.f32 v44, v26;
	[tilespmem:s15+$0x13250] =	vst v25  }
0x104: {  	v43 =	vmul.f32 v40, v40;
	v26 =	vsub.f32 v24, v40;
	v44 =	vmul.f32 v41, v55;
	[tilespmem:s15+$0x13260] =	vst v47  }
0x105: {  	v24 =	vsub.f32 v21, v40;
	v47 =	vmul.f32 $7.812500000e-03, v27;
	v27 =	vsub.f32 v22, v40;
	[tilespmem:s15+$0x13270] =	vst v42  }
0x106: {  	v25 =	vsub.f32 v20, v40;
	v22 =	vsub.f32 v23, v40;
	v20 =	vmul.f32 v44, v41;
	[tilespmem:s15+$0x132A0] =	vst v37  }
0x107: {  	v23 =	vsub.f32 v49, v40;
	v37 =	vsub.f32 v47, v43  }
.Ltmp0:
0x108: {  	v21 =	vsub.f32 v46, v40;
	v42 =	vsub.f32 $1.500000000e+00, v20;
	(pc) =	sbr.rel @p1 .LBB2_3-.Ltmp0, $4  }
0x109: {  	v43 =	vadd.f32 $9.999999960e-13, v37;
	v20 =	vsub.f32 v53, v40  }
0x10a: {  	s16 =	sshra.s32 s18, $0x2;
	v44 =	vsub.f32 v39, v45;
	v45 =	vadd.f32 v35, v15;
	v37 =	vmul.f32 v42, v41  }
0x10b: {  	v35 =	vshra.s32 v43, $0x1;
	v39 =	vmul.f32 $5.000000000e-01, v43;
	v42 =	vadd.f32 v36, v16;
	v40 =	vld [tilespmem:s16+$0x32A0]  }
0x10c: {  	s18 =	sadd.s32 $0x400, s18;
	v35 =	vsub.s32 $0x5F3759DF, v35;
	v36 =	vld [tilespmem:s16+$0x3280];
	v41 =	vmul.f32 v37, v56;
	v43 =	vmul.f32 v37, v44;
	[tilespmem:s15+$0x132B0] =	vst v45  }
0x10d: {  	v44 =	vld [tilespmem:s16+$0xB280];
	[tilespmem:s15+$0x132C0] =	vst v42;
	v32 =	vadd.f32 v32, v17  }
0x10e: {  	v33 =	vadd.f32 v33, v18;
	v42 =	vld [tilespmem:s16+$0x3290];
	v55 =	vmul.f32 v43, v11  }
0x10f: {  	v45 =	vld [tilespmem:s16+$0xB290];
	[tilespmem:s15+$0x132D0] =	vst v32  }
0x110: {  	v56 =	vld [tilespmem:s16+$0xB2A0];
	[tilespmem:s15+$0x132E0] =	vst v33;
	v32 =	vadd.f32 v55, v19  }
0x111: {  	v57 =	vmul.f32 v41, v4;
	v46 =	vld [tilespmem:s16+$0x32B0]  }
0x112: {  	v47 =	vld [tilespmem:s16+$0xB2B0];
	[tilespmem:s4+$0x132F0] =	vst v32  }
0x113: {  	v33 =	vadd.f32 v57, v12;
	v32 =	vld [tilespmem:s16+$0x32C0]  }
0x114: {  	v41 =	vld [tilespmem:s16+$0xB2C0]  }
0x115: {  	v48 =	vld [tilespmem:s16+$0x32D0];
	[tilespmem:s4+$0x13280] =	vst v33  }
0x116: {  	v49 =	vld [tilespmem:s16+$0xB2D0]  }
0x117: {  	v58 =	vmul.f32 v37, v38;
	v50 =	vld [tilespmem:s16+$0x32E0]  }
0x118: {  	v51 =	vld [tilespmem:s16+$0xB2E0]  }
0x119: {  	v59 =	vmul.f32 v58, v5;
	v38 =	vadd.f32 v44, v36;
	v52 =	vld [tilespmem:s16+$0x32F0]  }
0x11a: {  	v36 =	vadd.f32 v45, v42;
	v45 =	vld [tilespmem:s16+$0xB2F0]  }
0x11b: {  	v44 =	vadd.f32 v59, v13;
	v60 =	vmul.f32 v38, v38;
	v54 =	vld [tilespmem:s16+$0xB200]  }
0x11c: {  	v55 =	vadd.f32 $0.0e+00, v38;
	v33 =	vadd.f32 v56, v40;
	v40 =	vld [tilespmem:s16+$0x3200];
	v53 =	vmul.f32 v36, v36  }
0x11d: {  	v56 =	vld [tilespmem:s16+$0x3210];
	[tilespmem:s4+$0x13290] =	vst v44;
	v42 =	vadd.f32 v47, v46  }
0x11e: {  	v62 =	vadd.f32 v36, v55;
	v63 =	vld [tilespmem:s16+$0xB210];
	v43 =	vadd.f32 v53, v60;
	v61 =	vmul.f32 v33, v33  }
0x11f: {  	v55 =	vld [tilespmem:s16+$0xB220];
	v44 =	vadd.f32 v41, v32  }
0x120: {  	v58 =	vmul.f32 v42, v42;
	v47 =	vadd.f32 v33, v62;
	v57 =	vadd.f32 v61, v43;
	v43 =	vld [tilespmem:s16+$0x3220]  }
0x121: {  	v46 =	vadd.f32 v49, v48;
	v48 =	vld [tilespmem:s16+$0x3230];
	v50 =	vadd.f32 v51, v50  }
0x122: {  	v49 =	vld [tilespmem:s16+$0xB230];
	v59 =	vmul.f32 v44, v44;
	v47 =	vadd.f32 v42, v47;
	v32 =	vadd.f32 v58, v57  }
0x123: {  	v40 =	vadd.f32 v54, v40;
	v54 =	vld [tilespmem:s16+$0x3240];
	v41 =	vadd.f32 v63, v56  }
0x124: {  	v57 =	vmul.f32 v46, v46;
	v62 =	vmul.f32 v50, v50;
	v56 =	vld [tilespmem:s16+$0x3250];
	v60 =	vadd.f32 v59, v32  }
0x125: {  	v63 =	vadd.f32 $0.0e+00, v40;
	v32 =	vadd.f32 v45, v52;
	v52 =	vld [tilespmem:s16+$0xB240];
	v58 =	vmul.f32 v41, v41  }
0x126: {  	v43 =	vadd.f32 v55, v43;
	v55 =	vld [tilespmem:s16+$0xB250];
	v61 =	vadd.f32 v57, v60;
	v60 =	vmul.f32 v40, v40  }
0x127: {  	v59 =	vld [tilespmem:s16+$0x3260];
	v53 =	vadd.f32 v41, v63;
	v45 =	vadd.f32 v49, v48  }
0x128: {  	v49 =	vld [tilespmem:s16+$0xB260];
	v51 =	vadd.f32 v62, v61;
	v57 =	vadd.f32 v58, v60;
	v58 =	vmul.f32 v43, v43  }
0x129: {  	v60 =	vadd.f32 v44, v47;
	v61 =	vadd.f32 v43, v53  }
0x12a: {  	v63 =	vmul.f32 v45, v45;
	v47 =	vadd.f32 v52, v54;
	v52 =	vld [tilespmem:s16+$0x3270];
	v62 =	vadd.f32 v58, v57  }
0x12b: {  	v57 =	vadd.f32 v45, v61;
	v48 =	vadd.f32 v55, v56;
	v55 =	vld [tilespmem:s16+$0xB270]  }
0x12c: {  	v61 =	vmul.f32 v35, v39;
	v53 =	vadd.f32 v63, v62;
	v62 =	vadd.f32 v46, v60  }
0x12d: {  	v49 =	vadd.f32 v49, v59;
	v63 =	vmul.f32 v47, v47;
	v57 =	vadd.f32 v47, v57  }
0x12e: {  	v59 =	vmul.f32 v37, v34;
	v54 =	vmul.f32 v35, v61;
	v60 =	vadd.f32 v50, v62  }
0x12f: {  	v61 =	vmul.f32 v48, v48;
	v53 =	vadd.f32 v63, v53;
	v57 =	vadd.f32 v48, v57  }
0x130: {  	v62 =	vmul.f32 v32, v32;
	v34 =	vadd.f32 v55, v52;
	v58 =	vadd.f32 v32, v60  }
0x131: {  	v63 =	vmul.f32 v49, v49;
	v53 =	vadd.f32 v61, v53;
	v60 =	vadd.f32 v49, v57  }
0x132: {  	v51 =	vadd.f32 v62, v51;
	v61 =	vperm.xlane v58, v0  }
0x133: {  	v62 =	vmul.f32 v34, v34;
	v53 =	vadd.f32 v63, v53;
	v56 =	vadd.f32 v34, v60  }
0x134: {  	v30 =	vmul.f32 v37, v30;
	v63 =	vperm.xlane v51, v0;
	v52 =	vadd.f32 v58, v61  }
0x135: {  	v54 =	vsub.f32 $1.500000000e+00, v54;
	v53 =	vadd.f32 v62, v53;
	v58 =	vperm.xlane v56, v0  }
0x136: {  	v31 =	vmul.f32 v37, v31;
	v51 =	vadd.f32 v63, v51;
	v60 =	vperm.xlane v52, v1  }
0x137: {  	v35 =	vmul.f32 v35, v54;
	v55 =	vadd.f32 v56, v58;
	v61 =	vperm.xlane v53, v0  }
0x138: {  	v29 =	vmul.f32 v37, v29;
	v63 =	vperm.xlane v51, v1;
	v52 =	vadd.f32 v52, v60  }
0x139: {  	v62 =	vmul.f32 v35, v39;
	v60 =	vperm.xlane v55, v1;
	v53 =	vadd.f32 v61, v53  }
0x13a: {  	v28 =	vmul.f32 v37, v28;
	v51 =	vadd.f32 v63, v51;
	v61 =	vperm.xlane v52, v2  }
0x13b: {  	v39 =	vmul.f32 v62, v35;
	v37 =	vadd.f32 v55, v60;
	v62 =	vperm.xlane v53, v1  }
0x13c: {  	v30 =	vmul.f32 v30, v7;
	v63 =	vperm.xlane v51, v2;
	v52 =	vadd.f32 v52, v61  }
0x13d: {  	v39 =	vsub.f32 $1.500000000e+00, v39;
	v60 =	vperm.xlane v37, v2;
	v53 =	vadd.f32 v62, v53  }
0x13e: {  	v29 =	vmul.f32 v29, v9;
	v51 =	vadd.f32 v63, v51;
	v61 =	vperm.xlane v52, v3  }
0x13f: {  	v35 =	vmul.f32 v39, v35;
	v37 =	vadd.f32 v37, v60;
	v55 =	vperm.xlane v53, v2  }
0x140: {  	v54 =	vmul.f32 v59, v6;
	v62 =	vperm.xlane v51, v3;
	v39 =	vadd.f32 v52, v61  }
0x141: {  	v26 =	vmul.f32 v35, v26;
	v63 =	vperm.xlane v37, v3;
	v53 =	vadd.f32 v55, v53  }
0x142: {  	v27 =	vmul.f32 v35, v27;
	v51 =	vadd.f32 v62, v51;
	v39 =	vmul.f32 $7.812500000e-03, v39  }
0x143: {  	v24 =	vmul.f32 v35, v24;
	v37 =	vadd.f32 v37, v63;
	v60 =	vperm.xlane v53, v3  }
0x144: {  	v51 =	vmul.f32 $7.812500000e-03, v51;
	v61 =	vmul.f32 v39, v39  }
0x145: {  	v25 =	vmul.f32 v35, v25;
	v37 =	vmul.f32 $7.812500000e-03, v37;
	v52 =	vadd.f32 v60, v53  }
0x146: {  	v22 =	vmul.f32 v35, v22;
	v23 =	vmul.f32 v35, v23;
	v51 =	vsub.f32 v51, v61  }
0x147: {  	v30 =	vadd.f32 v30, v15;
	v62 =	vmul.f32 v37, v37;
	v52 =	vmul.f32 $7.812500000e-03, v52  }
0x148: {  	v21 =	vmul.f32 v35, v21;
	v20 =	vmul.f32 v35, v20;
	v63 =	vadd.f32 $9.999999960e-13, v51  }
0x149: {  	v26 =	vmul.f32 v26, v4;
	v27 =	vmul.f32 v27, v5;
	v56 =	vsub.f32 v52, v62  }
0x14a: {  	v24 =	vmul.f32 v24, v6;
	v57 =	vshra.s32 v63, $0x1;
	v35 =	vmul.f32 $5.000000000e-01, v63  }
0x14b: {  	v25 =	vmul.f32 v25, v7;
	v51 =	vadd.f32 $9.999999960e-13, v56;
	v52 =	vsub.s32 $0x5F3759DF, v57  }
0x14c: {  	v29 =	vadd.f32 v29, v17;
	v22 =	vmul.f32 v22, v8;
	v58 =	vmul.f32 v52, v35  }
0x14d: {  	v23 =	vmul.f32 v23, v9;
	v59 =	vshra.s32 v51, $0x1;
	v51 =	vmul.f32 $5.000000000e-01, v51  }
0x14e: {  	v21 =	vmul.f32 v21, v10;
	v55 =	vsub.s32 $0x5F3759DF, v59;
	v53 =	vmul.f32 v52, v58  }
0x14f: {  	v26 =	vadd.f32 v26, v12;
	v27 =	vadd.f32 v27, v13;
	v60 =	vmul.f32 v55, v51  }
0x150: {  	v20 =	vmul.f32 v20, v11;
	v24 =	vadd.f32 v24, v14;
	v53 =	vsub.f32 $1.500000000e+00, v53  }
0x151: {  	v25 =	vadd.f32 v25, v15;
	v22 =	vadd.f32 v22, v16;
	v56 =	vmul.f32 v55, v60  }
0x152: {  	v23 =	vadd.f32 v23, v17;
	v21 =	vadd.f32 v21, v18;
	v52 =	vmul.f32 v52, v53  }
0x153: {  	v31 =	vmul.f32 v31, v8;
	v20 =	vadd.f32 v20, v19;
	v61 =	vsub.f32 $1.500000000e+00, v56  }
0x154: {  	[tilespmem:s4+$0x13210] =	vst v27;
	v27 =	vadd.f32 v54, v14;
	v38 =	vsub.f32 v38, v39;
	v35 =	vmul.f32 v52, v35  }
0x155: {  	[tilespmem:s4+$0x13200] =	vst v26;
	v36 =	vsub.f32 v36, v39;
	v33 =	vsub.f32 v33, v39;
	v26 =	vmul.f32 v55, v61  }
0x156: {  	v42 =	vsub.f32 v42, v39;
	v44 =	vsub.f32 v44, v39;
	v35 =	vmul.f32 v35, v52  }
0x157: {  	[tilespmem:s4+$0x132B0] =	vst v30;
	v46 =	vsub.f32 v46, v39;
	v50 =	vsub.f32 v50, v39;
	v63 =	vmul.f32 v26, v51  }
0x158: {  	[tilespmem:s4+$0x13220] =	vst v24;
	v32 =	vsub.f32 v32, v39;
	v35 =	vsub.f32 $1.500000000e+00, v35  }
0x159: {  	[tilespmem:s4+$0x132A0] =	vst v27;
	v27 =	vadd.f32 v31, v16;
	v62 =	vsub.f32 v41, v37;
	v41 =	vmul.f32 v63, v26  }
0x15a: {  	[tilespmem:s4+$0x13230] =	vst v25;
	v24 =	vsub.f32 v40, v37;
	v25 =	vsub.f32 v43, v37;
	v35 =	vmul.f32 v35, v52  }
0x15b: {  	v28 =	vmul.f32 v28, v10;
	[tilespmem:s4+$0x13250] =	vst v23;
	v23 =	vsub.f32 v48, v37;
	v48 =	vsub.f32 $1.500000000e+00, v41  }
0x15c: {  	[tilespmem:s4+$0x13240] =	vst v22;
	v22 =	vsub.f32 v45, v37;
	v47 =	vsub.f32 v47, v37;
	v32 =	vmul.f32 v35, v32  }
0x15d: {  	[tilespmem:s4+$0x13260] =	vst v21;
	v21 =	vsub.f32 v49, v37;
	v31 =	vmul.f32 v35, v38;
	v26 =	vmul.f32 v48, v26  }
0x15e: {  	[tilespmem:s4+$0x13270] =	vst v20;
	v20 =	vsub.f32 v34, v37;
	v30 =	vmul.f32 v35, v36;
	v32 =	vmul.f32 v32, v11  }
0x15f: {  	[tilespmem:s4+$0x132C0] =	vst v27;
	v27 =	vadd.f32 v28, v18;
	v28 =	vmul.f32 v31, v4;
	v24 =	vmul.f32 v26, v24  }
0x160: {  	[tilespmem:s4+$0x132D0] =	vst v29;
	v30 =	vmul.f32 v30, v5;
	v25 =	vmul.f32 v26, v25;
	v29 =	vadd.f32 v32, v19  }
0x161: {  	[tilespmem:s4+$0x132E0] =	vst v27;
	v22 =	vmul.f32 v26, v22;
	v27 =	vadd.f32 v28, v12;
	v24 =	vmul.f32 v24, v4  }
0x162: {  	v21 =	vmul.f32 v26, v21;
	v28 =	vadd.f32 v30, v13;
	v25 =	vmul.f32 v25, v6;
	[tilespmem:s16+$0x132F0] =	vst v29  }
0x163: {  	v20 =	vmul.f32 v26, v20;
	v22 =	vmul.f32 v22, v7;
	[tilespmem:s16+$0x13280] =	vst v27;
	v24 =	vadd.f32 v24, v12  }
0x164: {  	v21 =	vmul.f32 v21, v10;
	v27 =	vmul.f32 v26, v47;
	[tilespmem:s16+$0x13290] =	vst v28;
	v25 =	vadd.f32 v25, v14  }
0x165: {  	v23 =	vmul.f32 v26, v23;
	v20 =	vmul.f32 v20, v11;
	v22 =	vadd.f32 v22, v15;
	[tilespmem:s16+$0x13200] =	vst v24  }
0x166: {  	v31 =	vmul.f32 v26, v62;
	v21 =	vadd.f32 v21, v18;
	v27 =	vmul.f32 v27, v8;
	[tilespmem:s16+$0x13220] =	vst v25  }
0x167: {  	v23 =	vmul.f32 v23, v9;
	v20 =	vadd.f32 v20, v19;
	v24 =	vmul.f32 v35, v33;
	[tilespmem:s16+$0x13230] =	vst v22  }
0x168: {  	v29 =	vmul.f32 v31, v5;
	v25 =	vmul.f32 v35, v42;
	[tilespmem:s16+$0x13260] =	vst v21;
	v26 =	vadd.f32 v27, v16  }
0x169: {  	v22 =	vadd.f32 v23, v17;
	v23 =	vmul.f32 v35, v44;
	[tilespmem:s16+$0x13270] =	vst v20;
	v24 =	vmul.f32 v24, v6  }
0x16a: {  	v28 =	vadd.f32 v29, v13;
	v25 =	vmul.f32 v25, v7;
	[tilespmem:s16+$0x13240] =	vst v26;
	v26 =	vmul.f32 v35, v46  }
0x16b: {  	[tilespmem:s16+$0x13250] =	vst v22;
	v22 =	vmul.f32 v35, v50;
	v23 =	vmul.f32 v23, v8;
	v24 =	vadd.f32 v24, v14  }
0x16c: {  	[tilespmem:s16+$0x13210] =	vst v28;
	v20 =	vadd.f32 v25, v15;
	v21 =	vmul.f32 v26, v9  }
0x16d: {  	v22 =	vmul.f32 v22, v10;
	v23 =	vadd.f32 v23, v16;
	[tilespmem:s16+$0x132A0] =	vst v24  }
0x16e: {  	s18 =	sshll.u32 s0, $0xF;
	[tilespmem:s16+$0x132B0] =	vst v20;
	v20 =	vadd.f32 v21, v17  }
0x16f: {  	s4 =	sadd.s32 s11, s18;
	[tilespmem:s16+$0x132C0] =	vst v23;
	v21 =	vadd.f32 v22, v18  }
0x170: {  	s4 =	sshrl.u32 s4, $0x3;
	[tilespmem:s16+$0x132D0] =	vst v20  }
0x171: {  	p1 =	seq.s32 s0, $0x18;
	s4 =	sadd.s32 s5, s4;
	[tilespmem:s16+$0x132E0] =	vst v21  }
0x172: {  	[hbm4b:s4+s6] =	stream.linear.scatter [tilespmem:s24], [sflag:$0x5], $0x4000, $0x38;
	[tilespmem:$0x1B300] =	vst v63  }
0x173: {  	s15 =	simm.s32 @!p1 $0x80;
	s16 =	simm.s32 @!p1 $0x3200;
	s4 =	sadd.s32 @!p1 $0x100, s2  }
0x174: {  	[tilespmem:s16], [sflag:$0x1] =	stream.indirect.gather @!p1 [hbm4b:s1+s15], $0x80, s4, s15, $0xb8;
	[tilespmem:$0x1B300] =	vst v63  }
0x175: {  	s2 =	sadd.s32 @!p1 $0x1A00, s2;
	s4 =	simm.s32 @!p1 $0xB200  }
0x176: {  	[tilespmem:s4], [sflag:$0x3] =	stream.indirect.gather @!p1 [hbm4b:s8+s15], $0x80, s2, s15, $0xb8;
	[tilespmem:$0x1B300] =	vst v63  }
0x177: {  	_ =	swait.ge [sflag:s25], $0x4000  }
0x178: {  	[sflag:s25] =	ssyncset.done $0x0  }
0x179: {  	[sflag:s25] =	ssyncadd.s32 $0xFFFFC000  }
0x17a: {  	_ =	swait.ge [sflag:s26], $0x4000  }
0x17b: {  	[sflag:s26] =	ssyncset.done $0x0  }
0x17c: {  	s2 =	simm.s32 @!p0 $0x6;
	[sflag:s26] =	ssyncadd.s32 $0xFFFFC000  }
0x17d: {  	_ =	swait.ge @!p0 [sflag:s2], $0x4000  }
0x17e: {  	[sflag:s2] =	ssyncset.done @!p0 $0x0  }
0x17f: {  	s4 =	simm.s32 $0x0;
	[sflag:s2] =	ssyncadd.s32 @!p0 $0xFFFFC000  }
0x180: {  	v20 =	vld [tilespmem:s4+$0x72A0]  }
0x181: {  	v21 =	vld [tilespmem:s4+$0x7280]  }
0x182: {  	v22 =	vld [tilespmem:s4+$0xF280]  }
0x183: {  	v23 =	vld [tilespmem:s4+$0x7290]  }
0x184: {  	v24 =	vld [tilespmem:s4+$0xF290]  }
0x185: {  	v25 =	vld [tilespmem:s4+$0xF2A0]  }
0x186: {  	v26 =	vld [tilespmem:s4+$0x72B0]  }
0x187: {  	v27 =	vld [tilespmem:s4+$0xF2B0];
	v21 =	vadd.f32 v22, v21  }
0x188: {  	v28 =	vld [tilespmem:s4+$0x72C0]  }
0x189: {  	v22 =	vadd.f32 v24, v23;
	v24 =	vld [tilespmem:s4+$0xF2C0];
	v29 =	vadd.f32 $0.0e+00, v21  }
0x18a: {  	v49 =	vld [tilespmem:s4+$0xF2D0];
	v20 =	vadd.f32 v25, v20  }
0x18b: {  	v25 =	vld [tilespmem:s4+$0x72D0];
	v30 =	vmul.f32 v21, v21;
	v31 =	vmul.f32 v22, v22;
	v29 =	vadd.f32 v22, v29  }
0x18c: {  	v23 =	vadd.f32 v27, v26;
	v26 =	vld [tilespmem:s4+$0x72E0]  }
0x18d: {  	v27 =	vadd.f32 v31, v30;
	v30 =	vmul.f32 v20, v20;
	v31 =	vld [tilespmem:s4+$0xF2E0];
	v29 =	vadd.f32 v20, v29  }
0x18e: {  	v50 =	vld [tilespmem:s4+$0xF2F0];
	v24 =	vadd.f32 v24, v28  }
0x18f: {  	v28 =	vld [tilespmem:s4+$0x72F0];
	v27 =	vadd.f32 v30, v27;
	v30 =	vmul.f32 v23, v23;
	v29 =	vadd.f32 v23, v29  }
0x190: {  	v25 =	vadd.f32 v49, v25  }
0x191: {  	v27 =	vadd.f32 v30, v27;
	v30 =	vmul.f32 v24, v24;
	v29 =	vadd.f32 v24, v29  }
0x192: {  	v26 =	vadd.f32 v31, v26  }
0x193: {  	v51 =	vld [tilespmem:s4+$0x7200];
	v27 =	vadd.f32 v30, v27;
	v30 =	vmul.f32 v25, v25;
	v29 =	vadd.f32 v25, v29  }
0x194: {  	v52 =	vld [tilespmem:s4+$0x7210];
	v28 =	vadd.f32 v50, v28  }
0x195: {  	v31 =	vld [tilespmem:s4+$0xF200];
	v27 =	vadd.f32 v30, v27;
	v30 =	vmul.f32 v26, v26;
	v29 =	vadd.f32 v26, v29  }
0x196: {  	v53 =	vld [tilespmem:s4+$0xF210]  }
0x197: {  	v54 =	vld [tilespmem:s4+$0x7220];
	v27 =	vadd.f32 v30, v27;
	v30 =	vmul.f32 v28, v28;
	v29 =	vadd.f32 v28, v29  }
0x198: {  	v55 =	vld [tilespmem:s4+$0xF220]  }
0x199: {  	v56 =	vld [tilespmem:s4+$0x7230];
	v27 =	vadd.f32 v30, v27;
	v30 =	vperm.xlane v29, v0  }
0x19a: {  	v57 =	vld [tilespmem:s4+$0xF230];
	v31 =	vadd.f32 v31, v51  }
0x19b: {  	v58 =	vld [tilespmem:s4+$0x7240];
	v29 =	vadd.f32 v29, v30;
	v30 =	vperm.xlane v27, v0  }
0x19c: {  	v61 =	vld [tilespmem:s4+$0xF240];
	v33 =	vadd.f32 v53, v52;
	v59 =	vadd.f32 $0.0e+00, v31  }
0x19d: {  	v63 =	vld [tilespmem:s4+$0x7250];
	v35 =	vadd.f32 v55, v54;
	v47 =	vperm.xlane v29, v1;
	v27 =	vadd.f32 v30, v27  }
0x19e: {  	v48 =	vld [tilespmem:s4+$0xF250];
	v62 =	vmul.f32 v33, v33;
	v60 =	vmul.f32 v31, v31;
	v30 =	vadd.f32 v33, v59  }
0x19f: {  	v32 =	vadd.f32 v57, v56;
	v52 =	vld [tilespmem:s4+$0xF260];
	v29 =	vadd.f32 v29, v47;
	v51 =	vperm.xlane v27, v1  }
0x1a0: {  	v49 =	vmul.f32 v35, v35;
	v50 =	vld [tilespmem:s4+$0x7260];
	v39 =	vadd.f32 v62, v60;
	v30 =	vadd.f32 v35, v30  }
0x1a1: {  	v53 =	vld [tilespmem:s4+$0x7270];
	v34 =	vadd.f32 v61, v58;
	v54 =	vperm.xlane v29, v2;
	v27 =	vadd.f32 v51, v27  }
0x1a2: {  	v55 =	vld [tilespmem:s4+$0xF270];
	v56 =	vmul.f32 v32, v32;
	v39 =	vadd.f32 v49, v39;
	v30 =	vadd.f32 v32, v30  }
0x1a3: {  	v36 =	vadd.f32 v48, v63;
	v29 =	vadd.f32 v29, v54;
	v57 =	vperm.xlane v27, v2  }
0x1a4: {  	v58 =	vmul.f32 v34, v34;
	v39 =	vadd.f32 v56, v39;
	v30 =	vadd.f32 v34, v30  }
0x1a5: {  	v37 =	vadd.f32 v52, v50;
	v59 =	vperm.xlane v29, v3;
	v27 =	vadd.f32 v57, v27  }
0x1a6: {  	v60 =	vmul.f32 v36, v36;
	v39 =	vadd.f32 v58, v39;
	v30 =	vadd.f32 v36, v30  }
0x1a7: {  	v40 =	vadd.f32 v55, v53;
	v29 =	vadd.f32 v29, v59;
	v61 =	vperm.xlane v27, v3  }
0x1a8: {  	v62 =	vmul.f32 v37, v37;
	v38 =	vadd.f32 v60, v39;
	v30 =	vadd.f32 v37, v30  }
0x1a9: {  	v29 =	vmul.f32 $7.812500000e-03, v29;
	v27 =	vadd.f32 v61, v27  }
0x1aa: {  	v63 =	vmul.f32 v40, v40;
	v38 =	vadd.f32 v62, v38;
	v30 =	vadd.f32 v40, v30  }
0x1ab: {  	v27 =	vmul.f32 $7.812500000e-03, v27;
	v45 =	vmul.f32 v29, v29  }
0x1ac: {  	v38 =	vadd.f32 v63, v38;
	v46 =	vperm.xlane v30, v0  }
0x1ad: {  	v27 =	vsub.f32 v27, v45  }
0x1ae: {  	v39 =	vperm.xlane v38, v0;
	v30 =	vadd.f32 v30, v46  }
0x1af: {  	v27 =	vadd.f32 $9.999999960e-13, v27  }
0x1b0: {  	v38 =	vadd.f32 v39, v38;
	v47 =	vperm.xlane v30, v1  }
0x1b1: {  	v48 =	vshra.s32 v27, $0x1;
	v27 =	vmul.f32 $5.000000000e-01, v27  }
0x1b2: {  	v49 =	vperm.xlane v38, v1;
	v30 =	vadd.f32 v30, v47;
	v39 =	vsub.s32 $0x5F3759DF, v48  }
0x1b3: {  	v50 =	vmul.f32 v39, v27  }
0x1b4: {  	v38 =	vadd.f32 v49, v38;
	v51 =	vperm.xlane v30, v2  }
0x1b5: {  	v52 =	vmul.f32 v39, v50  }
0x1b6: {  	v53 =	vperm.xlane v38, v2;
	v30 =	vadd.f32 v30, v51  }
0x1b7: {  	v41 =	vsub.f32 $1.500000000e+00, v52  }
0x1b8: {  	v38 =	vadd.f32 v53, v38;
	v43 =	vperm.xlane v30, v3  }
0x1b9: {  	v39 =	vmul.f32 v39, v41  }
0x1ba: {  	v54 =	vperm.xlane v38, v3;
	v30 =	vadd.f32 v30, v43  }
0x1bb: {  	v27 =	vmul.f32 v39, v27  }
0x1bc: {  	v38 =	vadd.f32 v54, v38;
	v30 =	vmul.f32 $7.812500000e-03, v30  }
0x1bd: {  	v21 =	vsub.f32 v21, v29;
	v28 =	vsub.f32 v28, v29;
	v27 =	vmul.f32 v27, v39  }
0x1be: {  	v22 =	vsub.f32 v22, v29;
	v38 =	vmul.f32 $7.812500000e-03, v38;
	v55 =	vmul.f32 v30, v30  }
0x1bf: {  	v20 =	vsub.f32 v20, v29;
	v27 =	vsub.f32 $1.500000000e+00, v27  }
0x1c0: {  	v23 =	vsub.f32 v23, v29;
	v38 =	vsub.f32 v38, v55  }
0x1c1: {  	s2 =	simm.s32 $0x100;
	v59 =	vsub.f32 v24, v29;
	v25 =	vsub.f32 v25, v29;
	v27 =	vmul.f32 v27, v39  }
0x1c2: {  	v56 =	vld [tilespmem:s2+$0x72A0];
	v26 =	vsub.f32 v26, v29;
	v38 =	vadd.f32 $9.999999960e-13, v38  }
0x1c3: {  	v58 =	vld [tilespmem:s2+$0xF280];
	v29 =	vsub.f32 v31, v30;
	v47 =	vsub.f32 v33, v30;
	v28 =	vmul.f32 v27, v28  }
0x1c4: {  	v60 =	vld [tilespmem:s2+$0x7290];
	v48 =	vsub.f32 v35, v30;
	v24 =	vshra.s32 v38, $0x1;
	v38 =	vmul.f32 $5.000000000e-01, v38  }
0x1c5: {  	v57 =	vld [tilespmem:s2+$0x7280];
	v21 =	vmul.f32 v27, v21;
	v61 =	vsub.s32 $0x5F3759DF, v24;
	v24 =	vmul.f32 v28, v11  }
0x1c6: {  	v32 =	vsub.f32 v32, v30;
	v34 =	vsub.f32 v34, v30;
	v28 =	vld [tilespmem:s2+$0xF290];
	v31 =	vmul.f32 v61, v38  }
0x1c7: {  	v62 =	vld [tilespmem:s2+$0xF2A0];
	v36 =	vsub.f32 v36, v30;
	v21 =	vmul.f32 v21, v4;
	v24 =	vadd.f32 v24, v19  }
0x1c8: {  	v63 =	vld [tilespmem:s2+$0x72B0];
	v37 =	vsub.f32 v37, v30;
	v30 =	vsub.f32 v40, v30;
	v31 =	vmul.f32 v61, v31  }
0x1c9: {  	v52 =	vld [tilespmem:s2+$0xF2B0];
	v54 =	vmul.f32 v27, v22;
	v40 =	vmul.f32 v27, v20;
	v21 =	vadd.f32 v21, v12;
	[tilespmem:s4+$0x172F0] =	vst v24  }
0x1ca: {  	v22 =	vmul.f32 v27, v23;
	v31 =	vsub.f32 $1.500000000e+00, v31;
	v24 =	vadd.f32 v58, v57;
	v53 =	vld [tilespmem:s2+$0x72C0]  }
0x1cb: {  	v20 =	vmul.f32 v27, v59;
	v33 =	vmul.f32 v27, v26;
	v55 =	vld [tilespmem:s2+$0xF2C0];
	v28 =	vadd.f32 v28, v60  }
0x1cc: {  	v50 =	vmul.f32 v54, v5;
	v42 =	vld [tilespmem:s2+$0x72D0];
	[tilespmem:s4+$0x17280] =	vst v21;
	v31 =	vmul.f32 v61, v31;
	v23 =	vadd.f32 $0.0e+00, v24  }
0x1cd: {  	v39 =	vadd.f32 v62, v56;
	v56 =	vld [tilespmem:s2+$0xF2D0];
	v57 =	vmul.f32 v24, v24;
	v58 =	vmul.f32 v28, v28  }
0x1ce: {  	v21 =	vmul.f32 v27, v25;
	v46 =	vld [tilespmem:s2+$0x72E0];
	v38 =	vmul.f32 v31, v38;
	v23 =	vadd.f32 v28, v23  }
0x1cf: {  	v25 =	vadd.f32 v52, v63;
	v35 =	vld [tilespmem:s2+$0xF2E0];
	v61 =	vmul.f32 v39, v39;
	v60 =	vadd.f32 v58, v57  }
0x1d0: {  	v27 =	vadd.f32 v50, v13;
	v45 =	vld [tilespmem:s2+$0x72F0];
	v59 =	vmul.f32 v38, v31;
	v23 =	vadd.f32 v39, v23  }
0x1d1: {  	v57 =	vld [tilespmem:s2+$0xF2F0];
	v41 =	vadd.f32 v55, v53;
	v38 =	vadd.f32 v61, v60  }
0x1d2: {  	v52 =	vld [tilespmem:s2+$0x7200];
	v63 =	vmul.f32 v25, v25;
	v26 =	vadd.f32 v56, v42;
	v62 =	vsub.f32 $1.500000000e+00, v59  }
0x1d3: {  	v56 =	vld [tilespmem:s2+$0xF200];
	v23 =	vadd.f32 v25, v23;
	v59 =	vmul.f32 v41, v41  }
0x1d4: {  	v60 =	vld [tilespmem:s2+$0x7210];
	[tilespmem:s4+$0x17290] =	vst v27;
	v38 =	vadd.f32 v63, v38;
	v61 =	vmul.f32 v26, v26;
	v31 =	vmul.f32 v62, v31  }
0x1d5: {  	v27 =	vld [tilespmem:s2+$0xF210];
	v58 =	vadd.f32 v41, v23;
	v23 =	vmul.f32 v40, v6;
	v40 =	vadd.f32 v35, v46  }
0x1d6: {  	v49 =	vld [tilespmem:s2+$0x7230];
	v35 =	vadd.f32 v57, v45;
	v38 =	vadd.f32 v59, v38;
	v29 =	vmul.f32 v31, v29  }
0x1d7: {  	v51 =	vld [tilespmem:s2+$0xF230];
	v43 =	vadd.f32 v26, v58;
	v46 =	vmul.f32 v31, v47;
	v57 =	vmul.f32 v40, v40  }
0x1d8: {  	v63 =	vld [tilespmem:s2+$0xF220];
	v48 =	vmul.f32 v31, v48;
	v32 =	vmul.f32 v31, v32;
	v42 =	vadd.f32 v56, v52  }
0x1d9: {  	v62 =	vld [tilespmem:s2+$0x7220];
	v58 =	vmul.f32 v35, v35;
	v38 =	vadd.f32 v61, v38;
	v43 =	vadd.f32 v40, v43  }
0x1da: {  	v50 =	vld [tilespmem:s2+$0x7240];
	v52 =	vmul.f32 v31, v34;
	v36 =	vmul.f32 v31, v36;
	v27 =	vadd.f32 v27, v60  }
0x1db: {  	v53 =	vld [tilespmem:s2+$0xF240];
	v37 =	vmul.f32 v31, v37;
	v38 =	vadd.f32 v57, v38;
	v43 =	vadd.f32 v35, v43  }
0x1dc: {  	v49 =	vadd.f32 v51, v49;
	v59 =	vadd.f32 $0.0e+00, v42;
	v61 =	vmul.f32 v42, v42  }
0x1dd: {  	v46 =	vmul.f32 v46, v5;
	v38 =	vadd.f32 v58, v38;
	v60 =	vperm.xlane v43, v0  }
0x1de: {  	v55 =	vld [tilespmem:s2+$0xF250];
	v32 =	vmul.f32 v32, v7;
	v37 =	vmul.f32 v37, v10;
	v45 =	vadd.f32 v63, v62  }
0x1df: {  	v47 =	vld [tilespmem:s2+$0x7250];
	v34 =	vadd.f32 v27, v59;
	v62 =	vperm.xlane v38, v0;
	v43 =	vadd.f32 v43, v60  }
0x1e0: {  	v50 =	vadd.f32 v53, v50;
	v63 =	vmul.f32 v27, v27;
	v57 =	vmul.f32 v31, v30;
	v31 =	vld [tilespmem:s2+$0x7260]  }
0x1e1: {  	v30 =	vadd.f32 v45, v34;
	v34 =	vld [tilespmem:s2+$0xF260];
	v38 =	vadd.f32 v62, v38;
	v60 =	vperm.xlane v43, v1  }
0x1e2: {  	v56 =	vld [tilespmem:s2+$0xF270];
	v46 =	vadd.f32 v46, v13;
	v61 =	vadd.f32 v63, v61;
	v62 =	vmul.f32 v45, v45  }
0x1e3: {  	v53 =	vld [tilespmem:s2+$0x7270];
	v30 =	vadd.f32 v49, v30;
	v63 =	vperm.xlane v38, v1;
	v43 =	vadd.f32 v43, v60  }
0x1e4: {  	v58 =	vmul.f32 v49, v49;
	v47 =	vadd.f32 v55, v47;
	v44 =	vadd.f32 v62, v61  }
0x1e5: {  	v30 =	vadd.f32 v50, v30;
	v38 =	vadd.f32 v63, v38;
	v59 =	vperm.xlane v43, v2  }
0x1e6: {  	v54 =	vadd.f32 v34, v31;
	v60 =	vmul.f32 v50, v50;
	v44 =	vadd.f32 v58, v44  }
0x1e7: {  	v30 =	vadd.f32 v47, v30;
	v61 =	vperm.xlane v38, v2;
	v31 =	vadd.f32 v43, v59  }
0x1e8: {  	v51 =	vadd.f32 v56, v53;
	v62 =	vmul.f32 v47, v47;
	v44 =	vadd.f32 v60, v44  }
0x1e9: {  	v30 =	vadd.f32 v54, v30;
	v34 =	vadd.f32 v61, v38;
	v63 =	vperm.xlane v31, v3  }
0x1ea: {  	v55 =	vmul.f32 v29, v4;
	v29 =	vmul.f32 v54, v54;
	v58 =	vadd.f32 v62, v44  }
0x1eb: {  	v30 =	vadd.f32 v51, v30;
	v59 =	vperm.xlane v34, v3;
	v31 =	vadd.f32 v31, v63  }
0x1ec: {  	v32 =	vadd.f32 v32, v15;
	v60 =	vmul.f32 v51, v51;
	v29 =	vadd.f32 v29, v58  }
0x1ed: {  	v61 =	vperm.xlane v30, v0;
	v53 =	vmul.f32 $7.812500000e-03, v31;
	v31 =	vadd.f32 v59, v34  }
0x1ee: {  	v37 =	vadd.f32 v37, v18;
	v43 =	vmul.f32 v48, v6;
	v29 =	vadd.f32 v60, v29  }
0x1ef: {  	v62 =	vadd.f32 v30, v61;
	v30 =	vmul.f32 $7.812500000e-03, v31;
	v31 =	vmul.f32 v53, v53  }
0x1f0: {  	v43 =	vadd.f32 v43, v14;
	v63 =	vperm.xlane v29, v0;
	v56 =	vsub.f32 v24, v53  }
0x1f1: {  	v38 =	vsub.f32 v28, v53;
	v24 =	vperm.xlane v62, v1;
	v28 =	vsub.f32 v30, v31  }
0x1f2: {  	v48 =	vadd.f32 v63, v29;
	v29 =	vsub.f32 v26, v53  }
0x1f3: {  	v24 =	vadd.f32 v62, v24;
	v28 =	vadd.f32 $9.999999960e-13, v28  }
0x1f4: {  	v30 =	vsub.f32 v25, v53;
	v25 =	vmul.f32 v36, v9;
	v61 =	vperm.xlane v48, v1  }
0x1f5: {  	v26 =	vperm.xlane v24, v2;
	v62 =	vshra.s32 v28, $0x1;
	v44 =	vmul.f32 $5.000000000e-01, v28  }
0x1f6: {  	v31 =	vsub.f32 v41, v53;
	v36 =	vadd.f32 v61, v48;
	v41 =	vsub.s32 $0x5F3759DF, v62  }
0x1f7: {  	v60 =	vmul.f32 v52, v8;
	v24 =	vadd.f32 v24, v26;
	v26 =	vmul.f32 v41, v44  }
0x1f8: {  	v34 =	vsub.f32 v39, v53;
	v63 =	vadd.f32 v55, v12;
	v48 =	vperm.xlane v36, v2  }
0x1f9: {  	v39 =	vadd.f32 v60, v16;
	v58 =	vperm.xlane v24, v3;
	v26 =	vmul.f32 v41, v26  }
0x1fa: {  	[tilespmem:s4+$0x17200] =	vst v63;
	v63 =	vadd.f32 v23, v14;
	v36 =	vadd.f32 v48, v36  }
0x1fb: {  	v59 =	vmul.f32 v57, v11;
	v24 =	vadd.f32 v24, v58;
	v26 =	vsub.f32 $1.500000000e+00, v26  }
0x1fc: {  	v25 =	vadd.f32 v25, v17;
	v62 =	vmul.f32 v22, v7;
	v60 =	vperm.xlane v36, v3  }
0x1fd: {  	v28 =	vsub.f32 v40, v53;
	v61 =	vmul.f32 $7.812500000e-03, v24;
	v41 =	vmul.f32 v41, v26  }
0x1fe: {  	[tilespmem:s4+$0x17230] =	vst v32;
	v32 =	vmul.f32 v21, v9;
	v48 =	vadd.f32 v59, v19;
	v22 =	vadd.f32 v60, v36  }
0x1ff: {  	[tilespmem:s4+$0x17210] =	vst v46;
	v62 =	vadd.f32 v62, v15;
	v23 =	vmul.f32 v61, v61;
	v44 =	vmul.f32 v41, v44  }
0x200: {  	[tilespmem:s4+$0x17260] =	vst v37;
	v26 =	vsub.f32 v42, v61;
	v27 =	vsub.f32 v27, v61;
	v55 =	vmul.f32 $7.812500000e-03, v22  }
0x201: {  	[tilespmem:s4+$0x17250] =	vst v25;
	v24 =	vsub.f32 v45, v61;
	v25 =	vsub.f32 v49, v61;
	v57 =	vmul.f32 v44, v41  }
0x202: {  	[tilespmem:s4+$0x17220] =	vst v43;
	v58 =	vmul.f32 v20, v8;
	v21 =	vsub.f32 v54, v61;
	v20 =	vsub.f32 v55, v23  }
0x203: {  	[tilespmem:s4+$0x17240] =	vst v39;
	v22 =	vsub.f32 v50, v61;
	v59 =	vsub.f32 $1.500000000e+00, v57  }
0x204: {  	v33 =	vmul.f32 v33, v10;
	[tilespmem:s4+$0x172A0] =	vst v63;
	v23 =	vsub.f32 v47, v61;
	v60 =	vadd.f32 $9.999999960e-13, v20  }
0x205: {  	s15 =	simm.s32 $0x200;
	[tilespmem:s4+$0x17270] =	vst v48;
	v20 =	vsub.f32 v51, v61;
	v61 =	vsub.f32 v35, v53;
	v37 =	vmul.f32 v59, v41  }
0x206: {  	v40 =	vld [tilespmem:s15+$0x72A0];
	v42 =	vadd.f32 v58, v16;
	v63 =	vshra.s32 v60, $0x1;
	v39 =	vmul.f32 $5.000000000e-01, v60  }
0x207: {  	s0 =	sadd.s32 $0x1, s0;
	s16 =	simm.s32 $0xC00;
	v36 =	vld [tilespmem:s15+$0x7280];
	[tilespmem:s4+$0x172B0] =	vst v62;
	v35 =	vsub.s32 $0x5F3759DF, v63;
	v41 =	vmul.f32 v37, v56;
	v43 =	vmul.f32 v37, v61  }
.LBB2_5:
0x208: {  	p0 =	sne.s32 s16, $0xFC00;
	v44 =	vld [tilespmem:s15+$0xF280];
	v45 =	vmul.f32 v35, v39;
	v38 =	vmul.f32 v37, v38;
	[tilespmem:s4+$0x172C0] =	vst v42;
	v32 =	vadd.f32 v32, v17  }
0x209: {  	v34 =	vmul.f32 v37, v34;
	v33 =	vadd.f32 v33, v18;
	v42 =	vld [tilespmem:s15+$0x7290];
	v43 =	vmul.f32 v43, v11  }
0x20a: {  	v30 =	vmul.f32 v37, v30;
	v46 =	vld [tilespmem:s15+$0xF290];
	v45 =	vmul.f32 v35, v45;
	[tilespmem:s4+$0x172D0] =	vst v32  }
0x20b: {  	v31 =	vmul.f32 v37, v31;
	v47 =	vmul.f32 v37, v29;
	v32 =	vld [tilespmem:s15+$0xF2A0];
	v29 =	vadd.f32 v43, v19;
	[tilespmem:s4+$0x172E0] =	vst v33;
	s4 =	smov.u32 s2;
	s2 =	smov.u32 s15  }
0x20c: {  	v41 =	vmul.f32 v41, v4;
	v33 =	vld [tilespmem:s2+$0x72B0];
	v43 =	vsub.f32 $1.500000000e+00, v45;
	v45 =	vmul.f32 v37, v28  }
0x20d: {  	v38 =	vmul.f32 v38, v5;
	v37 =	vmul.f32 v34, v6;
	v28 =	vadd.f32 v44, v36;
	v44 =	vld [tilespmem:s2+$0xF2B0];
	[tilespmem:s4+$0x172F0] =	vst v29  }
0x20e: {  	v41 =	vadd.f32 v41, v12;
	v34 =	vld [tilespmem:s2+$0x72C0];
	v43 =	vmul.f32 v35, v43;
	v35 =	vmul.f32 v30, v7  }
0x20f: {  	v36 =	vmul.f32 v31, v8;
	v48 =	vadd.f32 $0.0e+00, v28;
	v29 =	vadd.f32 v46, v42;
	v42 =	vld [tilespmem:s2+$0xF2C0]  }
0x210: {  	v30 =	vadd.f32 v32, v40;
	v46 =	vld [tilespmem:s2+$0x72D0];
	v39 =	vmul.f32 v43, v39;
	[tilespmem:s4+$0x17280] =	vst v41;
	v32 =	vmul.f32 v47, v9  }
0x211: {  	v40 =	vmul.f32 v28, v28;
	v41 =	vadd.f32 v29, v48;
	v47 =	vmul.f32 v29, v29;
	v48 =	vld [tilespmem:s2+$0xF2D0]  }
0x212: {  	v31 =	vadd.f32 v44, v33;
	v44 =	vld [tilespmem:s2+$0x72E0];
	v39 =	vmul.f32 v39, v43;
	v33 =	vmul.f32 v45, v10  }
0x213: {  	v45 =	vadd.f32 v47, v40;
	v41 =	vadd.f32 v30, v41;
	v47 =	vmul.f32 v30, v30;
	v49 =	vld [tilespmem:s2+$0xF2E0]  }
0x214: {  	v40 =	vadd.f32 v42, v34;
	v34 =	vld [tilespmem:s2+$0x72F0];
	v39 =	vsub.f32 $1.500000000e+00, v39  }
0x215: {  	v42 =	vadd.f32 v47, v45;
	v45 =	vadd.f32 v31, v41;
	v47 =	vmul.f32 v31, v31;
	v50 =	vld [tilespmem:s2+$0xF2F0]  }
0x216: {  	v38 =	vadd.f32 v38, v13;
	v51 =	vld [tilespmem:s2+$0x7200];
	v41 =	vadd.f32 v48, v46;
	v43 =	vmul.f32 v39, v43  }
0x217: {  	v46 =	vld [tilespmem:s2+$0xF200];
	v39 =	vadd.f32 v47, v42;
	v45 =	vadd.f32 v40, v45;
	v47 =	vmul.f32 v40, v40  }
0x218: {  	v48 =	vld [tilespmem:s2+$0x7210];
	v42 =	vadd.f32 v49, v44;
	v26 =	vmul.f32 v43, v26;
	v27 =	vmul.f32 v43, v27;
	[tilespmem:s4+$0x17290] =	vst v38  }
0x219: {  	v38 =	vld [tilespmem:s2+$0xF210];
	v44 =	vadd.f32 v47, v39;
	v45 =	vadd.f32 v41, v45;
	v47 =	vmul.f32 v41, v41  }
0x21a: {  	v25 =	vmul.f32 v43, v25;
	v49 =	vld [tilespmem:s2+$0x7220];
	v39 =	vadd.f32 v50, v34;
	v34 =	vmul.f32 v43, v24  }
0x21b: {  	v50 =	vld [tilespmem:s2+$0xF220];
	v44 =	vadd.f32 v47, v44;
	v45 =	vadd.f32 v42, v45;
	v47 =	vmul.f32 v42, v42  }
0x21c: {  	v52 =	vmul.f32 v43, v23;
	v24 =	vadd.f32 v46, v51;
	v46 =	vld [tilespmem:s2+$0x7230];
	v51 =	vmul.f32 v43, v22  }
0x21d: {  	v23 =	vld [tilespmem:s2+$0xF230];
	v44 =	vadd.f32 v47, v44;
	v45 =	vadd.f32 v39, v45;
	v47 =	vmul.f32 v39, v39  }
0x21e: {  	v53 =	vadd.f32 $0.0e+00, v24;
	v54 =	vmul.f32 v24, v24;
	v22 =	vadd.f32 v38, v48;
	v38 =	vld [tilespmem:s2+$0x7240]  }
0x21f: {  	v55 =	vmul.f32 v43, v21;
	v48 =	vld [tilespmem:s2+$0xF240];
	v44 =	vadd.f32 v47, v44;
	v47 =	vperm.xlane v45, v0  }
0x220: {  	v53 =	vadd.f32 v22, v53;
	v56 =	vmul.f32 v22, v22;
	v21 =	vadd.f32 v50, v49;
	v49 =	vld [tilespmem:s2+$0x7250]  }
0x221: {  	v43 =	vmul.f32 v43, v20;
	v50 =	vld [tilespmem:s2+$0xF250];
	v45 =	vadd.f32 v45, v47;
	v47 =	vperm.xlane v44, v0  }
0x222: {  	v54 =	vadd.f32 v56, v54;
	v53 =	vadd.f32 v21, v53;
	v56 =	vmul.f32 v21, v21;
	v57 =	vld [tilespmem:s2+$0x7260]  }
0x223: {  	v20 =	vadd.f32 v23, v46;
	v46 =	vld [tilespmem:s2+$0xF260];
	v58 =	vperm.xlane v45, v1;
	v44 =	vadd.f32 v47, v44  }
0x224: {  	v26 =	vmul.f32 v26, v4;
	v47 =	vadd.f32 v56, v54;
	v23 =	vadd.f32 v48, v38;
	v38 =	vld [tilespmem:s2+$0x7270]  }
0x225: {  	v48 =	vadd.f32 v20, v53;
	v53 =	vld [tilespmem:s2+$0xF270];
	v45 =	vadd.f32 v45, v58;
	v54 =	vperm.xlane v44, v1  }
0x226: {  	v56 =	vmul.f32 v20, v20;
	v58 =	vmul.f32 v23, v23;
	v49 =	vadd.f32 v50, v49  }
0x227: {  	v48 =	vadd.f32 v23, v48;
	v50 =	vperm.xlane v45, v2;
	v44 =	vadd.f32 v54, v44  }
0x228: {  	v47 =	vadd.f32 v56, v47;
	v54 =	vmul.f32 v49, v49;
	v46 =	vadd.f32 v46, v57  }
0x229: {  	v48 =	vadd.f32 v49, v48;
	v45 =	vadd.f32 v45, v50;
	v50 =	vperm.xlane v44, v2  }
0x22a: {  	v47 =	vadd.f32 v58, v47;
	v56 =	vmul.f32 v46, v46;
	v53 =	vadd.f32 v53, v38  }
0x22b: {  	v38 =	vadd.f32 v46, v48;
	v48 =	vperm.xlane v45, v3;
	v44 =	vadd.f32 v50, v44  }
0x22c: {  	v27 =	vmul.f32 v27, v5;
	v47 =	vadd.f32 v54, v47;
	v50 =	vmul.f32 v53, v53  }
0x22d: {  	v38 =	vadd.f32 v53, v38;
	v45 =	vadd.f32 v45, v48;
	v48 =	vperm.xlane v44, v3  }
0x22e: {  	v25 =	vmul.f32 v25, v7;
	v54 =	vmul.f32 v34, v6;
	v47 =	vadd.f32 v56, v47  }
0x22f: {  	v34 =	vperm.xlane v38, v0;
	v45 =	vmul.f32 $7.812500000e-03, v45;
	v44 =	vadd.f32 v48, v44  }
0x230: {  	v47 =	vadd.f32 v50, v47;
	v50 =	vmul.f32 v52, v9;
	v48 =	vmul.f32 v51, v8  }
0x231: {  	v51 =	vadd.f32 v38, v34;
	v34 =	vmul.f32 $7.812500000e-03, v44;
	v44 =	vmul.f32 v45, v45  }
0x232: {  	v52 =	vperm.xlane v47, v0;
	v56 =	vsub.f32 v28, v45;
	v38 =	vsub.f32 v29, v45  }
0x233: {  	v28 =	vperm.xlane v51, v1;
	v29 =	vsub.f32 v34, v44;
	v34 =	vsub.f32 v30, v45  }
0x234: {  	v44 =	vadd.f32 v52, v47;
	v30 =	vsub.f32 v31, v45;
	v47 =	vmul.f32 v55, v10  }
0x235: {  	v43 =	vmul.f32 v43, v11;
	v51 =	vadd.f32 v51, v28;
	v28 =	vadd.f32 $9.999999960e-13, v29  }
0x236: {  	v31 =	vsub.f32 v40, v45;
	v52 =	vperm.xlane v44, v1;
	v29 =	vsub.f32 v41, v45  }
0x237: {  	v40 =	vperm.xlane v51, v2;
	v41 =	vshra.s32 v28, $0x1;
	v55 =	vmul.f32 $5.000000000e-01, v28  }
0x238: {  	v44 =	vadd.f32 v52, v44;
	v28 =	vsub.f32 v42, v45;
	v41 =	vsub.s32 $0x5F3759DF, v41  }
0x239: {  	v26 =	vadd.f32 v26, v12;
	v40 =	vadd.f32 v51, v40;
	v42 =	vmul.f32 v41, v55  }
0x23a: {  	v27 =	vadd.f32 v27, v13;
	v52 =	vadd.f32 v54, v14;
	v51 =	vperm.xlane v44, v2  }
0x23b: {  	v25 =	vadd.f32 v25, v15;
	v54 =	vperm.xlane v40, v3;
	v42 =	vmul.f32 v41, v42;
	[tilespmem:s4+$0x17200] =	vst v26  }
0x23c: {  	v26 =	vadd.f32 v51, v44;
	[tilespmem:s4+$0x17210] =	vst v27;
	v27 =	vadd.f32 v48, v16  }
0x23d: {  	v40 =	vadd.f32 v40, v54;
	v42 =	vsub.f32 $1.500000000e+00, v42;
	[tilespmem:s4+$0x17220] =	vst v52  }
0x23e: {  	v47 =	vadd.f32 v47, v18;
	v44 =	vperm.xlane v26, v3;
	[tilespmem:s4+$0x17230] =	vst v25;
	v25 =	vadd.f32 v50, v17  }
0x23f: {  	v40 =	vmul.f32 $7.812500000e-03, v40;
	v41 =	vmul.f32 v41, v42;
	[tilespmem:s4+$0x17240] =	vst v27;
	v42 =	vadd.f32 v43, v19  }
0x240: {  	v37 =	vadd.f32 v37, v14;
	v27 =	vadd.f32 v44, v26;
	[tilespmem:s4+$0x17250] =	vst v25  }
0x241: {  	v43 =	vmul.f32 v40, v40;
	v26 =	vsub.f32 v24, v40;
	v44 =	vmul.f32 v41, v55;
	[tilespmem:s4+$0x17260] =	vst v47  }
0x242: {  	v24 =	vsub.f32 v21, v40;
	v47 =	vmul.f32 $7.812500000e-03, v27;
	v27 =	vsub.f32 v22, v40;
	[tilespmem:s4+$0x17270] =	vst v42  }
0x243: {  	v25 =	vsub.f32 v20, v40;
	v22 =	vsub.f32 v23, v40;
	v20 =	vmul.f32 v44, v41;
	[tilespmem:s4+$0x172A0] =	vst v37  }
0x244: {  	v23 =	vsub.f32 v49, v40;
	v37 =	vsub.f32 v47, v43  }
.Ltmp1:
0x245: {  	v21 =	vsub.f32 v46, v40;
	v42 =	vsub.f32 $1.500000000e+00, v20;
	(pc) =	sbr.rel @p0 .LBB2_5-.Ltmp1, $4  }
0x246: {  	v43 =	vadd.f32 $9.999999960e-13, v37;
	v20 =	vsub.f32 v53, v40  }
0x247: {  	s15 =	sshra.s32 s16, $0x2;
	v44 =	vsub.f32 v39, v45;
	v45 =	vadd.f32 v35, v15;
	v37 =	vmul.f32 v42, v41  }
0x248: {  	v35 =	vshra.s32 v43, $0x1;
	v39 =	vmul.f32 $5.000000000e-01, v43;
	v42 =	vadd.f32 v36, v16;
	v40 =	vld [tilespmem:s15+$0x72A0]  }
0x249: {  	s16 =	sadd.s32 $0x400, s16;
	v35 =	vsub.s32 $0x5F3759DF, v35;
	v36 =	vld [tilespmem:s15+$0x7280];
	v41 =	vmul.f32 v37, v56;
	v43 =	vmul.f32 v37, v44;
	[tilespmem:s4+$0x172B0] =	vst v45  }
0x24a: {  	v44 =	vld [tilespmem:s15+$0xF280];
	[tilespmem:s4+$0x172C0] =	vst v42;
	v32 =	vadd.f32 v32, v17  }
0x24b: {  	v33 =	vadd.f32 v33, v18;
	v42 =	vld [tilespmem:s15+$0x7290];
	v55 =	vmul.f32 v43, v11  }
0x24c: {  	v45 =	vld [tilespmem:s15+$0xF290];
	[tilespmem:s4+$0x172D0] =	vst v32  }
0x24d: {  	v56 =	vld [tilespmem:s15+$0xF2A0];
	[tilespmem:s4+$0x172E0] =	vst v33;
	v32 =	vadd.f32 v55, v19  }
0x24e: {  	v57 =	vmul.f32 v41, v4;
	v46 =	vld [tilespmem:s15+$0x72B0]  }
0x24f: {  	v47 =	vld [tilespmem:s15+$0xF2B0];
	[tilespmem:s2+$0x172F0] =	vst v32  }
0x250: {  	v33 =	vadd.f32 v57, v12;
	v32 =	vld [tilespmem:s15+$0x72C0]  }
0x251: {  	v41 =	vld [tilespmem:s15+$0xF2C0]  }
0x252: {  	v48 =	vld [tilespmem:s15+$0x72D0];
	[tilespmem:s2+$0x17280] =	vst v33  }
0x253: {  	v49 =	vld [tilespmem:s15+$0xF2D0]  }
0x254: {  	v58 =	vmul.f32 v37, v38;
	v50 =	vld [tilespmem:s15+$0x72E0]  }
0x255: {  	v51 =	vld [tilespmem:s15+$0xF2E0]  }
0x256: {  	v59 =	vmul.f32 v58, v5;
	v52 =	vld [tilespmem:s15+$0x72F0]  }
0x257: {  	v38 =	vadd.f32 v44, v36;
	v36 =	vadd.f32 v45, v42;
	v45 =	vld [tilespmem:s15+$0xF2F0]  }
0x258: {  	v44 =	vadd.f32 v59, v13;
	v54 =	vld [tilespmem:s15+$0xF200]  }
0x259: {  	v60 =	vmul.f32 v38, v38;
	v33 =	vadd.f32 v56, v40;
	v40 =	vld [tilespmem:s15+$0x7200];
	v53 =	vmul.f32 v36, v36  }
0x25a: {  	v55 =	vadd.f32 $0.0e+00, v38;
	v56 =	vld [tilespmem:s15+$0x7210];
	[tilespmem:s2+$0x17290] =	vst v44  }
0x25b: {  	v42 =	vadd.f32 v47, v46;
	v63 =	vld [tilespmem:s15+$0xF210];
	v43 =	vadd.f32 v53, v60;
	v61 =	vmul.f32 v33, v33  }
0x25c: {  	v62 =	vadd.f32 v36, v55;
	v55 =	vld [tilespmem:s15+$0xF220]  }
0x25d: {  	v44 =	vadd.f32 v41, v32;
	v59 =	vmul.f32 v42, v42;
	v58 =	vadd.f32 v61, v43;
	v43 =	vld [tilespmem:s15+$0x7220]  }
0x25e: {  	v47 =	vadd.f32 v33, v62;
	v46 =	vadd.f32 v49, v48;
	v48 =	vld [tilespmem:s15+$0x7230]  }
0x25f: {  	v50 =	vadd.f32 v51, v50;
	v49 =	vld [tilespmem:s15+$0xF230];
	v60 =	vmul.f32 v44, v44;
	v32 =	vadd.f32 v59, v58  }
0x260: {  	v40 =	vadd.f32 v54, v40;
	v54 =	vld [tilespmem:s15+$0x7240];
	v41 =	vadd.f32 v63, v56  }
0x261: {  	v47 =	vadd.f32 v42, v47;
	v57 =	vmul.f32 v46, v46;
	v56 =	vld [tilespmem:s15+$0x7250];
	v61 =	vadd.f32 v60, v32  }
0x262: {  	v32 =	vadd.f32 v45, v52;
	v52 =	vld [tilespmem:s15+$0xF240];
	v60 =	vadd.f32 $0.0e+00, v40;
	v58 =	vmul.f32 v41, v41  }
0x263: {  	v43 =	vadd.f32 v55, v43;
	v55 =	vld [tilespmem:s15+$0xF250];
	v62 =	vadd.f32 v57, v61;
	v61 =	vmul.f32 v40, v40  }
0x264: {  	v63 =	vmul.f32 v50, v50;
	v59 =	vld [tilespmem:s15+$0x7260];
	v45 =	vadd.f32 v49, v48;
	v53 =	vadd.f32 v41, v60  }
0x265: {  	v49 =	vld [tilespmem:s15+$0xF260];
	v60 =	vadd.f32 v44, v47;
	v57 =	vadd.f32 v58, v61;
	v58 =	vmul.f32 v43, v43  }
0x266: {  	v51 =	vadd.f32 v63, v62;
	v62 =	vadd.f32 v43, v53  }
0x267: {  	v61 =	vmul.f32 v45, v45;
	v47 =	vadd.f32 v52, v54;
	v52 =	vld [tilespmem:s15+$0x7270];
	v63 =	vadd.f32 v58, v57  }
0x268: {  	v62 =	vadd.f32 v45, v62;
	v48 =	vadd.f32 v55, v56;
	v55 =	vld [tilespmem:s15+$0xF270]  }
0x269: {  	v60 =	vadd.f32 v46, v60;
	v53 =	vadd.f32 v61, v63;
	v63 =	vmul.f32 v35, v39  }
0x26a: {  	v49 =	vadd.f32 v49, v59;
	v61 =	vmul.f32 v47, v47;
	v57 =	vadd.f32 v47, v62  }
0x26b: {  	v59 =	vmul.f32 v37, v34;
	v62 =	vadd.f32 v50, v60;
	v54 =	vmul.f32 v35, v63  }
0x26c: {  	v53 =	vadd.f32 v61, v53;
	v63 =	vmul.f32 v48, v48;
	v57 =	vadd.f32 v48, v57  }
0x26d: {  	v60 =	vmul.f32 v32, v32;
	v58 =	vadd.f32 v32, v62;
	v34 =	vadd.f32 v55, v52  }
0x26e: {  	v61 =	vmul.f32 v49, v49;
	v53 =	vadd.f32 v63, v53;
	v62 =	vadd.f32 v49, v57  }
0x26f: {  	v51 =	vadd.f32 v60, v51;
	v63 =	vperm.xlane v58, v0  }
0x270: {  	v60 =	vmul.f32 v34, v34;
	v53 =	vadd.f32 v61, v53;
	v56 =	vadd.f32 v34, v62  }
0x271: {  	v30 =	vmul.f32 v37, v30;
	v52 =	vadd.f32 v58, v63;
	v61 =	vperm.xlane v51, v0  }
0x272: {  	v54 =	vsub.f32 $1.500000000e+00, v54;
	v53 =	vadd.f32 v60, v53;
	v62 =	vperm.xlane v56, v0  }
0x273: {  	v31 =	vmul.f32 v37, v31;
	v63 =	vperm.xlane v52, v1;
	v51 =	vadd.f32 v61, v51  }
0x274: {  	v35 =	vmul.f32 v35, v54;
	v55 =	vadd.f32 v56, v62;
	v60 =	vperm.xlane v53, v0  }
0x275: {  	v29 =	vmul.f32 v37, v29;
	v52 =	vadd.f32 v52, v63;
	v62 =	vperm.xlane v51, v1  }
0x276: {  	v61 =	vmul.f32 v35, v39;
	v63 =	vperm.xlane v55, v1;
	v53 =	vadd.f32 v60, v53  }
0x277: {  	v28 =	vmul.f32 v37, v28;
	v60 =	vperm.xlane v52, v2;
	v51 =	vadd.f32 v62, v51  }
0x278: {  	v39 =	vmul.f32 v61, v35;
	v37 =	vadd.f32 v55, v63;
	v61 =	vperm.xlane v53, v1  }
0x279: {  	v52 =	vadd.f32 v52, v60;
	v62 =	vperm.xlane v51, v2  }
0x27a: {  	v54 =	vmul.f32 v59, v6;
	v63 =	vperm.xlane v37, v2;
	v53 =	vadd.f32 v61, v53  }
0x27b: {  	v39 =	vsub.f32 $1.500000000e+00, v39;
	v59 =	vperm.xlane v52, v3;
	v51 =	vadd.f32 v62, v51  }
0x27c: {  	v30 =	vmul.f32 v30, v7;
	v37 =	vadd.f32 v37, v63;
	v55 =	vperm.xlane v53, v2  }
0x27d: {  	v35 =	vmul.f32 v39, v35;
	v39 =	vadd.f32 v52, v59;
	v60 =	vperm.xlane v51, v3  }
0x27e: {  	v29 =	vmul.f32 v29, v9;
	v61 =	vperm.xlane v37, v3;
	v53 =	vadd.f32 v55, v53  }
0x27f: {  	v26 =	vmul.f32 v35, v26;
	v39 =	vmul.f32 $7.812500000e-03, v39;
	v51 =	vadd.f32 v60, v51  }
0x280: {  	v27 =	vmul.f32 v35, v27;
	v37 =	vadd.f32 v37, v61;
	v62 =	vperm.xlane v53, v3  }
0x281: {  	v30 =	vadd.f32 v30, v15;
	v51 =	vmul.f32 $7.812500000e-03, v51;
	v63 =	vmul.f32 v39, v39  }
0x282: {  	v24 =	vmul.f32 v35, v24;
	v37 =	vmul.f32 $7.812500000e-03, v37;
	v52 =	vadd.f32 v62, v53  }
0x283: {  	v25 =	vmul.f32 v35, v25;
	v22 =	vmul.f32 v35, v22;
	v51 =	vsub.f32 v51, v63  }
0x284: {  	v29 =	vadd.f32 v29, v17;
	v56 =	vmul.f32 v37, v37;
	v52 =	vmul.f32 $7.812500000e-03, v52  }
0x285: {  	v23 =	vmul.f32 v35, v23;
	v21 =	vmul.f32 v35, v21;
	v57 =	vadd.f32 $9.999999960e-13, v51  }
0x286: {  	v20 =	vmul.f32 v35, v20;
	v26 =	vmul.f32 v26, v4;
	v58 =	vsub.f32 v52, v56  }
0x287: {  	v27 =	vmul.f32 v27, v5;
	v59 =	vshra.s32 v57, $0x1;
	v35 =	vmul.f32 $5.000000000e-01, v57  }
0x288: {  	v24 =	vmul.f32 v24, v6;
	v52 =	vsub.s32 $0x5F3759DF, v59;
	v51 =	vadd.f32 $9.999999960e-13, v58  }
0x289: {  	v54 =	vadd.f32 v54, v14;
	v25 =	vmul.f32 v25, v7;
	v60 =	vmul.f32 v52, v35  }
0x28a: {  	v22 =	vmul.f32 v22, v8;
	v61 =	vshra.s32 v51, $0x1;
	v51 =	vmul.f32 $5.000000000e-01, v51  }
0x28b: {  	v23 =	vmul.f32 v23, v9;
	v53 =	vmul.f32 v52, v60;
	v55 =	vsub.s32 $0x5F3759DF, v61  }
0x28c: {  	v21 =	vmul.f32 v21, v10;
	v26 =	vadd.f32 v26, v12;
	v62 =	vmul.f32 v55, v51  }
0x28d: {  	v20 =	vmul.f32 v20, v11;
	v27 =	vadd.f32 v27, v13;
	v53 =	vsub.f32 $1.500000000e+00, v53  }
0x28e: {  	v24 =	vadd.f32 v24, v14;
	v25 =	vadd.f32 v25, v15;
	v56 =	vmul.f32 v55, v62  }
0x28f: {  	v22 =	vadd.f32 v22, v16;
	v23 =	vadd.f32 v23, v17;
	v52 =	vmul.f32 v52, v53  }
0x290: {  	v21 =	vadd.f32 v21, v18;
	v63 =	vsub.f32 $1.500000000e+00, v56  }
0x291: {  	v20 =	vadd.f32 v20, v19;
	v38 =	vsub.f32 v38, v39;
	v35 =	vmul.f32 v52, v35  }
0x292: {  	[tilespmem:s2+$0x172B0] =	vst v30;
	v36 =	vsub.f32 v36, v39;
	v33 =	vsub.f32 v33, v39;
	v53 =	vmul.f32 v55, v63  }
0x293: {  	[tilespmem:s2+$0x172D0] =	vst v29;
	v42 =	vsub.f32 v42, v39;
	v44 =	vsub.f32 v44, v39;
	v35 =	vmul.f32 v35, v52  }
0x294: {  	[tilespmem:s2+$0x172A0] =	vst v54;
	v46 =	vsub.f32 v46, v39;
	v50 =	vsub.f32 v50, v39;
	v57 =	vmul.f32 v53, v51  }
0x295: {  	v31 =	vmul.f32 v31, v8;
	[tilespmem:s2+$0x17200] =	vst v26;
	v32 =	vsub.f32 v32, v39;
	v35 =	vsub.f32 $1.500000000e+00, v35  }
0x296: {  	[tilespmem:s2+$0x17270] =	vst v20;
	v20 =	vsub.f32 v34, v37;
	v56 =	vsub.f32 v41, v37;
	v41 =	vmul.f32 v57, v53  }
0x297: {  	[tilespmem:s2+$0x17210] =	vst v27;
	v59 =	vsub.f32 v45, v37;
	v58 =	vsub.f32 v43, v37;
	v35 =	vmul.f32 v35, v52  }
0x298: {  	v28 =	vmul.f32 v28, v10;
	[tilespmem:s2+$0x17220] =	vst v24;
	v60 =	vsub.f32 v47, v37;
	v63 =	vsub.f32 $1.500000000e+00, v41  }
0x299: {  	[tilespmem:s2+$0x17230] =	vst v25;
	v61 =	vsub.f32 v48, v37;
	v62 =	vsub.f32 v49, v37;
	v32 =	vmul.f32 v35, v32  }
0x29a: {  	[tilespmem:s2+$0x17240] =	vst v22;
	v55 =	vsub.f32 v40, v37;
	v38 =	vmul.f32 v35, v38;
	v26 =	vmul.f32 v63, v53  }
0x29b: {  	[tilespmem:s2+$0x17250] =	vst v23;
	v37 =	vadd.f32 v31, v16;
	v39 =	vmul.f32 v35, v36;
	v32 =	vmul.f32 v32, v11  }
0x29c: {  	[tilespmem:s2+$0x17260] =	vst v21;
	v41 =	vadd.f32 v28, v18;
	v45 =	vmul.f32 v38, v4;
	v24 =	vmul.f32 v26, v55  }
0x29d: {  	[tilespmem:s2+$0x172C0] =	vst v37;
	v30 =	vmul.f32 v39, v5;
	v47 =	vadd.f32 v32, v19;
	v48 =	vmul.f32 v26, v56  }
0x29e: {  	[tilespmem:s2+$0x172E0] =	vst v41;
	v49 =	vadd.f32 v45, v12;
	v25 =	vmul.f32 v26, v58;
	v24 =	vmul.f32 v24, v4  }
0x29f: {  	v51 =	vadd.f32 v30, v13;
	v22 =	vmul.f32 v26, v59;
	[tilespmem:s15+$0x172F0] =	vst v47;
	v52 =	vmul.f32 v48, v5  }
0x2a0: {  	v53 =	vmul.f32 v26, v60;
	[tilespmem:s15+$0x17280] =	vst v49;
	v25 =	vmul.f32 v25, v6;
	v24 =	vadd.f32 v24, v12  }
0x2a1: {  	v23 =	vmul.f32 v26, v61;
	[tilespmem:s15+$0x17290] =	vst v51;
	v22 =	vmul.f32 v22, v7;
	v54 =	vadd.f32 v52, v13  }
0x2a2: {  	v21 =	vmul.f32 v26, v62;
	v27 =	vmul.f32 v53, v8;
	v25 =	vadd.f32 v25, v14;
	[tilespmem:s15+$0x17200] =	vst v24  }
0x2a3: {  	v20 =	vmul.f32 v26, v20;
	v23 =	vmul.f32 v23, v9;
	v22 =	vadd.f32 v22, v15;
	[tilespmem:s15+$0x17210] =	vst v54  }
0x2a4: {  	v59 =	vmul.f32 v35, v44;
	v21 =	vmul.f32 v21, v10;
	v56 =	vadd.f32 v27, v16;
	[tilespmem:s15+$0x17220] =	vst v25  }
0x2a5: {  	v55 =	vmul.f32 v35, v33;
	v20 =	vmul.f32 v20, v11;
	v58 =	vadd.f32 v23, v17;
	[tilespmem:s15+$0x17230] =	vst v22  }
0x2a6: {  	v57 =	vmul.f32 v35, v42;
	v21 =	vadd.f32 v21, v18;
	v23 =	vmul.f32 v59, v8;
	[tilespmem:s15+$0x17240] =	vst v56  }
0x2a7: {  	v61 =	vmul.f32 v35, v50;
	v20 =	vadd.f32 v20, v19;
	v24 =	vmul.f32 v55, v6;
	[tilespmem:s15+$0x17250] =	vst v58  }
0x2a8: {  	v60 =	vmul.f32 v35, v46;
	v25 =	vmul.f32 v57, v7;
	[tilespmem:s15+$0x17260] =	vst v21;
	v23 =	vadd.f32 v23, v16  }
0x2a9: {  	[tilespmem:s15+$0x17270] =	vst v20;
	v22 =	vmul.f32 v61, v10;
	v24 =	vadd.f32 v24, v14  }
0x2aa: {  	p0 =	sne.s32 s0, $0x19;
	v62 =	vmul.f32 v60, v9;
	v20 =	vadd.f32 v25, v15;
	[tilespmem:s15+$0x172C0] =	vst v23  }
.Ltmp2:
0x2ab: {  	v63 =	vadd.f32 v22, v18;
	[tilespmem:s15+$0x172A0] =	vst v24;
	(pc) =	sbr.rel @p0 .LBB2_2-.Ltmp2, $4  }
0x2ac: {  	s18 =	sadd.s32 s7, s3;
	[tilespmem:s15+$0x172B0] =	vst v20;
	v20 =	vadd.f32 v62, v17  }
0x2ad: {  	s2 =	sshll.u32 s18, $0x4;
	[tilespmem:s15+$0x172E0] =	vst v63  }
0x2ae: {  	s2 =	sadd.s32 s5, s2;
	[tilespmem:s15+$0x172D0] =	vst v20  }
0x2af: {  	[hbm4b:s2+s6] =	stream.linear.scatter [tilespmem:s28], [sflag:$0x6], $0x4000, $0x38;
	[tilespmem:$0x1B300] =	vst v63  }
0x2b0: {  	s31 =	sadd.s32 $0x1, s31  }
0x2b1: {  	_ =	swait.ge [sflag:s29], $0x4000;
	p0 =	sne.s32 s31, s12  }
.Ltmp3:
0x2b2: {  	[sflag:s29] =	ssyncset.done $0x0;
	(pc) =	sbr.rel @p0 .LBB2_1-.Ltmp3, $4  }
0x2b3: {  	[sflag:s29] =	ssyncadd.s32 $0xFFFFC000  }
0x2b4: {  	_ =	swait.ge [sflag:s30], $0x4000  }
0x2b5: {  	[sflag:s30] =	ssyncset.done $0x0  }
0x2b6: {  	[sflag:s30] =	ssyncadd.s32 $0xFFFFC000  }
0x2b7: {  	_ =	sfence.sel $0x180000  }
0x2b8: {  	[bflag:$0x0] =	sbarrier.arrive $0xFFFF  }
0x2b9: {  	_ =	strace $0x90000047  }
0x2ba: {  	s0 =	stileid.u32;
	[bflag:$0x2] =	sbarrier.arrive $0xFFFF  }
0x2bb: {  	p0 =	sne.s32 s0, $0x0;
	s0 =	rddreg [dreg:$0x5]  }
0x2bc: {  	s0 =	sadd.s32 @!p0 $0x100000, s0  }
0x2bd: {  	[sflag:s0] =	ssyncadd.tile.s32 @!p0 $0x1;
	_ =	shalt  }
.Lfunc_end2:
_tile_overlayer_lowered:
.L_overlay_start_2:
0x2be: {  	(tag) =	ssettag $0x2  }
0x2bf: {  	s0 =	rddreg [dreg:$0x0];
	s2 =	stileid.u32  }
0x2c0: {  	s1 =	rddreg [dreg:$0x1];
	p0 =	sne.s32 s2, $0x0  }
0x2c1: {  	s3 =	rddreg [dreg:$0x2];
	[bflag:$0x3] =	sbarrier.arrive $0xFFFF;
	s2 =	simm.s32 @!p0 $0x1C07  }
0x2c2: {  	[timem:s3], [sflag:s2] =	dma.local @!p0 [hbm:s0], s1  }
0x2c3: {  	s0 =	simm.s32 @!p0 $0x7  }
0x2c4: {  	_ =	swait.ge @!p0 [sflag:s0], s1  }
0x2c5: {  	s1 =	ssub.s32 @!p0 $0x0, s1;
	[sflag:s0] =	ssyncset.done @!p0 $0x0  }
0x2c6: {  	[sflag:s0] =	ssyncadd.s32 @!p0 s1  }
0x2c7: {  	[bflag:$0x3] =	sbarrier.arrive $0xFFFF  }
0x2c8: {  	_ =	shalt  }

</sc_bundles>
